<compile_context>
chip_gen: v7x
topology: tpu7x:2x2x1
jax: 0.10.2.dev20260603
libtpu: 0.0.44.dev20260713+nightly
codegen_flags: <defaults>
</compile_context>

<pallas_src>
import functools

import jax
import jax.numpy as jnp
from jax import lax
from jax.experimental import pallas as pl
from jax.experimental.pallas import tpu as pltpu
from jax.experimental.pallas import tpu_sc as plsc

_NC = 2
_NS = 16
_L = 16
_NW = _NC * _NS
_NBUF = 8
_LA = 6


@functools.lru_cache(maxsize=None)
def _make_pack(V, E):
    C = 2048
    NBLK = -(-V // C)

    def body(a_ref, o_ref):
        a = a_ref[...]
        o_ref[:, :E] = jnp.swapaxes(a[:, : C // 2], 0, 1)
        o_ref[:, E:] = jnp.swapaxes(a[:, C // 2:], 0, 1)

    return pl.pallas_call(
        body,
        grid=(NBLK,),
        in_specs=[pl.BlockSpec((E, C), lambda i: (0, i))],
        out_specs=pl.BlockSpec((C // 2, 2 * E), lambda i: (i, 0)),
        out_shape=jax.ShapeDtypeStruct((NBLK * (C // 2), 2 * E), jnp.float32),
    )


@functools.lru_cache(maxsize=None)
def _make_pool(S, B, V, E):
    NB = B // _NW
    mesh = plsc.VectorSubcoreMesh(core_axis_name="c", subcore_axis_name="s")

    def body(x_hbm, table_hbm, out_hbm, idx_v, idxb_v, rows_v, acc_sh, sem_g, sem_s):
        cid = lax.axis_index("c")
        sid = lax.axis_index("s")
        wid = sid * _NC + cid
        base = wid * NB
        sbase = sid * NB

        pltpu.sync_copy(x_hbm.at[:, pl.ds(base, NB)], idx_v)

        def remap(s, carry):
            for j in range(NB // _L):
                sl = pl.ds(j * _L, _L)
                v = idx_v[s, sl]
                u = (
                    lax.shift_left(lax.shift_right_logical(v, 11), 11)
                    + lax.shift_left(v & 1023, 1)
                    + (lax.shift_right_logical(v, 10) & 1)
                )
                idx_v[s, sl] = u
            return carry

        lax.fori_loop(0, S, remap, 0)

        for j in range(NB // _L):
            idxb_v[pl.ds(j * _L, _L)] = sbase + j * _L + lax.iota(jnp.int32, _L)

        zero = jnp.zeros((_L,), jnp.float32)

        def zrow(r, carry):
            for j in range(E // _L):
                rows_v[0, r, pl.ds(j * _L, _L)] = zero
            return carry

        lax.fori_loop(0, NB, zrow, 0)
        pltpu.sync_copy(rows_v.at[0], acc_sh.at[pl.ds(sbase, NB)])

        def issue_gather(s, b):
            pltpu.async_copy(table_hbm.at[idx_v.at[s]], rows_v.at[b], sem_g)

        def wait_gather(b):
            pltpu.make_async_copy(
                table_hbm.at[idx_v.at[0]], rows_v.at[b], sem_g
            ).wait()

        def issue_scatter(b):
            pltpu.async_copy(rows_v.at[b], acc_sh.at[idxb_v], sem_s, add=True)

        def drain_scatter():
            pltpu.make_async_copy(rows_v.at[0], acc_sh.at[idxb_v], sem_s).wait()

        for s in range(_LA):
            issue_gather(s, s % _NBUF)

        for s in range(_NBUF):
            wait_gather(s % _NBUF)
            issue_scatter(s % _NBUF)
            if s >= 2:
                drain_scatter()
            issue_gather(s + _LA, (s + _LA) % _NBUF)

        def loop_body(g, carry):
            s0 = _NBUF * g
            for j in range(_NBUF):
                wait_gather(j)
                issue_scatter(j)
                drain_scatter()
                issue_gather(s0 + j + _LA, (j + _LA) % _NBUF)
            return carry

        GHI = (S - 2 * _NBUF) // _NBUF + 1
        lax.fori_loop(1, GHI, loop_body, 0)

        for s in range(_NBUF * GHI, S):
            b = s % _NBUF
            wait_gather(b)
            issue_scatter(b)
            drain_scatter()
            if s + _LA < S:
                issue_gather(s + _LA, (s + _LA) % _NBUF)
        drain_scatter()
        drain_scatter()

        pltpu.sync_copy(acc_sh.at[pl.ds(sbase, NB)], out_hbm.at[pl.ds(base, NB)])

    return pl.kernel(
        body,
        out_type=jax.ShapeDtypeStruct((B, E), jnp.float32),
        mesh=mesh,
        scratch_types=[
            pltpu.VMEM((S, NB), jnp.int32),
            pltpu.VMEM((NB,), jnp.int32),
            pltpu.VMEM((_NBUF, NB, E), jnp.float32),
            pltpu.VMEM_SHARED((_NS * NB, E), jnp.float32),
            pltpu.SemaphoreType.DMA,
            pltpu.SemaphoreType.DMA,
        ],
        compiler_params=pltpu.CompilerParams(use_tc_tiling_on_sc=False),
    )


@functools.lru_cache(maxsize=None)
def _make_mlp(B, E, H, C):
    def body(p_ref, w1_ref, b1_ref, w2_ref, b2_ref, o_ref):
        h = jnp.dot(p_ref[...], w1_ref[...], preferred_element_type=jnp.float32)
        h = jnp.maximum(h + b1_ref[...], 0.0)
        logits = jnp.dot(h, w2_ref[...], preferred_element_type=jnp.float32)
        logits = logits + b2_ref[...]
        m = jnp.max(logits, axis=1, keepdims=True)
        e = jnp.exp(logits - m)
        o_ref[...] = e / jnp.sum(e, axis=1, keepdims=True)

    return pl.pallas_call(
        body,
        out_shape=jax.ShapeDtypeStruct((B, C), jnp.float32),
    )


def kernel(x, table, W1, b1, W2, b2):
    S, B = x.shape
    V, E = table.shape
    H = W1.shape[1]
    C = W2.shape[1]
    tT = jnp.swapaxes(table, 0, 1)
    t2 = _make_pack(V, E)(tT)
    VP = t2.shape[0] * 2
    t3 = t2.reshape(VP, E)
    pooled = _make_pool(S, B, VP, E)(x, t3)
    return _make_mlp(B, E, H, C)(
        pooled, W1 * (1.0 / S), b1.reshape(1, H), W2, b2.reshape(1, C)
    )

# --- scband reference (transcript-rebuilt; emitter-appended) ---
"""Pipeline reference for scband-simple-text-classifier-38431367365436 (READ-ONLY COPY).

The authoritative reference and input builder live on the scoring server;
editing this copy changes nothing except your own understanding.
"""

import jax, jax.numpy as jnp
import numpy as np

VOCAB = 1000000
EMBED = 64
HIDDEN = 128
NUM_CLASSES = 10
SEQ = 200
BATCH = 4096

def setup_inputs(seed: int = 0) -> dict:
    key = jax.random.key(seed)
    k1, k2, k3, k4, k5, k6 = jax.random.split(key, 6)
    x = jax.random.randint(k1, (SEQ, BATCH), 0, VOCAB, dtype=jnp.int64 if jax.config.jax_enable_x64 else jnp.int32).astype(jnp.int32)
    table = jax.random.normal(k2, (VOCAB, EMBED), dtype=jnp.float32)
    bound1 = 1.0 / np.sqrt(EMBED)
    W1 = jax.random.uniform(k3, (EMBED, HIDDEN), minval=-bound1, maxval=bound1, dtype=jnp.float32)
    b1 = jax.random.uniform(k4, (HIDDEN,), minval=-bound1, maxval=bound1, dtype=jnp.float32)
    bound2 = 1.0 / np.sqrt(HIDDEN)
    W2 = jax.random.uniform(k5, (HIDDEN, NUM_CLASSES), minval=-bound2, maxval=bound2, dtype=jnp.float32)
    b2 = jax.random.uniform(k6, (NUM_CLASSES,), minval=-bound2, maxval=bound2, dtype=jnp.float32)
    return {"x": x, "table": table, "W1": W1, "b1": b1, "W2": W2, "b2": b2}

def reference(x, table, W1, b1, W2, b2):
    xt = x.T  # [B, L]
    emb = jnp.take(table, xt, axis=0)  # [B, L, E]
    h = jnp.mean(emb, axis=1)  # [B, E]
    h = jax.nn.relu(h @ W1 + b1)  # [B, H]
    logits = h @ W2 + b2  # [B, C]
    return jax.nn.softmax(logits, axis=1)

if __name__ == "__main__":
    import jax
    _d = setup_inputs()
    print(jax.jit(kernel)(*tuple(_d.values())))

</pallas_src>

<mosaic_0001>
#map = affine_map<(d0, d1) -> (0, 0)>
module attributes {stable_mosaic.version = 14 : i64} {
  func.func @body(%arg0: i32, %arg1: i32, %arg2: memref<200x4096xi32, #tpu.memory_space<hbm>>, %arg3: memref<1001472x64xf32, #tpu.memory_space<hbm>>, %arg4: memref<4096x64xf32, #tpu.memory_space<hbm>>, %arg5: memref<200x128xi32, #tpu.memory_space<vmem>>, %arg6: memref<128xi32, #tpu.memory_space<vmem>>, %arg7: memref<8x128x64xf32, #tpu.memory_space<vmem>>, %arg8: memref<2048x64xf32, #tpu.memory_space<vmem_shared>>, %arg9: memref<!tpu.dma_semaphore, #tpu.memory_space<semaphore_mem>>, %arg10: memref<!tpu.dma_semaphore, #tpu.memory_space<semaphore_mem>>) attributes {dimension_semantics = [#tpu.dimension_semantics<core_parallel>, #tpu.dimension_semantics<subcore_parallel>], iteration_bounds = array<i64: 2, 16>, scalar_prefetch = 0 : i64, scratch_operands = 6 : i64, tpu.core_type = #tpu.core_type<sc_vector_subcore>, window_params = [{transform_indices = #map}, {transform_indices = #map}, {transform_indices = #map}]} {
    %mul3A = arith.constant 2 : i32
    %mul3A_0 = arith.muli %arg1, %mul3A : i32
    %add3A = arith.addi %mul3A_0, %arg0 : i32
    %mul3A_1 = arith.constant 128 : i32
    %mul3A_2 = arith.muli %add3A, %mul3A_1 : i32
    %mul3A_3 = arith.constant 128 : i32
    %mul3A_4 = arith.muli %arg1, %mul3A_3 : i32
    "tpu.region"() ({
      %run_scoped3A_731 = tpu.sem_alloc : memref<!tpu.dma_semaphore, #tpu.memory_space<semaphore_mem>>
      %dma_start3A_732 = arith.constant 0 : i32
      %dma_start3A_733 = tpu.memref_slice %arg2[%dma_start3A_732, %mul3A_2] : memref<200x4096xi32, #tpu.memory_space<hbm>> -> memref<200x128xi32, #tpu.memory_space<hbm>>
      %dma_start3A_734 = arith.constant 0 : i32
      %dma_start3A_735 = tpu.memref_slice %arg2[%dma_start3A_734, %mul3A_2] : memref<200x4096xi32, #tpu.memory_space<hbm>> -> memref<200x128xi32, #tpu.memory_space<hbm>>
      tpu.enqueue_dma source(%dma_start3A_735 : memref<200x128xi32, #tpu.memory_space<hbm>>) target(%arg5 : memref<200x128xi32, #tpu.memory_space<vmem>>) target_semaphore(%run_scoped3A_731 : memref<!tpu.dma_semaphore, #tpu.memory_space<semaphore_mem>>)
      %dma_wait3A_736 = arith.constant 0 : i32
      %dma_wait3A_737 = tpu.memref_slice %arg2[%dma_wait3A_736, %mul3A_2] : memref<200x4096xi32, #tpu.memory_space<hbm>> -> memref<200x128xi32, #tpu.memory_space<hbm>>
      %dma_wait3A_738 = arith.constant 0 : i32
      %dma_wait3A_739 = tpu.memref_slice %arg2[%dma_wait3A_738, %mul3A_2] : memref<200x4096xi32, #tpu.memory_space<hbm>> -> memref<200x128xi32, #tpu.memory_space<hbm>>
      tpu.wait_dma2 semaphore(%run_scoped3A_731 : memref<!tpu.dma_semaphore, #tpu.memory_space<semaphore_mem>>) src(%dma_wait3A_739 : memref<200x128xi32, #tpu.memory_space<hbm>>) dst(%arg5 : memref<200x128xi32, #tpu.memory_space<vmem>>)
      tpu.yield
    }) : () -> ()
    %scan3A = arith.constant 0 : i32
    %scan3A_5 = arith.constant 0 : i32
    %scan3A_6 = arith.constant 200 : i32
    %scan3A_7 = arith.addi %scan3A_5, %scan3A_6 : i32
    %scan3A_8 = arith.constant 1 : i32
    scf.for %scan3A_731 = %scan3A_5 to %scan3A_7 step %scan3A_8  : i32 {
      %get3A = arith.index_cast %scan3A_731 : i32 to index
      %get3A_732 = arith.constant 0 : index
      %get3A_733 = tpu.vector_load %arg5[%get3A, %get3A_732] {strides = array<i32>} : memref<200x128xi32, #tpu.memory_space<vmem>>, vector<1x16xi32>,
      %get3A_734 = vector.shape_cast %get3A_733 : vector<1x16xi32> to vector<16xi32>
      %shift_right_logical3A = arith.constant 11 : i32
      %shift_right_logical3A_735 = vector.broadcast %shift_right_logical3A : i32 to vector<16xi32>
      %shift_right_logical3A_736 = arith.shrui %get3A_734, %shift_right_logical3A_735 : vector<16xi32>
      %shift_left3A = arith.constant 11 : i32
      %shift_left3A_737 = vector.broadcast %shift_left3A : i32 to vector<16xi32>
      %shift_left3A_738 = arith.shli %shift_right_logical3A_736, %shift_left3A_737 : vector<16xi32>
      %and3A = arith.constant 1023 : i32
      %and3A_739 = vector.broadcast %and3A : i32 to vector<16xi32>
      %and3A_740 = arith.andi %get3A_734, %and3A_739 : vector<16xi32>
      %shift_left3A_741 = arith.constant 1 : i32
      %shift_left3A_742 = vector.broadcast %shift_left3A_741 : i32 to vector<16xi32>
      %shift_left3A_743 = arith.shli %and3A_740, %shift_left3A_742 : vector<16xi32>
      %add3A_744 = arith.addi %shift_left3A_738, %shift_left3A_743 : vector<16xi32>
      %shift_right_logical3A_745 = arith.constant 10 : i32
      %shift_right_logical3A_746 = vector.broadcast %shift_right_logical3A_745 : i32 to vector<16xi32>
      %shift_right_logical3A_747 = arith.shrui %get3A_734, %shift_right_logical3A_746 : vector<16xi32>
      %and3A_748 = arith.constant 1 : i32
      %and3A_749 = vector.broadcast %and3A_748 : i32 to vector<16xi32>
      %and3A_750 = arith.andi %shift_right_logical3A_747, %and3A_749 : vector<16xi32>
      %add3A_751 = arith.addi %add3A_744, %and3A_750 : vector<16xi32>
      %swap3A_752 = arith.index_cast %scan3A_731 : i32 to index
      %swap3A_753 = arith.constant 0 : index
      %swap3A_754 = tpu.vector_load %arg5[%swap3A_752, %swap3A_753] {strides = array<i32>} : memref<200x128xi32, #tpu.memory_space<vmem>>, vector<1x16xi32>,
      %swap3A_755 = vector.shape_cast %swap3A_754 : vector<1x16xi32> to vector<16xi32>
      %swap3A_756 = vector.shape_cast %add3A_751 : vector<16xi32> to vector<1x16xi32>
      tpu.vector_store %arg5[%swap3A_752, %swap3A_753], %swap3A_756 {strides = array<i32>} : memref<200x128xi32, #tpu.memory_space<vmem>>, vector<1x16xi32>,
      %get3A_757 = arith.index_cast %scan3A_731 : i32 to index
      %get3A_758 = arith.constant 16 : index
      %get3A_759 = tpu.vector_load %arg5[%get3A_757, %get3A_758] {strides = array<i32>} : memref<200x128xi32, #tpu.memory_space<vmem>>, vector<1x16xi32>,
      %get3A_760 = vector.shape_cast %get3A_759 : vector<1x16xi32> to vector<16xi32>
      %shift_right_logical3A_761 = arith.constant 11 : i32
      %shift_right_logical3A_762 = vector.broadcast %shift_right_logical3A_761 : i32 to vector<16xi32>
      %shift_right_logical3A_763 = arith.shrui %get3A_760, %shift_right_logical3A_762 : vector<16xi32>
      %shift_left3A_764 = arith.constant 11 : i32
      %shift_left3A_765 = vector.broadcast %shift_left3A_764 : i32 to vector<16xi32>
      %shift_left3A_766 = arith.shli %shift_right_logical3A_763, %shift_left3A_765 : vector<16xi32>
      %and3A_767 = arith.constant 1023 : i32
      %and3A_768 = vector.broadcast %and3A_767 : i32 to vector<16xi32>
      %and3A_769 = arith.andi %get3A_760, %and3A_768 : vector<16xi32>
      %shift_left3A_770 = arith.constant 1 : i32
      %shift_left3A_771 = vector.broadcast %shift_left3A_770 : i32 to vector<16xi32>
      %shift_left3A_772 = arith.shli %and3A_769, %shift_left3A_771 : vector<16xi32>
      %add3A_773 = arith.addi %shift_left3A_766, %shift_left3A_772 : vector<16xi32>
      %shift_right_logical3A_774 = arith.constant 10 : i32
      %shift_right_logical3A_775 = vector.broadcast %shift_right_logical3A_774 : i32 to vector<16xi32>
      %shift_right_logical3A_776 = arith.shrui %get3A_760, %shift_right_logical3A_775 : vector<16xi32>
      %and3A_777 = arith.constant 1 : i32
      %and3A_778 = vector.broadcast %and3A_777 : i32 to vector<16xi32>
      %and3A_779 = arith.andi %shift_right_logical3A_776, %and3A_778 : vector<16xi32>
      %add3A_780 = arith.addi %add3A_773, %and3A_779 : vector<16xi32>
      %swap3A_781 = arith.index_cast %scan3A_731 : i32 to index
      %swap3A_782 = arith.constant 16 : index
      %swap3A_783 = tpu.vector_load %arg5[%swap3A_781, %swap3A_782] {strides = array<i32>} : memref<200x128xi32, #tpu.memory_space<vmem>>, vector<1x16xi32>,
      %swap3A_784 = vector.shape_cast %swap3A_783 : vector<1x16xi32> to vector<16xi32>
      %swap3A_785 = vector.shape_cast %add3A_780 : vector<16xi32> to vector<1x16xi32>
      tpu.vector_store %arg5[%swap3A_781, %swap3A_782], %swap3A_785 {strides = array<i32>} : memref<200x128xi32, #tpu.memory_space<vmem>>, vector<1x16xi32>,
      %get3A_786 = arith.index_cast %scan3A_731 : i32 to index
      %get3A_787 = arith.constant 32 : index
      %get3A_788 = tpu.vector_load %arg5[%get3A_786, %get3A_787] {strides = array<i32>} : memref<200x128xi32, #tpu.memory_space<vmem>>, vector<1x16xi32>,
      %get3A_789 = vector.shape_cast %get3A_788 : vector<1x16xi32> to vector<16xi32>
      %shift_right_logical3A_790 = arith.constant 11 : i32
      %shift_right_logical3A_791 = vector.broadcast %shift_right_logical3A_790 : i32 to vector<16xi32>
      %shift_right_logical3A_792 = arith.shrui %get3A_789, %shift_right_logical3A_791 : vector<16xi32>
      %shift_left3A_793 = arith.constant 11 : i32
      %shift_left3A_794 = vector.broadcast %shift_left3A_793 : i32 to vector<16xi32>
      %shift_left3A_795 = arith.shli %shift_right_logical3A_792, %shift_left3A_794 : vector<16xi32>
      %and3A_796 = arith.constant 1023 : i32
      %and3A_797 = vector.broadcast %and3A_796 : i32 to vector<16xi32>
      %and3A_798 = arith.andi %get3A_789, %and3A_797 : vector<16xi32>
      %shift_left3A_799 = arith.constant 1 : i32
      %shift_left3A_800 = vector.broadcast %shift_left3A_799 : i32 to vector<16xi32>
      %shift_left3A_801 = arith.shli %and3A_798, %shift_left3A_800 : vector<16xi32>
      %add3A_802 = arith.addi %shift_left3A_795, %shift_left3A_801 : vector<16xi32>
      %shift_right_logical3A_803 = arith.constant 10 : i32
      %shift_right_logical3A_804 = vector.broadcast %shift_right_logical3A_803 : i32 to vector<16xi32>
      %shift_right_logical3A_805 = arith.shrui %get3A_789, %shift_right_logical3A_804 : vector<16xi32>
      %and3A_806 = arith.constant 1 : i32
      %and3A_807 = vector.broadcast %and3A_806 : i32 to vector<16xi32>
      %and3A_808 = arith.andi %shift_right_logical3A_805, %and3A_807 : vector<16xi32>
      %add3A_809 = arith.addi %add3A_802, %and3A_808 : vector<16xi32>
      %swap3A_810 = arith.index_cast %scan3A_731 : i32 to index
      %swap3A_811 = arith.constant 32 : index
      %swap3A_812 = tpu.vector_load %arg5[%swap3A_810, %swap3A_811] {strides = array<i32>} : memref<200x128xi32, #tpu.memory_space<vmem>>, vector<1x16xi32>,
      %swap3A_813 = vector.shape_cast %swap3A_812 : vector<1x16xi32> to vector<16xi32>
      %swap3A_814 = vector.shape_cast %add3A_809 : vector<16xi32> to vector<1x16xi32>
      tpu.vector_store %arg5[%swap3A_810, %swap3A_811], %swap3A_814 {strides = array<i32>} : memref<200x128xi32, #tpu.memory_space<vmem>>, vector<1x16xi32>,
      %get3A_815 = arith.index_cast %scan3A_731 : i32 to index
      %get3A_816 = arith.constant 48 : index
      %get3A_817 = tpu.vector_load %arg5[%get3A_815, %get3A_816] {strides = array<i32>} : memref<200x128xi32, #tpu.memory_space<vmem>>, vector<1x16xi32>,
      %get3A_818 = vector.shape_cast %get3A_817 : vector<1x16xi32> to vector<16xi32>
      %shift_right_logical3A_819 = arith.constant 11 : i32
      %shift_right_logical3A_820 = vector.broadcast %shift_right_logical3A_819 : i32 to vector<16xi32>
      %shift_right_logical3A_821 = arith.shrui %get3A_818, %shift_right_logical3A_820 : vector<16xi32>
      %shift_left3A_822 = arith.constant 11 : i32
      %shift_left3A_823 = vector.broadcast %shift_left3A_822 : i32 to vector<16xi32>
      %shift_left3A_824 = arith.shli %shift_right_logical3A_821, %shift_left3A_823 : vector<16xi32>
      %and3A_825 = arith.constant 1023 : i32
      %and3A_826 = vector.broadcast %and3A_825 : i32 to vector<16xi32>
      %and3A_827 = arith.andi %get3A_818, %and3A_826 : vector<16xi32>
      %shift_left3A_828 = arith.constant 1 : i32
      %shift_left3A_829 = vector.broadcast %shift_left3A_828 : i32 to vector<16xi32>
      %shift_left3A_830 = arith.shli %and3A_827, %shift_left3A_829 : vector<16xi32>
      %add3A_831 = arith.addi %shift_left3A_824, %shift_left3A_830 : vector<16xi32>
      %shift_right_logical3A_832 = arith.constant 10 : i32
      %shift_right_logical3A_833 = vector.broadcast %shift_right_logical3A_832 : i32 to vector<16xi32>
      %shift_right_logical3A_834 = arith.shrui %get3A_818, %shift_right_logical3A_833 : vector<16xi32>
      %and3A_835 = arith.constant 1 : i32
      %and3A_836 = vector.broadcast %and3A_835 : i32 to vector<16xi32>
      %and3A_837 = arith.andi %shift_right_logical3A_834, %and3A_836 : vector<16xi32>
      %add3A_838 = arith.addi %add3A_831, %and3A_837 : vector<16xi32>
      %swap3A_839 = arith.index_cast %scan3A_731 : i32 to index
      %swap3A_840 = arith.constant 48 : index
      %swap3A_841 = tpu.vector_load %arg5[%swap3A_839, %swap3A_840] {strides = array<i32>} : memref<200x128xi32, #tpu.memory_space<vmem>>, vector<1x16xi32>,
      %swap3A_842 = vector.shape_cast %swap3A_841 : vector<1x16xi32> to vector<16xi32>
      %swap3A_843 = vector.shape_cast %add3A_838 : vector<16xi32> to vector<1x16xi32>
      tpu.vector_store %arg5[%swap3A_839, %swap3A_840], %swap3A_843 {strides = array<i32>} : memref<200x128xi32, #tpu.memory_space<vmem>>, vector<1x16xi32>,
      %get3A_844 = arith.index_cast %scan3A_731 : i32 to index
      %get3A_845 = arith.constant 64 : index
      %get3A_846 = tpu.vector_load %arg5[%get3A_844, %get3A_845] {strides = array<i32>} : memref<200x128xi32, #tpu.memory_space<vmem>>, vector<1x16xi32>,
      %get3A_847 = vector.shape_cast %get3A_846 : vector<1x16xi32> to vector<16xi32>
      %shift_right_logical3A_848 = arith.constant 11 : i32
      %shift_right_logical3A_849 = vector.broadcast %shift_right_logical3A_848 : i32 to vector<16xi32>
      %shift_right_logical3A_850 = arith.shrui %get3A_847, %shift_right_logical3A_849 : vector<16xi32>
      %shift_left3A_851 = arith.constant 11 : i32
      %shift_left3A_852 = vector.broadcast %shift_left3A_851 : i32 to vector<16xi32>
      %shift_left3A_853 = arith.shli %shift_right_logical3A_850, %shift_left3A_852 : vector<16xi32>
      %and3A_854 = arith.constant 1023 : i32
      %and3A_855 = vector.broadcast %and3A_854 : i32 to vector<16xi32>
      %and3A_856 = arith.andi %get3A_847, %and3A_855 : vector<16xi32>
      %shift_left3A_857 = arith.constant 1 : i32
      %shift_left3A_858 = vector.broadcast %shift_left3A_857 : i32 to vector<16xi32>
      %shift_left3A_859 = arith.shli %and3A_856, %shift_left3A_858 : vector<16xi32>
      %add3A_860 = arith.addi %shift_left3A_853, %shift_left3A_859 : vector<16xi32>
      %shift_right_logical3A_861 = arith.constant 10 : i32
      %shift_right_logical3A_862 = vector.broadcast %shift_right_logical3A_861 : i32 to vector<16xi32>
      %shift_right_logical3A_863 = arith.shrui %get3A_847, %shift_right_logical3A_862 : vector<16xi32>
      %and3A_864 = arith.constant 1 : i32
      %and3A_865 = vector.broadcast %and3A_864 : i32 to vector<16xi32>
      %and3A_866 = arith.andi %shift_right_logical3A_863, %and3A_865 : vector<16xi32>
      %add3A_867 = arith.addi %add3A_860, %and3A_866 : vector<16xi32>
      %swap3A_868 = arith.index_cast %scan3A_731 : i32 to index
      %swap3A_869 = arith.constant 64 : index
      %swap3A_870 = tpu.vector_load %arg5[%swap3A_868, %swap3A_869] {strides = array<i32>} : memref<200x128xi32, #tpu.memory_space<vmem>>, vector<1x16xi32>,
      %swap3A_871 = vector.shape_cast %swap3A_870 : vector<1x16xi32> to vector<16xi32>
      %swap3A_872 = vector.shape_cast %add3A_867 : vector<16xi32> to vector<1x16xi32>
      tpu.vector_store %arg5[%swap3A_868, %swap3A_869], %swap3A_872 {strides = array<i32>} : memref<200x128xi32, #tpu.memory_space<vmem>>, vector<1x16xi32>,
      %get3A_873 = arith.index_cast %scan3A_731 : i32 to index
      %get3A_874 = arith.constant 80 : index
      %get3A_875 = tpu.vector_load %arg5[%get3A_873, %get3A_874] {strides = array<i32>} : memref<200x128xi32, #tpu.memory_space<vmem>>, vector<1x16xi32>,
      %get3A_876 = vector.shape_cast %get3A_875 : vector<1x16xi32> to vector<16xi32>
      %shift_right_logical3A_877 = arith.constant 11 : i32
      %shift_right_logical3A_878 = vector.broadcast %shift_right_logical3A_877 : i32 to vector<16xi32>
      %shift_right_logical3A_879 = arith.shrui %get3A_876, %shift_right_logical3A_878 : vector<16xi32>
      %shift_left3A_880 = arith.constant 11 : i32
      %shift_left3A_881 = vector.broadcast %shift_left3A_880 : i32 to vector<16xi32>
      %shift_left3A_882 = arith.shli %shift_right_logical3A_879, %shift_left3A_881 : vector<16xi32>
      %and3A_883 = arith.constant 1023 : i32
      %and3A_884 = vector.broadcast %and3A_883 : i32 to vector<16xi32>
      %and3A_885 = arith.andi %get3A_876, %and3A_884 : vector<16xi32>
      %shift_left3A_886 = arith.constant 1 : i32
      %shift_left3A_887 = vector.broadcast %shift_left3A_886 : i32 to vector<16xi32>
      %shift_left3A_888 = arith.shli %and3A_885, %shift_left3A_887 : vector<16xi32>
      %add3A_889 = arith.addi %shift_left3A_882, %shift_left3A_888 : vector<16xi32>
      %shift_right_logical3A_890 = arith.constant 10 : i32
      %shift_right_logical3A_891 = vector.broadcast %shift_right_logical3A_890 : i32 to vector<16xi32>
      %shift_right_logical3A_892 = arith.shrui %get3A_876, %shift_right_logical3A_891 : vector<16xi32>
      %and3A_893 = arith.constant 1 : i32
      %and3A_894 = vector.broadcast %and3A_893 : i32 to vector<16xi32>
      %and3A_895 = arith.andi %shift_right_logical3A_892, %and3A_894 : vector<16xi32>
      %add3A_896 = arith.addi %add3A_889, %and3A_895 : vector<16xi32>
      %swap3A_897 = arith.index_cast %scan3A_731 : i32 to index
      %swap3A_898 = arith.constant 80 : index
      %swap3A_899 = tpu.vector_load %arg5[%swap3A_897, %swap3A_898] {strides = array<i32>} : memref<200x128xi32, #tpu.memory_space<vmem>>, vector<1x16xi32>,
      %swap3A_900 = vector.shape_cast %swap3A_899 : vector<1x16xi32> to vector<16xi32>
      %swap3A_901 = vector.shape_cast %add3A_896 : vector<16xi32> to vector<1x16xi32>
      tpu.vector_store %arg5[%swap3A_897, %swap3A_898], %swap3A_901 {strides = array<i32>} : memref<200x128xi32, #tpu.memory_space<vmem>>, vector<1x16xi32>,
      %get3A_902 = arith.index_cast %scan3A_731 : i32 to index
      %get3A_903 = arith.constant 96 : index
      %get3A_904 = tpu.vector_load %arg5[%get3A_902, %get3A_903] {strides = array<i32>} : memref<200x128xi32, #tpu.memory_space<vmem>>, vector<1x16xi32>,
      %get3A_905 = vector.shape_cast %get3A_904 : vector<1x16xi32> to vector<16xi32>
      %shift_right_logical3A_906 = arith.constant 11 : i32
      %shift_right_logical3A_907 = vector.broadcast %shift_right_logical3A_906 : i32 to vector<16xi32>
      %shift_right_logical3A_908 = arith.shrui %get3A_905, %shift_right_logical3A_907 : vector<16xi32>
      %shift_left3A_909 = arith.constant 11 : i32
      %shift_left3A_910 = vector.broadcast %shift_left3A_909 : i32 to vector<16xi32>
      %shift_left3A_911 = arith.shli %shift_right_logical3A_908, %shift_left3A_910 : vector<16xi32>
      %and3A_912 = arith.constant 1023 : i32
      %and3A_913 = vector.broadcast %and3A_912 : i32 to vector<16xi32>
      %and3A_914 = arith.andi %get3A_905, %and3A_913 : vector<16xi32>
      %shift_left3A_915 = arith.constant 1 : i32
      %shift_left3A_916 = vector.broadcast %shift_left3A_915 : i32 to vector<16xi32>
      %shift_left3A_917 = arith.shli %and3A_914, %shift_left3A_916 : vector<16xi32>
      %add3A_918 = arith.addi %shift_left3A_911, %shift_left3A_917 : vector<16xi32>
      %shift_right_logical3A_919 = arith.constant 10 : i32
      %shift_right_logical3A_920 = vector.broadcast %shift_right_logical3A_919 : i32 to vector<16xi32>
      %shift_right_logical3A_921 = arith.shrui %get3A_905, %shift_right_logical3A_920 : vector<16xi32>
      %and3A_922 = arith.constant 1 : i32
      %and3A_923 = vector.broadcast %and3A_922 : i32 to vector<16xi32>
      %and3A_924 = arith.andi %shift_right_logical3A_921, %and3A_923 : vector<16xi32>
      %add3A_925 = arith.addi %add3A_918, %and3A_924 : vector<16xi32>
      %swap3A_926 = arith.index_cast %scan3A_731 : i32 to index
      %swap3A_927 = arith.constant 96 : index
      %swap3A_928 = tpu.vector_load %arg5[%swap3A_926, %swap3A_927] {strides = array<i32>} : memref<200x128xi32, #tpu.memory_space<vmem>>, vector<1x16xi32>,
      %swap3A_929 = vector.shape_cast %swap3A_928 : vector<1x16xi32> to vector<16xi32>
      %swap3A_930 = vector.shape_cast %add3A_925 : vector<16xi32> to vector<1x16xi32>
      tpu.vector_store %arg5[%swap3A_926, %swap3A_927], %swap3A_930 {strides = array<i32>} : memref<200x128xi32, #tpu.memory_space<vmem>>, vector<1x16xi32>,
      %get3A_931 = arith.index_cast %scan3A_731 : i32 to index
      %get3A_932 = arith.constant 112 : index
      %get3A_933 = tpu.vector_load %arg5[%get3A_931, %get3A_932] {strides = array<i32>} : memref<200x128xi32, #tpu.memory_space<vmem>>, vector<1x16xi32>,
      %get3A_934 = vector.shape_cast %get3A_933 : vector<1x16xi32> to vector<16xi32>
      %shift_right_logical3A_935 = arith.constant 11 : i32
      %shift_right_logical3A_936 = vector.broadcast %shift_right_logical3A_935 : i32 to vector<16xi32>
      %shift_right_logical3A_937 = arith.shrui %get3A_934, %shift_right_logical3A_936 : vector<16xi32>
      %shift_left3A_938 = arith.constant 11 : i32
      %shift_left3A_939 = vector.broadcast %shift_left3A_938 : i32 to vector<16xi32>
      %shift_left3A_940 = arith.shli %shift_right_logical3A_937, %shift_left3A_939 : vector<16xi32>
      %and3A_941 = arith.constant 1023 : i32
      %and3A_942 = vector.broadcast %and3A_941 : i32 to vector<16xi32>
      %and3A_943 = arith.andi %get3A_934, %and3A_942 : vector<16xi32>
      %shift_left3A_944 = arith.constant 1 : i32
      %shift_left3A_945 = vector.broadcast %shift_left3A_944 : i32 to vector<16xi32>
      %shift_left3A_946 = arith.shli %and3A_943, %shift_left3A_945 : vector<16xi32>
      %add3A_947 = arith.addi %shift_left3A_940, %shift_left3A_946 : vector<16xi32>
      %shift_right_logical3A_948 = arith.constant 10 : i32
      %shift_right_logical3A_949 = vector.broadcast %shift_right_logical3A_948 : i32 to vector<16xi32>
      %shift_right_logical3A_950 = arith.shrui %get3A_934, %shift_right_logical3A_949 : vector<16xi32>
      %and3A_951 = arith.constant 1 : i32
      %and3A_952 = vector.broadcast %and3A_951 : i32 to vector<16xi32>
      %and3A_953 = arith.andi %shift_right_logical3A_950, %and3A_952 : vector<16xi32>
      %add3A_954 = arith.addi %add3A_947, %and3A_953 : vector<16xi32>
      %swap3A_955 = arith.index_cast %scan3A_731 : i32 to index
      %swap3A_956 = arith.constant 112 : index
      %swap3A_957 = tpu.vector_load %arg5[%swap3A_955, %swap3A_956] {strides = array<i32>} : memref<200x128xi32, #tpu.memory_space<vmem>>, vector<1x16xi32>,
      %swap3A_958 = vector.shape_cast %swap3A_957 : vector<1x16xi32> to vector<16xi32>
      %swap3A_959 = vector.shape_cast %add3A_954 : vector<16xi32> to vector<1x16xi32>
      tpu.vector_store %arg5[%swap3A_955, %swap3A_956], %swap3A_959 {strides = array<i32>} : memref<200x128xi32, #tpu.memory_space<vmem>>, vector<1x16xi32>,
    }
    %scan3A_9 = arith.constant 200 : i32
    %add3A_10 = arith.constant 0 : i32
    %add3A_11 = arith.addi %mul3A_4, %add3A_10 : i32
    %iota3A = tpu.iota {dimensions = array<i32: 0>} : vector<16xi32>
    %add3A_12 = vector.broadcast %add3A_11 : i32 to vector<16xi32>
    %add3A_13 = arith.addi %add3A_12, %iota3A : vector<16xi32>
    %swap3A = arith.constant 0 : index
    %swap3A_14 = tpu.vector_load %arg6[%swap3A] {strides = array<i32>} : memref<128xi32, #tpu.memory_space<vmem>>, vector<16xi32>,
    %swap3A_15 = vector.shape_cast %swap3A_14 : vector<16xi32> to vector<16xi32>
    %swap3A_16 = vector.shape_cast %add3A_13 : vector<16xi32> to vector<16xi32>
    tpu.vector_store %arg6[%swap3A], %swap3A_16 {strides = array<i32>} : memref<128xi32, #tpu.memory_space<vmem>>, vector<16xi32>,
    %add3A_17 = arith.constant 16 : i32
    %add3A_18 = arith.addi %mul3A_4, %add3A_17 : i32
    %iota3A_19 = tpu.iota {dimensions = array<i32: 0>} : vector<16xi32>
    %add3A_20 = vector.broadcast %add3A_18 : i32 to vector<16xi32>
    %add3A_21 = arith.addi %add3A_20, %iota3A_19 : vector<16xi32>
    %swap3A_22 = arith.constant 16 : index
    %swap3A_23 = tpu.vector_load %arg6[%swap3A_22] {strides = array<i32>} : memref<128xi32, #tpu.memory_space<vmem>>, vector<16xi32>,
    %swap3A_24 = vector.shape_cast %swap3A_23 : vector<16xi32> to vector<16xi32>
    %swap3A_25 = vector.shape_cast %add3A_21 : vector<16xi32> to vector<16xi32>
    tpu.vector_store %arg6[%swap3A_22], %swap3A_25 {strides = array<i32>} : memref<128xi32, #tpu.memory_space<vmem>>, vector<16xi32>,
    %add3A_26 = arith.constant 32 : i32
    %add3A_27 = arith.addi %mul3A_4, %add3A_26 : i32
    %iota3A_28 = tpu.iota {dimensions = array<i32: 0>} : vector<16xi32>
    %add3A_29 = vector.broadcast %add3A_27 : i32 to vector<16xi32>
    %add3A_30 = arith.addi %add3A_29, %iota3A_28 : vector<16xi32>
    %swap3A_31 = arith.constant 32 : index
    %swap3A_32 = tpu.vector_load %arg6[%swap3A_31] {strides = array<i32>} : memref<128xi32, #tpu.memory_space<vmem>>, vector<16xi32>,
    %swap3A_33 = vector.shape_cast %swap3A_32 : vector<16xi32> to vector<16xi32>
    %swap3A_34 = vector.shape_cast %add3A_30 : vector<16xi32> to vector<16xi32>
    tpu.vector_store %arg6[%swap3A_31], %swap3A_34 {strides = array<i32>} : memref<128xi32, #tpu.memory_space<vmem>>, vector<16xi32>,
    %add3A_35 = arith.constant 48 : i32
    %add3A_36 = arith.addi %mul3A_4, %add3A_35 : i32
    %iota3A_37 = tpu.iota {dimensions = array<i32: 0>} : vector<16xi32>
    %add3A_38 = vector.broadcast %add3A_36 : i32 to vector<16xi32>
    %add3A_39 = arith.addi %add3A_38, %iota3A_37 : vector<16xi32>
    %swap3A_40 = arith.constant 48 : index
    %swap3A_41 = tpu.vector_load %arg6[%swap3A_40] {strides = array<i32>} : memref<128xi32, #tpu.memory_space<vmem>>, vector<16xi32>,
    %swap3A_42 = vector.shape_cast %swap3A_41 : vector<16xi32> to vector<16xi32>
    %swap3A_43 = vector.shape_cast %add3A_39 : vector<16xi32> to vector<16xi32>
    tpu.vector_store %arg6[%swap3A_40], %swap3A_43 {strides = array<i32>} : memref<128xi32, #tpu.memory_space<vmem>>, vector<16xi32>,
    %add3A_44 = arith.constant 64 : i32
    %add3A_45 = arith.addi %mul3A_4, %add3A_44 : i32
    %iota3A_46 = tpu.iota {dimensions = array<i32: 0>} : vector<16xi32>
    %add3A_47 = vector.broadcast %add3A_45 : i32 to vector<16xi32>
    %add3A_48 = arith.addi %add3A_47, %iota3A_46 : vector<16xi32>
    %swap3A_49 = arith.constant 64 : index
    %swap3A_50 = tpu.vector_load %arg6[%swap3A_49] {strides = array<i32>} : memref<128xi32, #tpu.memory_space<vmem>>, vector<16xi32>,
    %swap3A_51 = vector.shape_cast %swap3A_50 : vector<16xi32> to vector<16xi32>
    %swap3A_52 = vector.shape_cast %add3A_48 : vector<16xi32> to vector<16xi32>
    tpu.vector_store %arg6[%swap3A_49], %swap3A_52 {strides = array<i32>} : memref<128xi32, #tpu.memory_space<vmem>>, vector<16xi32>,
    %add3A_53 = arith.constant 80 : i32
    %add3A_54 = arith.addi %mul3A_4, %add3A_53 : i32
    %iota3A_55 = tpu.iota {dimensions = array<i32: 0>} : vector<16xi32>
    %add3A_56 = vector.broadcast %add3A_54 : i32 to vector<16xi32>
    %add3A_57 = arith.addi %add3A_56, %iota3A_55 : vector<16xi32>
    %swap3A_58 = arith.constant 80 : index
    %swap3A_59 = tpu.vector_load %arg6[%swap3A_58] {strides = array<i32>} : memref<128xi32, #tpu.memory_space<vmem>>, vector<16xi32>,
    %swap3A_60 = vector.shape_cast %swap3A_59 : vector<16xi32> to vector<16xi32>
    %swap3A_61 = vector.shape_cast %add3A_57 : vector<16xi32> to vector<16xi32>
    tpu.vector_store %arg6[%swap3A_58], %swap3A_61 {strides = array<i32>} : memref<128xi32, #tpu.memory_space<vmem>>, vector<16xi32>,
    %add3A_62 = arith.constant 96 : i32
    %add3A_63 = arith.addi %mul3A_4, %add3A_62 : i32
    %iota3A_64 = tpu.iota {dimensions = array<i32: 0>} : vector<16xi32>
    %add3A_65 = vector.broadcast %add3A_63 : i32 to vector<16xi32>
    %add3A_66 = arith.addi %add3A_65, %iota3A_64 : vector<16xi32>
    %swap3A_67 = arith.constant 96 : index
    %swap3A_68 = tpu.vector_load %arg6[%swap3A_67] {strides = array<i32>} : memref<128xi32, #tpu.memory_space<vmem>>, vector<16xi32>,
    %swap3A_69 = vector.shape_cast %swap3A_68 : vector<16xi32> to vector<16xi32>
    %swap3A_70 = vector.shape_cast %add3A_66 : vector<16xi32> to vector<16xi32>
    tpu.vector_store %arg6[%swap3A_67], %swap3A_70 {strides = array<i32>} : memref<128xi32, #tpu.memory_space<vmem>>, vector<16xi32>,
    %add3A_71 = arith.constant 112 : i32
    %add3A_72 = arith.addi %mul3A_4, %add3A_71 : i32
    %iota3A_73 = tpu.iota {dimensions = array<i32: 0>} : vector<16xi32>
    %add3A_74 = vector.broadcast %add3A_72 : i32 to vector<16xi32>
    %add3A_75 = arith.addi %add3A_74, %iota3A_73 : vector<16xi32>
    %swap3A_76 = arith.constant 112 : index
    %swap3A_77 = tpu.vector_load %arg6[%swap3A_76] {strides = array<i32>} : memref<128xi32, #tpu.memory_space<vmem>>, vector<16xi32>,
    %swap3A_78 = vector.shape_cast %swap3A_77 : vector<16xi32> to vector<16xi32>
    %swap3A_79 = vector.shape_cast %add3A_75 : vector<16xi32> to vector<16xi32>
    tpu.vector_store %arg6[%swap3A_76], %swap3A_79 {strides = array<i32>} : memref<128xi32, #tpu.memory_space<vmem>>, vector<16xi32>,
    %broadcast_in_dim3A = arith.constant 0.000000e+00 : f32
    %broadcast_in_dim3A_80 = vector.broadcast %broadcast_in_dim3A : f32 to vector<16xf32>
    %scan3A_81 = arith.constant 0 : i32
    %scan3A_82 = arith.constant 0 : i32
    %scan3A_83 = arith.constant 128 : i32
    %scan3A_84 = arith.addi %scan3A_82, %scan3A_83 : i32
    %scan3A_85 = arith.constant 1 : i32
    scf.for %scan3A_731 = %scan3A_82 to %scan3A_84 step %scan3A_85  : i32 {
      %swap3A_732 = arith.constant 0 : i32
      %swap3A_733 = arith.index_cast %swap3A_732 : i32 to index
      %swap3A_734 = arith.index_cast %scan3A_731 : i32 to index
      %swap3A_735 = arith.constant 0 : index
      %swap3A_736 = tpu.vector_load %arg7[%swap3A_733, %swap3A_734, %swap3A_735] {strides = array<i32>} : memref<8x128x64xf32, #tpu.memory_space<vmem>>, vector<1x1x16xf32>,
      %swap3A_737 = vector.shape_cast %swap3A_736 : vector<1x1x16xf32> to vector<16xf32>
      %swap3A_738 = vector.shape_cast %broadcast_in_dim3A_80 : vector<16xf32> to vector<1x1x16xf32>
      tpu.vector_store %arg7[%swap3A_733, %swap3A_734, %swap3A_735], %swap3A_738 {strides = array<i32>} : memref<8x128x64xf32, #tpu.memory_space<vmem>>, vector<1x1x16xf32>,
      %swap3A_739 = arith.constant 0 : i32
      %swap3A_740 = arith.index_cast %swap3A_739 : i32 to index
      %swap3A_741 = arith.index_cast %scan3A_731 : i32 to index
      %swap3A_742 = arith.constant 16 : index
      %swap3A_743 = tpu.vector_load %arg7[%swap3A_740, %swap3A_741, %swap3A_742] {strides = array<i32>} : memref<8x128x64xf32, #tpu.memory_space<vmem>>, vector<1x1x16xf32>,
      %swap3A_744 = vector.shape_cast %swap3A_743 : vector<1x1x16xf32> to vector<16xf32>
      %swap3A_745 = vector.shape_cast %broadcast_in_dim3A_80 : vector<16xf32> to vector<1x1x16xf32>
      tpu.vector_store %arg7[%swap3A_740, %swap3A_741, %swap3A_742], %swap3A_745 {strides = array<i32>} : memref<8x128x64xf32, #tpu.memory_space<vmem>>, vector<1x1x16xf32>,
      %swap3A_746 = arith.constant 0 : i32
      %swap3A_747 = arith.index_cast %swap3A_746 : i32 to index
      %swap3A_748 = arith.index_cast %scan3A_731 : i32 to index
      %swap3A_749 = arith.constant 32 : index
      %swap3A_750 = tpu.vector_load %arg7[%swap3A_747, %swap3A_748, %swap3A_749] {strides = array<i32>} : memref<8x128x64xf32, #tpu.memory_space<vmem>>, vector<1x1x16xf32>,
      %swap3A_751 = vector.shape_cast %swap3A_750 : vector<1x1x16xf32> to vector<16xf32>
      %swap3A_752 = vector.shape_cast %broadcast_in_dim3A_80 : vector<16xf32> to vector<1x1x16xf32>
      tpu.vector_store %arg7[%swap3A_747, %swap3A_748, %swap3A_749], %swap3A_752 {strides = array<i32>} : memref<8x128x64xf32, #tpu.memory_space<vmem>>, vector<1x1x16xf32>,
      %swap3A_753 = arith.constant 0 : i32
      %swap3A_754 = arith.index_cast %swap3A_753 : i32 to index
      %swap3A_755 = arith.index_cast %scan3A_731 : i32 to index
      %swap3A_756 = arith.constant 48 : index
      %swap3A_757 = tpu.vector_load %arg7[%swap3A_754, %swap3A_755, %swap3A_756] {strides = array<i32>} : memref<8x128x64xf32, #tpu.memory_space<vmem>>, vector<1x1x16xf32>,
      %swap3A_758 = vector.shape_cast %swap3A_757 : vector<1x1x16xf32> to vector<16xf32>
      %swap3A_759 = vector.shape_cast %broadcast_in_dim3A_80 : vector<16xf32> to vector<1x1x16xf32>
      tpu.vector_store %arg7[%swap3A_754, %swap3A_755, %swap3A_756], %swap3A_759 {strides = array<i32>} : memref<8x128x64xf32, #tpu.memory_space<vmem>>, vector<1x1x16xf32>,
    }
    %scan3A_86 = arith.constant 128 : i32
    %run_scoped3A = arith.constant 0 : i32
    "tpu.region"() ({
      %run_scoped3A_731 = tpu.sem_alloc : memref<!tpu.dma_semaphore, #tpu.memory_space<semaphore_mem>>
      %dma_start3A_732 = arith.constant 0 : i32
      %dma_start3A_733 = arith.constant 0 : i32
      %dma_start3A_734 = tpu.memref_slice %arg7[%run_scoped3A, %dma_start3A_732, %dma_start3A_733] : memref<8x128x64xf32, #tpu.memory_space<vmem>> -> memref<1x128x64xf32, #tpu.memory_space<vmem>>
      %dma_start3A_735 = tpu.memref_squeeze %dma_start3A_734 : memref<1x128x64xf32, #tpu.memory_space<vmem>> -> memref<128x64xf32, #tpu.memory_space<vmem>>
      %dma_start3A_736 = arith.constant 0 : i32
      %dma_start3A_737 = tpu.memref_slice %arg8[%mul3A_4, %dma_start3A_736] : memref<2048x64xf32, #tpu.memory_space<vmem_shared>> -> memref<128x64xf32, #tpu.memory_space<vmem_shared>>
      %dma_start3A_738 = arith.constant 0 : i32
      %dma_start3A_739 = tpu.memref_slice %arg8[%mul3A_4, %dma_start3A_738] : memref<2048x64xf32, #tpu.memory_space<vmem_shared>> -> memref<128x64xf32, #tpu.memory_space<vmem_shared>>
      %dma_start3A_740 = arith.constant 0 : i32
      %dma_start3A_741 = arith.constant 0 : i32
      %dma_start3A_742 = tpu.memref_slice %arg7[%run_scoped3A, %dma_start3A_740, %dma_start3A_741] : memref<8x128x64xf32, #tpu.memory_space<vmem>> -> memref<1x128x64xf32, #tpu.memory_space<vmem>>
      %dma_start3A_743 = tpu.memref_squeeze %dma_start3A_742 : memref<1x128x64xf32, #tpu.memory_space<vmem>> -> memref<128x64xf32, #tpu.memory_space<vmem>>
      tpu.enqueue_dma source(%dma_start3A_743 : memref<128x64xf32, #tpu.memory_space<vmem>>) target(%dma_start3A_739 : memref<128x64xf32, #tpu.memory_space<vmem_shared>>) target_semaphore(%run_scoped3A_731 : memref<!tpu.dma_semaphore, #tpu.memory_space<semaphore_mem>>)
      %dma_wait3A_744 = arith.constant 0 : i32
      %dma_wait3A_745 = arith.constant 0 : i32
      %dma_wait3A_746 = tpu.memref_slice %arg7[%run_scoped3A, %dma_wait3A_744, %dma_wait3A_745] : memref<8x128x64xf32, #tpu.memory_space<vmem>> -> memref<1x128x64xf32, #tpu.memory_space<vmem>>
      %dma_wait3A_747 = tpu.memref_squeeze %dma_wait3A_746 : memref<1x128x64xf32, #tpu.memory_space<vmem>> -> memref<128x64xf32, #tpu.memory_space<vmem>>
      %dma_wait3A_748 = arith.constant 0 : i32
      %dma_wait3A_749 = tpu.memref_slice %arg8[%mul3A_4, %dma_wait3A_748] : memref<2048x64xf32, #tpu.memory_space<vmem_shared>> -> memref<128x64xf32, #tpu.memory_space<vmem_shared>>
      %dma_wait3A_750 = arith.constant 0 : i32
      %dma_wait3A_751 = tpu.memref_slice %arg8[%mul3A_4, %dma_wait3A_750] : memref<2048x64xf32, #tpu.memory_space<vmem_shared>> -> memref<128x64xf32, #tpu.memory_space<vmem_shared>>
      %dma_wait3A_752 = arith.constant 0 : i32
      %dma_wait3A_753 = arith.constant 0 : i32
      %dma_wait3A_754 = tpu.memref_slice %arg7[%run_scoped3A, %dma_wait3A_752, %dma_wait3A_753] : memref<8x128x64xf32, #tpu.memory_space<vmem>> -> memref<1x128x64xf32, #tpu.memory_space<vmem>>
      %dma_wait3A_755 = tpu.memref_squeeze %dma_wait3A_754 : memref<1x128x64xf32, #tpu.memory_space<vmem>> -> memref<128x64xf32, #tpu.memory_space<vmem>>
      tpu.wait_dma2 semaphore(%run_scoped3A_731 : memref<!tpu.dma_semaphore, #tpu.memory_space<semaphore_mem>>) src(%dma_wait3A_755 : memref<128x64xf32, #tpu.memory_space<vmem>>) dst(%dma_wait3A_751 : memref<128x64xf32, #tpu.memory_space<vmem_shared>>)
      tpu.yield
    }) : () -> ()
    %dma_start3A = arith.constant 0 : i32
    %dma_start3A_87 = arith.constant 0 : i32
    %dma_start3A_88 = arith.constant 0 : i32
    %dma_start3A_89 = arith.constant 0 : i32
    %dma_start3A_90 = tpu.memref_slice %arg7[%dma_start3A_87, %dma_start3A_88, %dma_start3A_89] : memref<8x128x64xf32, #tpu.memory_space<vmem>> -> memref<1x128x64xf32, #tpu.memory_space<vmem>>
    %dma_start3A_91 = tpu.memref_squeeze %dma_start3A_90 : memref<1x128x64xf32, #tpu.memory_space<vmem>> -> memref<128x64xf32, #tpu.memory_space<vmem>>
    %dma_start3A_92 = arith.constant 0 : i32
    %dma_start3A_93 = tpu.memref_slice %arg5[%dma_start3A, %dma_start3A_92] : memref<200x128xi32, #tpu.memory_space<vmem>> -> memref<1x128xi32, #tpu.memory_space<vmem>>
    %dma_start3A_94 = tpu.memref_squeeze %dma_start3A_93 : memref<1x128xi32, #tpu.memory_space<vmem>> -> memref<128xi32, #tpu.memory_space<vmem>>
    %dma_start3A_95 = arith.constant 0 : i32
    %dma_start3A_96 = arith.constant 0 : i32
    %dma_start3A_97 = tpu.memref_slice %arg3[%dma_start3A_95, %dma_start3A_96] : memref<1001472x64xf32, #tpu.memory_space<hbm>> -> memref<1001472x64xf32, #tpu.memory_space<hbm>>
    tpu.enqueue_indirect_dma source(%dma_start3A_97 : memref<1001472x64xf32, #tpu.memory_space<hbm>>) target(%dma_start3A_91 : memref<128x64xf32, #tpu.memory_space<vmem>>) offsets(%dma_start3A_94 : memref<128xi32, #tpu.memory_space<vmem>>) semaphore(%arg9 : memref<!tpu.dma_semaphore, #tpu.memory_space<semaphore_mem>>)
    %dma_start3A_98 = arith.constant 1 : i32
    %dma_start3A_99 = arith.constant 1 : i32
    %dma_start3A_100 = arith.constant 0 : i32
    %dma_start3A_101 = arith.constant 0 : i32
    %dma_start3A_102 = tpu.memref_slice %arg7[%dma_start3A_99, %dma_start3A_100, %dma_start3A_101] : memref<8x128x64xf32, #tpu.memory_space<vmem>> -> memref<1x128x64xf32, #tpu.memory_space<vmem>>
    %dma_start3A_103 = tpu.memref_squeeze %dma_start3A_102 : memref<1x128x64xf32, #tpu.memory_space<vmem>> -> memref<128x64xf32, #tpu.memory_space<vmem>>
    %dma_start3A_104 = arith.constant 0 : i32
    %dma_start3A_105 = tpu.memref_slice %arg5[%dma_start3A_98, %dma_start3A_104] : memref<200x128xi32, #tpu.memory_space<vmem>> -> memref<1x128xi32, #tpu.memory_space<vmem>>
    %dma_start3A_106 = tpu.memref_squeeze %dma_start3A_105 : memref<1x128xi32, #tpu.memory_space<vmem>> -> memref<128xi32, #tpu.memory_space<vmem>>
    %dma_start3A_107 = arith.constant 0 : i32
    %dma_start3A_108 = arith.constant 0 : i32
    %dma_start3A_109 = tpu.memref_slice %arg3[%dma_start3A_107, %dma_start3A_108] : memref<1001472x64xf32, #tpu.memory_space<hbm>> -> memref<1001472x64xf32, #tpu.memory_space<hbm>>
    tpu.enqueue_indirect_dma source(%dma_start3A_109 : memref<1001472x64xf32, #tpu.memory_space<hbm>>) target(%dma_start3A_103 : memref<128x64xf32, #tpu.memory_space<vmem>>) offsets(%dma_start3A_106 : memref<128xi32, #tpu.memory_space<vmem>>) semaphore(%arg9 : memref<!tpu.dma_semaphore, #tpu.memory_space<semaphore_mem>>)
    %dma_start3A_110 = arith.constant 2 : i32
    %dma_start3A_111 = arith.constant 2 : i32
    %dma_start3A_112 = arith.constant 0 : i32
    %dma_start3A_113 = arith.constant 0 : i32
    %dma_start3A_114 = tpu.memref_slice %arg7[%dma_start3A_111, %dma_start3A_112, %dma_start3A_113] : memref<8x128x64xf32, #tpu.memory_space<vmem>> -> memref<1x128x64xf32, #tpu.memory_space<vmem>>
    %dma_start3A_115 = tpu.memref_squeeze %dma_start3A_114 : memref<1x128x64xf32, #tpu.memory_space<vmem>> -> memref<128x64xf32, #tpu.memory_space<vmem>>
    %dma_start3A_116 = arith.constant 0 : i32
    %dma_start3A_117 = tpu.memref_slice %arg5[%dma_start3A_110, %dma_start3A_116] : memref<200x128xi32, #tpu.memory_space<vmem>> -> memref<1x128xi32, #tpu.memory_space<vmem>>
    %dma_start3A_118 = tpu.memref_squeeze %dma_start3A_117 : memref<1x128xi32, #tpu.memory_space<vmem>> -> memref<128xi32, #tpu.memory_space<vmem>>
    %dma_start3A_119 = arith.constant 0 : i32
    %dma_start3A_120 = arith.constant 0 : i32
    %dma_start3A_121 = tpu.memref_slice %arg3[%dma_start3A_119, %dma_start3A_120] : memref<1001472x64xf32, #tpu.memory_space<hbm>> -> memref<1001472x64xf32, #tpu.memory_space<hbm>>
    tpu.enqueue_indirect_dma source(%dma_start3A_121 : memref<1001472x64xf32, #tpu.memory_space<hbm>>) target(%dma_start3A_115 : memref<128x64xf32, #tpu.memory_space<vmem>>) offsets(%dma_start3A_118 : memref<128xi32, #tpu.memory_space<vmem>>) semaphore(%arg9 : memref<!tpu.dma_semaphore, #tpu.memory_space<semaphore_mem>>)
    %dma_start3A_122 = arith.constant 3 : i32
    %dma_start3A_123 = arith.constant 3 : i32
    %dma_start3A_124 = arith.constant 0 : i32
    %dma_start3A_125 = arith.constant 0 : i32
    %dma_start3A_126 = tpu.memref_slice %arg7[%dma_start3A_123, %dma_start3A_124, %dma_start3A_125] : memref<8x128x64xf32, #tpu.memory_space<vmem>> -> memref<1x128x64xf32, #tpu.memory_space<vmem>>
    %dma_start3A_127 = tpu.memref_squeeze %dma_start3A_126 : memref<1x128x64xf32, #tpu.memory_space<vmem>> -> memref<128x64xf32, #tpu.memory_space<vmem>>
    %dma_start3A_128 = arith.constant 0 : i32
    %dma_start3A_129 = tpu.memref_slice %arg5[%dma_start3A_122, %dma_start3A_128] : memref<200x128xi32, #tpu.memory_space<vmem>> -> memref<1x128xi32, #tpu.memory_space<vmem>>
    %dma_start3A_130 = tpu.memref_squeeze %dma_start3A_129 : memref<1x128xi32, #tpu.memory_space<vmem>> -> memref<128xi32, #tpu.memory_space<vmem>>
    %dma_start3A_131 = arith.constant 0 : i32
    %dma_start3A_132 = arith.constant 0 : i32
    %dma_start3A_133 = tpu.memref_slice %arg3[%dma_start3A_131, %dma_start3A_132] : memref<1001472x64xf32, #tpu.memory_space<hbm>> -> memref<1001472x64xf32, #tpu.memory_space<hbm>>
    tpu.enqueue_indirect_dma source(%dma_start3A_133 : memref<1001472x64xf32, #tpu.memory_space<hbm>>) target(%dma_start3A_127 : memref<128x64xf32, #tpu.memory_space<vmem>>) offsets(%dma_start3A_130 : memref<128xi32, #tpu.memory_space<vmem>>) semaphore(%arg9 : memref<!tpu.dma_semaphore, #tpu.memory_space<semaphore_mem>>)
    %dma_start3A_134 = arith.constant 4 : i32
    %dma_start3A_135 = arith.constant 4 : i32
    %dma_start3A_136 = arith.constant 0 : i32
    %dma_start3A_137 = arith.constant 0 : i32
    %dma_start3A_138 = tpu.memref_slice %arg7[%dma_start3A_135, %dma_start3A_136, %dma_start3A_137] : memref<8x128x64xf32, #tpu.memory_space<vmem>> -> memref<1x128x64xf32, #tpu.memory_space<vmem>>
    %dma_start3A_139 = tpu.memref_squeeze %dma_start3A_138 : memref<1x128x64xf32, #tpu.memory_space<vmem>> -> memref<128x64xf32, #tpu.memory_space<vmem>>
    %dma_start3A_140 = arith.constant 0 : i32
    %dma_start3A_141 = tpu.memref_slice %arg5[%dma_start3A_134, %dma_start3A_140] : memref<200x128xi32, #tpu.memory_space<vmem>> -> memref<1x128xi32, #tpu.memory_space<vmem>>
    %dma_start3A_142 = tpu.memref_squeeze %dma_start3A_141 : memref<1x128xi32, #tpu.memory_space<vmem>> -> memref<128xi32, #tpu.memory_space<vmem>>
    %dma_start3A_143 = arith.constant 0 : i32
    %dma_start3A_144 = arith.constant 0 : i32
    %dma_start3A_145 = tpu.memref_slice %arg3[%dma_start3A_143, %dma_start3A_144] : memref<1001472x64xf32, #tpu.memory_space<hbm>> -> memref<1001472x64xf32, #tpu.memory_space<hbm>>
    tpu.enqueue_indirect_dma source(%dma_start3A_145 : memref<1001472x64xf32, #tpu.memory_space<hbm>>) target(%dma_start3A_139 : memref<128x64xf32, #tpu.memory_space<vmem>>) offsets(%dma_start3A_142 : memref<128xi32, #tpu.memory_space<vmem>>) semaphore(%arg9 : memref<!tpu.dma_semaphore, #tpu.memory_space<semaphore_mem>>)
    %dma_start3A_146 = arith.constant 5 : i32
    %dma_start3A_147 = arith.constant 5 : i32
    %dma_start3A_148 = arith.constant 0 : i32
    %dma_start3A_149 = arith.constant 0 : i32
    %dma_start3A_150 = tpu.memref_slice %arg7[%dma_start3A_147, %dma_start3A_148, %dma_start3A_149] : memref<8x128x64xf32, #tpu.memory_space<vmem>> -> memref<1x128x64xf32, #tpu.memory_space<vmem>>
    %dma_start3A_151 = tpu.memref_squeeze %dma_start3A_150 : memref<1x128x64xf32, #tpu.memory_space<vmem>> -> memref<128x64xf32, #tpu.memory_space<vmem>>
    %dma_start3A_152 = arith.constant 0 : i32
    %dma_start3A_153 = tpu.memref_slice %arg5[%dma_start3A_146, %dma_start3A_152] : memref<200x128xi32, #tpu.memory_space<vmem>> -> memref<1x128xi32, #tpu.memory_space<vmem>>
    %dma_start3A_154 = tpu.memref_squeeze %dma_start3A_153 : memref<1x128xi32, #tpu.memory_space<vmem>> -> memref<128xi32, #tpu.memory_space<vmem>>
    %dma_start3A_155 = arith.constant 0 : i32
    %dma_start3A_156 = arith.constant 0 : i32
    %dma_start3A_157 = tpu.memref_slice %arg3[%dma_start3A_155, %dma_start3A_156] : memref<1001472x64xf32, #tpu.memory_space<hbm>> -> memref<1001472x64xf32, #tpu.memory_space<hbm>>
    tpu.enqueue_indirect_dma source(%dma_start3A_157 : memref<1001472x64xf32, #tpu.memory_space<hbm>>) target(%dma_start3A_151 : memref<128x64xf32, #tpu.memory_space<vmem>>) offsets(%dma_start3A_154 : memref<128xi32, #tpu.memory_space<vmem>>) semaphore(%arg9 : memref<!tpu.dma_semaphore, #tpu.memory_space<semaphore_mem>>)
    %dma_wait3A = arith.constant 0 : i32
    %dma_wait3A_158 = arith.constant 0 : i32
    %dma_wait3A_159 = arith.constant 0 : i32
    %dma_wait3A_160 = arith.constant 0 : i32
    %dma_wait3A_161 = tpu.memref_slice %arg7[%dma_wait3A_158, %dma_wait3A_159, %dma_wait3A_160] : memref<8x128x64xf32, #tpu.memory_space<vmem>> -> memref<1x128x64xf32, #tpu.memory_space<vmem>>
    %dma_wait3A_162 = tpu.memref_squeeze %dma_wait3A_161 : memref<1x128x64xf32, #tpu.memory_space<vmem>> -> memref<128x64xf32, #tpu.memory_space<vmem>>
    %dma_wait3A_163 = arith.constant 0 : i32
    %dma_wait3A_164 = tpu.memref_slice %arg5[%dma_wait3A, %dma_wait3A_163] : memref<200x128xi32, #tpu.memory_space<vmem>> -> memref<1x128xi32, #tpu.memory_space<vmem>>
    %dma_wait3A_165 = tpu.memref_squeeze %dma_wait3A_164 : memref<1x128xi32, #tpu.memory_space<vmem>> -> memref<128xi32, #tpu.memory_space<vmem>>
    %dma_wait3A_166 = arith.constant 0 : i32
    %dma_wait3A_167 = arith.constant 0 : i32
    %dma_wait3A_168 = tpu.memref_slice %arg3[%dma_wait3A_166, %dma_wait3A_167] : memref<1001472x64xf32, #tpu.memory_space<hbm>> -> memref<1001472x64xf32, #tpu.memory_space<hbm>>
    tpu.wait_indirect_dma semaphore(%arg9 : memref<!tpu.dma_semaphore, #tpu.memory_space<semaphore_mem>>) src(%dma_wait3A_168 : memref<1001472x64xf32, #tpu.memory_space<hbm>>) dst(%dma_wait3A_162 : memref<128x64xf32, #tpu.memory_space<vmem>>)
    %dma_start3A_169 = arith.constant 0 : i32
    %dma_start3A_170 = arith.constant 0 : i32
    %dma_start3A_171 = arith.constant 0 : i32
    %dma_start3A_172 = tpu.memref_slice %arg7[%dma_start3A_169, %dma_start3A_170, %dma_start3A_171] : memref<8x128x64xf32, #tpu.memory_space<vmem>> -> memref<1x128x64xf32, #tpu.memory_space<vmem>>
    %dma_start3A_173 = tpu.memref_squeeze %dma_start3A_172 : memref<1x128x64xf32, #tpu.memory_space<vmem>> -> memref<128x64xf32, #tpu.memory_space<vmem>>
    %dma_start3A_174 = arith.constant 0 : i32
    %dma_start3A_175 = arith.constant 0 : i32
    %dma_start3A_176 = tpu.memref_slice %arg8[%dma_start3A_174, %dma_start3A_175] : memref<2048x64xf32, #tpu.memory_space<vmem_shared>> -> memref<2048x64xf32, #tpu.memory_space<vmem_shared>>
    tpu.enqueue_indirect_dma source(%dma_start3A_173 : memref<128x64xf32, #tpu.memory_space<vmem>>) target(%dma_start3A_176 : memref<2048x64xf32, #tpu.memory_space<vmem_shared>>) offsets(%arg6 : memref<128xi32, #tpu.memory_space<vmem>>) semaphore(%arg10 : memref<!tpu.dma_semaphore, #tpu.memory_space<semaphore_mem>>) {add = true}
    %dma_start3A_177 = arith.constant 6 : i32
    %dma_start3A_178 = arith.constant 6 : i32
    %dma_start3A_179 = arith.constant 0 : i32
    %dma_start3A_180 = arith.constant 0 : i32
    %dma_start3A_181 = tpu.memref_slice %arg7[%dma_start3A_178, %dma_start3A_179, %dma_start3A_180] : memref<8x128x64xf32, #tpu.memory_space<vmem>> -> memref<1x128x64xf32, #tpu.memory_space<vmem>>
    %dma_start3A_182 = tpu.memref_squeeze %dma_start3A_181 : memref<1x128x64xf32, #tpu.memory_space<vmem>> -> memref<128x64xf32, #tpu.memory_space<vmem>>
    %dma_start3A_183 = arith.constant 0 : i32
    %dma_start3A_184 = tpu.memref_slice %arg5[%dma_start3A_177, %dma_start3A_183] : memref<200x128xi32, #tpu.memory_space<vmem>> -> memref<1x128xi32, #tpu.memory_space<vmem>>
    %dma_start3A_185 = tpu.memref_squeeze %dma_start3A_184 : memref<1x128xi32, #tpu.memory_space<vmem>> -> memref<128xi32, #tpu.memory_space<vmem>>
    %dma_start3A_186 = arith.constant 0 : i32
    %dma_start3A_187 = arith.constant 0 : i32
    %dma_start3A_188 = tpu.memref_slice %arg3[%dma_start3A_186, %dma_start3A_187] : memref<1001472x64xf32, #tpu.memory_space<hbm>> -> memref<1001472x64xf32, #tpu.memory_space<hbm>>
    tpu.enqueue_indirect_dma source(%dma_start3A_188 : memref<1001472x64xf32, #tpu.memory_space<hbm>>) target(%dma_start3A_182 : memref<128x64xf32, #tpu.memory_space<vmem>>) offsets(%dma_start3A_185 : memref<128xi32, #tpu.memory_space<vmem>>) semaphore(%arg9 : memref<!tpu.dma_semaphore, #tpu.memory_space<semaphore_mem>>)
    %dma_wait3A_189 = arith.constant 0 : i32
    %dma_wait3A_190 = arith.constant 1 : i32
    %dma_wait3A_191 = arith.constant 0 : i32
    %dma_wait3A_192 = arith.constant 0 : i32
    %dma_wait3A_193 = tpu.memref_slice %arg7[%dma_wait3A_190, %dma_wait3A_191, %dma_wait3A_192] : memref<8x128x64xf32, #tpu.memory_space<vmem>> -> memref<1x128x64xf32, #tpu.memory_space<vmem>>
    %dma_wait3A_194 = tpu.memref_squeeze %dma_wait3A_193 : memref<1x128x64xf32, #tpu.memory_space<vmem>> -> memref<128x64xf32, #tpu.memory_space<vmem>>
    %dma_wait3A_195 = arith.constant 0 : i32
    %dma_wait3A_196 = tpu.memref_slice %arg5[%dma_wait3A_189, %dma_wait3A_195] : memref<200x128xi32, #tpu.memory_space<vmem>> -> memref<1x128xi32, #tpu.memory_space<vmem>>
    %dma_wait3A_197 = tpu.memref_squeeze %dma_wait3A_196 : memref<1x128xi32, #tpu.memory_space<vmem>> -> memref<128xi32, #tpu.memory_space<vmem>>
    %dma_wait3A_198 = arith.constant 0 : i32
    %dma_wait3A_199 = arith.constant 0 : i32
    %dma_wait3A_200 = tpu.memref_slice %arg3[%dma_wait3A_198, %dma_wait3A_199] : memref<1001472x64xf32, #tpu.memory_space<hbm>> -> memref<1001472x64xf32, #tpu.memory_space<hbm>>
    tpu.wait_indirect_dma semaphore(%arg9 : memref<!tpu.dma_semaphore, #tpu.memory_space<semaphore_mem>>) src(%dma_wait3A_200 : memref<1001472x64xf32, #tpu.memory_space<hbm>>) dst(%dma_wait3A_194 : memref<128x64xf32, #tpu.memory_space<vmem>>)
    %dma_start3A_201 = arith.constant 1 : i32
    %dma_start3A_202 = arith.constant 0 : i32
    %dma_start3A_203 = arith.constant 0 : i32
    %dma_start3A_204 = tpu.memref_slice %arg7[%dma_start3A_201, %dma_start3A_202, %dma_start3A_203] : memref<8x128x64xf32, #tpu.memory_space<vmem>> -> memref<1x128x64xf32, #tpu.memory_space<vmem>>
    %dma_start3A_205 = tpu.memref_squeeze %dma_start3A_204 : memref<1x128x64xf32, #tpu.memory_space<vmem>> -> memref<128x64xf32, #tpu.memory_space<vmem>>
    %dma_start3A_206 = arith.constant 0 : i32
    %dma_start3A_207 = arith.constant 0 : i32
    %dma_start3A_208 = tpu.memref_slice %arg8[%dma_start3A_206, %dma_start3A_207] : memref<2048x64xf32, #tpu.memory_space<vmem_shared>> -> memref<2048x64xf32, #tpu.memory_space<vmem_shared>>
    tpu.enqueue_indirect_dma source(%dma_start3A_205 : memref<128x64xf32, #tpu.memory_space<vmem>>) target(%dma_start3A_208 : memref<2048x64xf32, #tpu.memory_space<vmem_shared>>) offsets(%arg6 : memref<128xi32, #tpu.memory_space<vmem>>) semaphore(%arg10 : memref<!tpu.dma_semaphore, #tpu.memory_space<semaphore_mem>>) {add = true}
    %dma_start3A_209 = arith.constant 7 : i32
    %dma_start3A_210 = arith.constant 7 : i32
    %dma_start3A_211 = arith.constant 0 : i32
    %dma_start3A_212 = arith.constant 0 : i32
    %dma_start3A_213 = tpu.memref_slice %arg7[%dma_start3A_210, %dma_start3A_211, %dma_start3A_212] : memref<8x128x64xf32, #tpu.memory_space<vmem>> -> memref<1x128x64xf32, #tpu.memory_space<vmem>>
    %dma_start3A_214 = tpu.memref_squeeze %dma_start3A_213 : memref<1x128x64xf32, #tpu.memory_space<vmem>> -> memref<128x64xf32, #tpu.memory_space<vmem>>
    %dma_start3A_215 = arith.constant 0 : i32
    %dma_start3A_216 = tpu.memref_slice %arg5[%dma_start3A_209, %dma_start3A_215] : memref<200x128xi32, #tpu.memory_space<vmem>> -> memref<1x128xi32, #tpu.memory_space<vmem>>
    %dma_start3A_217 = tpu.memref_squeeze %dma_start3A_216 : memref<1x128xi32, #tpu.memory_space<vmem>> -> memref<128xi32, #tpu.memory_space<vmem>>
    %dma_start3A_218 = arith.constant 0 : i32
    %dma_start3A_219 = arith.constant 0 : i32
    %dma_start3A_220 = tpu.memref_slice %arg3[%dma_start3A_218, %dma_start3A_219] : memref<1001472x64xf32, #tpu.memory_space<hbm>> -> memref<1001472x64xf32, #tpu.memory_space<hbm>>
    tpu.enqueue_indirect_dma source(%dma_start3A_220 : memref<1001472x64xf32, #tpu.memory_space<hbm>>) target(%dma_start3A_214 : memref<128x64xf32, #tpu.memory_space<vmem>>) offsets(%dma_start3A_217 : memref<128xi32, #tpu.memory_space<vmem>>) semaphore(%arg9 : memref<!tpu.dma_semaphore, #tpu.memory_space<semaphore_mem>>)
    %dma_wait3A_221 = arith.constant 0 : i32
    %dma_wait3A_222 = arith.constant 2 : i32
    %dma_wait3A_223 = arith.constant 0 : i32
    %dma_wait3A_224 = arith.constant 0 : i32
    %dma_wait3A_225 = tpu.memref_slice %arg7[%dma_wait3A_222, %dma_wait3A_223, %dma_wait3A_224] : memref<8x128x64xf32, #tpu.memory_space<vmem>> -> memref<1x128x64xf32, #tpu.memory_space<vmem>>
    %dma_wait3A_226 = tpu.memref_squeeze %dma_wait3A_225 : memref<1x128x64xf32, #tpu.memory_space<vmem>> -> memref<128x64xf32, #tpu.memory_space<vmem>>
    %dma_wait3A_227 = arith.constant 0 : i32
    %dma_wait3A_228 = tpu.memref_slice %arg5[%dma_wait3A_221, %dma_wait3A_227] : memref<200x128xi32, #tpu.memory_space<vmem>> -> memref<1x128xi32, #tpu.memory_space<vmem>>
    %dma_wait3A_229 = tpu.memref_squeeze %dma_wait3A_228 : memref<1x128xi32, #tpu.memory_space<vmem>> -> memref<128xi32, #tpu.memory_space<vmem>>
    %dma_wait3A_230 = arith.constant 0 : i32
    %dma_wait3A_231 = arith.constant 0 : i32
    %dma_wait3A_232 = tpu.memref_slice %arg3[%dma_wait3A_230, %dma_wait3A_231] : memref<1001472x64xf32, #tpu.memory_space<hbm>> -> memref<1001472x64xf32, #tpu.memory_space<hbm>>
    tpu.wait_indirect_dma semaphore(%arg9 : memref<!tpu.dma_semaphore, #tpu.memory_space<semaphore_mem>>) src(%dma_wait3A_232 : memref<1001472x64xf32, #tpu.memory_space<hbm>>) dst(%dma_wait3A_226 : memref<128x64xf32, #tpu.memory_space<vmem>>)
    %dma_start3A_233 = arith.constant 2 : i32
    %dma_start3A_234 = arith.constant 0 : i32
    %dma_start3A_235 = arith.constant 0 : i32
    %dma_start3A_236 = tpu.memref_slice %arg7[%dma_start3A_233, %dma_start3A_234, %dma_start3A_235] : memref<8x128x64xf32, #tpu.memory_space<vmem>> -> memref<1x128x64xf32, #tpu.memory_space<vmem>>
    %dma_start3A_237 = tpu.memref_squeeze %dma_start3A_236 : memref<1x128x64xf32, #tpu.memory_space<vmem>> -> memref<128x64xf32, #tpu.memory_space<vmem>>
    %dma_start3A_238 = arith.constant 0 : i32
    %dma_start3A_239 = arith.constant 0 : i32
    %dma_start3A_240 = tpu.memref_slice %arg8[%dma_start3A_238, %dma_start3A_239] : memref<2048x64xf32, #tpu.memory_space<vmem_shared>> -> memref<2048x64xf32, #tpu.memory_space<vmem_shared>>
    tpu.enqueue_indirect_dma source(%dma_start3A_237 : memref<128x64xf32, #tpu.memory_space<vmem>>) target(%dma_start3A_240 : memref<2048x64xf32, #tpu.memory_space<vmem_shared>>) offsets(%arg6 : memref<128xi32, #tpu.memory_space<vmem>>) semaphore(%arg10 : memref<!tpu.dma_semaphore, #tpu.memory_space<semaphore_mem>>) {add = true}
    %dma_wait3A_241 = arith.constant 0 : i32
    %dma_wait3A_242 = arith.constant 0 : i32
    %dma_wait3A_243 = arith.constant 0 : i32
    %dma_wait3A_244 = tpu.memref_slice %arg7[%dma_wait3A_241, %dma_wait3A_242, %dma_wait3A_243] : memref<8x128x64xf32, #tpu.memory_space<vmem>> -> memref<1x128x64xf32, #tpu.memory_space<vmem>>
    %dma_wait3A_245 = tpu.memref_squeeze %dma_wait3A_244 : memref<1x128x64xf32, #tpu.memory_space<vmem>> -> memref<128x64xf32, #tpu.memory_space<vmem>>
    %dma_wait3A_246 = arith.constant 0 : i32
    %dma_wait3A_247 = arith.constant 0 : i32
    %dma_wait3A_248 = tpu.memref_slice %arg8[%dma_wait3A_246, %dma_wait3A_247] : memref<2048x64xf32, #tpu.memory_space<vmem_shared>> -> memref<2048x64xf32, #tpu.memory_space<vmem_shared>>
    tpu.wait_indirect_dma semaphore(%arg10 : memref<!tpu.dma_semaphore, #tpu.memory_space<semaphore_mem>>) src(%dma_wait3A_245 : memref<128x64xf32, #tpu.memory_space<vmem>>) dst(%dma_wait3A_248 : memref<2048x64xf32, #tpu.memory_space<vmem_shared>>)
    %dma_start3A_249 = arith.constant 8 : i32
    %dma_start3A_250 = arith.constant 0 : i32
    %dma_start3A_251 = arith.constant 0 : i32
    %dma_start3A_252 = arith.constant 0 : i32
    %dma_start3A_253 = tpu.memref_slice %arg7[%dma_start3A_250, %dma_start3A_251, %dma_start3A_252] : memref<8x128x64xf32, #tpu.memory_space<vmem>> -> memref<1x128x64xf32, #tpu.memory_space<vmem>>
    %dma_start3A_254 = tpu.memref_squeeze %dma_start3A_253 : memref<1x128x64xf32, #tpu.memory_space<vmem>> -> memref<128x64xf32, #tpu.memory_space<vmem>>
    %dma_start3A_255 = arith.constant 0 : i32
    %dma_start3A_256 = tpu.memref_slice %arg5[%dma_start3A_249, %dma_start3A_255] : memref<200x128xi32, #tpu.memory_space<vmem>> -> memref<1x128xi32, #tpu.memory_space<vmem>>
    %dma_start3A_257 = tpu.memref_squeeze %dma_start3A_256 : memref<1x128xi32, #tpu.memory_space<vmem>> -> memref<128xi32, #tpu.memory_space<vmem>>
    %dma_start3A_258 = arith.constant 0 : i32
    %dma_start3A_259 = arith.constant 0 : i32
    %dma_start3A_260 = tpu.memref_slice %arg3[%dma_start3A_258, %dma_start3A_259] : memref<1001472x64xf32, #tpu.memory_space<hbm>> -> memref<1001472x64xf32, #tpu.memory_space<hbm>>
    tpu.enqueue_indirect_dma source(%dma_start3A_260 : memref<1001472x64xf32, #tpu.memory_space<hbm>>) target(%dma_start3A_254 : memref<128x64xf32, #tpu.memory_space<vmem>>) offsets(%dma_start3A_257 : memref<128xi32, #tpu.memory_space<vmem>>) semaphore(%arg9 : memref<!tpu.dma_semaphore, #tpu.memory_space<semaphore_mem>>)
    %dma_wait3A_261 = arith.constant 0 : i32
    %dma_wait3A_262 = arith.constant 3 : i32
    %dma_wait3A_263 = arith.constant 0 : i32
    %dma_wait3A_264 = arith.constant 0 : i32
    %dma_wait3A_265 = tpu.memref_slice %arg7[%dma_wait3A_262, %dma_wait3A_263, %dma_wait3A_264] : memref<8x128x64xf32, #tpu.memory_space<vmem>> -> memref<1x128x64xf32, #tpu.memory_space<vmem>>
    %dma_wait3A_266 = tpu.memref_squeeze %dma_wait3A_265 : memref<1x128x64xf32, #tpu.memory_space<vmem>> -> memref<128x64xf32, #tpu.memory_space<vmem>>
    %dma_wait3A_267 = arith.constant 0 : i32
    %dma_wait3A_268 = tpu.memref_slice %arg5[%dma_wait3A_261, %dma_wait3A_267] : memref<200x128xi32, #tpu.memory_space<vmem>> -> memref<1x128xi32, #tpu.memory_space<vmem>>
    %dma_wait3A_269 = tpu.memref_squeeze %dma_wait3A_268 : memref<1x128xi32, #tpu.memory_space<vmem>> -> memref<128xi32, #tpu.memory_space<vmem>>
    %dma_wait3A_270 = arith.constant 0 : i32
    %dma_wait3A_271 = arith.constant 0 : i32
    %dma_wait3A_272 = tpu.memref_slice %arg3[%dma_wait3A_270, %dma_wait3A_271] : memref<1001472x64xf32, #tpu.memory_space<hbm>> -> memref<1001472x64xf32, #tpu.memory_space<hbm>>
    tpu.wait_indirect_dma semaphore(%arg9 : memref<!tpu.dma_semaphore, #tpu.memory_space<semaphore_mem>>) src(%dma_wait3A_272 : memref<1001472x64xf32, #tpu.memory_space<hbm>>) dst(%dma_wait3A_266 : memref<128x64xf32, #tpu.memory_space<vmem>>)
    %dma_start3A_273 = arith.constant 3 : i32
    %dma_start3A_274 = arith.constant 0 : i32
    %dma_start3A_275 = arith.constant 0 : i32
    %dma_start3A_276 = tpu.memref_slice %arg7[%dma_start3A_273, %dma_start3A_274, %dma_start3A_275] : memref<8x128x64xf32, #tpu.memory_space<vmem>> -> memref<1x128x64xf32, #tpu.memory_space<vmem>>
    %dma_start3A_277 = tpu.memref_squeeze %dma_start3A_276 : memref<1x128x64xf32, #tpu.memory_space<vmem>> -> memref<128x64xf32, #tpu.memory_space<vmem>>
    %dma_start3A_278 = arith.constant 0 : i32
    %dma_start3A_279 = arith.constant 0 : i32
    %dma_start3A_280 = tpu.memref_slice %arg8[%dma_start3A_278, %dma_start3A_279] : memref<2048x64xf32, #tpu.memory_space<vmem_shared>> -> memref<2048x64xf32, #tpu.memory_space<vmem_shared>>
    tpu.enqueue_indirect_dma source(%dma_start3A_277 : memref<128x64xf32, #tpu.memory_space<vmem>>) target(%dma_start3A_280 : memref<2048x64xf32, #tpu.memory_space<vmem_shared>>) offsets(%arg6 : memref<128xi32, #tpu.memory_space<vmem>>) semaphore(%arg10 : memref<!tpu.dma_semaphore, #tpu.memory_space<semaphore_mem>>) {add = true}
    %dma_wait3A_281 = arith.constant 0 : i32
    %dma_wait3A_282 = arith.constant 0 : i32
    %dma_wait3A_283 = arith.constant 0 : i32
    %dma_wait3A_284 = tpu.memref_slice %arg7[%dma_wait3A_281, %dma_wait3A_282, %dma_wait3A_283] : memref<8x128x64xf32, #tpu.memory_space<vmem>> -> memref<1x128x64xf32, #tpu.memory_space<vmem>>
    %dma_wait3A_285 = tpu.memref_squeeze %dma_wait3A_284 : memref<1x128x64xf32, #tpu.memory_space<vmem>> -> memref<128x64xf32, #tpu.memory_space<vmem>>
    %dma_wait3A_286 = arith.constant 0 : i32
    %dma_wait3A_287 = arith.constant 0 : i32
    %dma_wait3A_288 = tpu.memref_slice %arg8[%dma_wait3A_286, %dma_wait3A_287] : memref<2048x64xf32, #tpu.memory_space<vmem_shared>> -> memref<2048x64xf32, #tpu.memory_space<vmem_shared>>
    tpu.wait_indirect_dma semaphore(%arg10 : memref<!tpu.dma_semaphore, #tpu.memory_space<semaphore_mem>>) src(%dma_wait3A_285 : memref<128x64xf32, #tpu.memory_space<vmem>>) dst(%dma_wait3A_288 : memref<2048x64xf32, #tpu.memory_space<vmem_shared>>)
    %dma_start3A_289 = arith.constant 9 : i32
    %dma_start3A_290 = arith.constant 1 : i32
    %dma_start3A_291 = arith.constant 0 : i32
    %dma_start3A_292 = arith.constant 0 : i32
    %dma_start3A_293 = tpu.memref_slice %arg7[%dma_start3A_290, %dma_start3A_291, %dma_start3A_292] : memref<8x128x64xf32, #tpu.memory_space<vmem>> -> memref<1x128x64xf32, #tpu.memory_space<vmem>>
    %dma_start3A_294 = tpu.memref_squeeze %dma_start3A_293 : memref<1x128x64xf32, #tpu.memory_space<vmem>> -> memref<128x64xf32, #tpu.memory_space<vmem>>
    %dma_start3A_295 = arith.constant 0 : i32
    %dma_start3A_296 = tpu.memref_slice %arg5[%dma_start3A_289, %dma_start3A_295] : memref<200x128xi32, #tpu.memory_space<vmem>> -> memref<1x128xi32, #tpu.memory_space<vmem>>
    %dma_start3A_297 = tpu.memref_squeeze %dma_start3A_296 : memref<1x128xi32, #tpu.memory_space<vmem>> -> memref<128xi32, #tpu.memory_space<vmem>>
    %dma_start3A_298 = arith.constant 0 : i32
    %dma_start3A_299 = arith.constant 0 : i32
    %dma_start3A_300 = tpu.memref_slice %arg3[%dma_start3A_298, %dma_start3A_299] : memref<1001472x64xf32, #tpu.memory_space<hbm>> -> memref<1001472x64xf32, #tpu.memory_space<hbm>>
    tpu.enqueue_indirect_dma source(%dma_start3A_300 : memref<1001472x64xf32, #tpu.memory_space<hbm>>) target(%dma_start3A_294 : memref<128x64xf32, #tpu.memory_space<vmem>>) offsets(%dma_start3A_297 : memref<128xi32, #tpu.memory_space<vmem>>) semaphore(%arg9 : memref<!tpu.dma_semaphore, #tpu.memory_space<semaphore_mem>>)
    %dma_wait3A_301 = arith.constant 0 : i32
    %dma_wait3A_302 = arith.constant 4 : i32
    %dma_wait3A_303 = arith.constant 0 : i32
    %dma_wait3A_304 = arith.constant 0 : i32
    %dma_wait3A_305 = tpu.memref_slice %arg7[%dma_wait3A_302, %dma_wait3A_303, %dma_wait3A_304] : memref<8x128x64xf32, #tpu.memory_space<vmem>> -> memref<1x128x64xf32, #tpu.memory_space<vmem>>
    %dma_wait3A_306 = tpu.memref_squeeze %dma_wait3A_305 : memref<1x128x64xf32, #tpu.memory_space<vmem>> -> memref<128x64xf32, #tpu.memory_space<vmem>>
    %dma_wait3A_307 = arith.constant 0 : i32
    %dma_wait3A_308 = tpu.memref_slice %arg5[%dma_wait3A_301, %dma_wait3A_307] : memref<200x128xi32, #tpu.memory_space<vmem>> -> memref<1x128xi32, #tpu.memory_space<vmem>>
    %dma_wait3A_309 = tpu.memref_squeeze %dma_wait3A_308 : memref<1x128xi32, #tpu.memory_space<vmem>> -> memref<128xi32, #tpu.memory_space<vmem>>
    %dma_wait3A_310 = arith.constant 0 : i32
    %dma_wait3A_311 = arith.constant 0 : i32
    %dma_wait3A_312 = tpu.memref_slice %arg3[%dma_wait3A_310, %dma_wait3A_311] : memref<1001472x64xf32, #tpu.memory_space<hbm>> -> memref<1001472x64xf32, #tpu.memory_space<hbm>>
    tpu.wait_indirect_dma semaphore(%arg9 : memref<!tpu.dma_semaphore, #tpu.memory_space<semaphore_mem>>) src(%dma_wait3A_312 : memref<1001472x64xf32, #tpu.memory_space<hbm>>) dst(%dma_wait3A_306 : memref<128x64xf32, #tpu.memory_space<vmem>>)
    %dma_start3A_313 = arith.constant 4 : i32
    %dma_start3A_314 = arith.constant 0 : i32
    %dma_start3A_315 = arith.constant 0 : i32
    %dma_start3A_316 = tpu.memref_slice %arg7[%dma_start3A_313, %dma_start3A_314, %dma_start3A_315] : memref<8x128x64xf32, #tpu.memory_space<vmem>> -> memref<1x128x64xf32, #tpu.memory_space<vmem>>
    %dma_start3A_317 = tpu.memref_squeeze %dma_start3A_316 : memref<1x128x64xf32, #tpu.memory_space<vmem>> -> memref<128x64xf32, #tpu.memory_space<vmem>>
    %dma_start3A_318 = arith.constant 0 : i32
    %dma_start3A_319 = arith.constant 0 : i32
    %dma_start3A_320 = tpu.memref_slice %arg8[%dma_start3A_318, %dma_start3A_319] : memref<2048x64xf32, #tpu.memory_space<vmem_shared>> -> memref<2048x64xf32, #tpu.memory_space<vmem_shared>>
    tpu.enqueue_indirect_dma source(%dma_start3A_317 : memref<128x64xf32, #tpu.memory_space<vmem>>) target(%dma_start3A_320 : memref<2048x64xf32, #tpu.memory_space<vmem_shared>>) offsets(%arg6 : memref<128xi32, #tpu.memory_space<vmem>>) semaphore(%arg10 : memref<!tpu.dma_semaphore, #tpu.memory_space<semaphore_mem>>) {add = true}
    %dma_wait3A_321 = arith.constant 0 : i32
    %dma_wait3A_322 = arith.constant 0 : i32
    %dma_wait3A_323 = arith.constant 0 : i32
    %dma_wait3A_324 = tpu.memref_slice %arg7[%dma_wait3A_321, %dma_wait3A_322, %dma_wait3A_323] : memref<8x128x64xf32, #tpu.memory_space<vmem>> -> memref<1x128x64xf32, #tpu.memory_space<vmem>>
    %dma_wait3A_325 = tpu.memref_squeeze %dma_wait3A_324 : memref<1x128x64xf32, #tpu.memory_space<vmem>> -> memref<128x64xf32, #tpu.memory_space<vmem>>
    %dma_wait3A_326 = arith.constant 0 : i32
    %dma_wait3A_327 = arith.constant 0 : i32
    %dma_wait3A_328 = tpu.memref_slice %arg8[%dma_wait3A_326, %dma_wait3A_327] : memref<2048x64xf32, #tpu.memory_space<vmem_shared>> -> memref<2048x64xf32, #tpu.memory_space<vmem_shared>>
    tpu.wait_indirect_dma semaphore(%arg10 : memref<!tpu.dma_semaphore, #tpu.memory_space<semaphore_mem>>) src(%dma_wait3A_325 : memref<128x64xf32, #tpu.memory_space<vmem>>) dst(%dma_wait3A_328 : memref<2048x64xf32, #tpu.memory_space<vmem_shared>>)
    %dma_start3A_329 = arith.constant 10 : i32
    %dma_start3A_330 = arith.constant 2 : i32
    %dma_start3A_331 = arith.constant 0 : i32
    %dma_start3A_332 = arith.constant 0 : i32
    %dma_start3A_333 = tpu.memref_slice %arg7[%dma_start3A_330, %dma_start3A_331, %dma_start3A_332] : memref<8x128x64xf32, #tpu.memory_space<vmem>> -> memref<1x128x64xf32, #tpu.memory_space<vmem>>
    %dma_start3A_334 = tpu.memref_squeeze %dma_start3A_333 : memref<1x128x64xf32, #tpu.memory_space<vmem>> -> memref<128x64xf32, #tpu.memory_space<vmem>>
    %dma_start3A_335 = arith.constant 0 : i32
    %dma_start3A_336 = tpu.memref_slice %arg5[%dma_start3A_329, %dma_start3A_335] : memref<200x128xi32, #tpu.memory_space<vmem>> -> memref<1x128xi32, #tpu.memory_space<vmem>>
    %dma_start3A_337 = tpu.memref_squeeze %dma_start3A_336 : memref<1x128xi32, #tpu.memory_space<vmem>> -> memref<128xi32, #tpu.memory_space<vmem>>
    %dma_start3A_338 = arith.constant 0 : i32
    %dma_start3A_339 = arith.constant 0 : i32
    %dma_start3A_340 = tpu.memref_slice %arg3[%dma_start3A_338, %dma_start3A_339] : memref<1001472x64xf32, #tpu.memory_space<hbm>> -> memref<1001472x64xf32, #tpu.memory_space<hbm>>
    tpu.enqueue_indirect_dma source(%dma_start3A_340 : memref<1001472x64xf32, #tpu.memory_space<hbm>>) target(%dma_start3A_334 : memref<128x64xf32, #tpu.memory_space<vmem>>) offsets(%dma_start3A_337 : memref<128xi32, #tpu.memory_space<vmem>>) semaphore(%arg9 : memref<!tpu.dma_semaphore, #tpu.memory_space<semaphore_mem>>)
    %dma_wait3A_341 = arith.constant 0 : i32
    %dma_wait3A_342 = arith.constant 5 : i32
    %dma_wait3A_343 = arith.constant 0 : i32
    %dma_wait3A_344 = arith.constant 0 : i32
    %dma_wait3A_345 = tpu.memref_slice %arg7[%dma_wait3A_342, %dma_wait3A_343, %dma_wait3A_344] : memref<8x128x64xf32, #tpu.memory_space<vmem>> -> memref<1x128x64xf32, #tpu.memory_space<vmem>>
    %dma_wait3A_346 = tpu.memref_squeeze %dma_wait3A_345 : memref<1x128x64xf32, #tpu.memory_space<vmem>> -> memref<128x64xf32, #tpu.memory_space<vmem>>
    %dma_wait3A_347 = arith.constant 0 : i32
    %dma_wait3A_348 = tpu.memref_slice %arg5[%dma_wait3A_341, %dma_wait3A_347] : memref<200x128xi32, #tpu.memory_space<vmem>> -> memref<1x128xi32, #tpu.memory_space<vmem>>
    %dma_wait3A_349 = tpu.memref_squeeze %dma_wait3A_348 : memref<1x128xi32, #tpu.memory_space<vmem>> -> memref<128xi32, #tpu.memory_space<vmem>>
    %dma_wait3A_350 = arith.constant 0 : i32
    %dma_wait3A_351 = arith.constant 0 : i32
    %dma_wait3A_352 = tpu.memref_slice %arg3[%dma_wait3A_350, %dma_wait3A_351] : memref<1001472x64xf32, #tpu.memory_space<hbm>> -> memref<1001472x64xf32, #tpu.memory_space<hbm>>
    tpu.wait_indirect_dma semaphore(%arg9 : memref<!tpu.dma_semaphore, #tpu.memory_space<semaphore_mem>>) src(%dma_wait3A_352 : memref<1001472x64xf32, #tpu.memory_space<hbm>>) dst(%dma_wait3A_346 : memref<128x64xf32, #tpu.memory_space<vmem>>)
    %dma_start3A_353 = arith.constant 5 : i32
    %dma_start3A_354 = arith.constant 0 : i32
    %dma_start3A_355 = arith.constant 0 : i32
    %dma_start3A_356 = tpu.memref_slice %arg7[%dma_start3A_353, %dma_start3A_354, %dma_start3A_355] : memref<8x128x64xf32, #tpu.memory_space<vmem>> -> memref<1x128x64xf32, #tpu.memory_space<vmem>>
    %dma_start3A_357 = tpu.memref_squeeze %dma_start3A_356 : memref<1x128x64xf32, #tpu.memory_space<vmem>> -> memref<128x64xf32, #tpu.memory_space<vmem>>
    %dma_start3A_358 = arith.constant 0 : i32
    %dma_start3A_359 = arith.constant 0 : i32
    %dma_start3A_360 = tpu.memref_slice %arg8[%dma_start3A_358, %dma_start3A_359] : memref<2048x64xf32, #tpu.memory_space<vmem_shared>> -> memref<2048x64xf32, #tpu.memory_space<vmem_shared>>
    tpu.enqueue_indirect_dma source(%dma_start3A_357 : memref<128x64xf32, #tpu.memory_space<vmem>>) target(%dma_start3A_360 : memref<2048x64xf32, #tpu.memory_space<vmem_shared>>) offsets(%arg6 : memref<128xi32, #tpu.memory_space<vmem>>) semaphore(%arg10 : memref<!tpu.dma_semaphore, #tpu.memory_space<semaphore_mem>>) {add = true}
    %dma_wait3A_361 = arith.constant 0 : i32
    %dma_wait3A_362 = arith.constant 0 : i32
    %dma_wait3A_363 = arith.constant 0 : i32
    %dma_wait3A_364 = tpu.memref_slice %arg7[%dma_wait3A_361, %dma_wait3A_362, %dma_wait3A_363] : memref<8x128x64xf32, #tpu.memory_space<vmem>> -> memref<1x128x64xf32, #tpu.memory_space<vmem>>
    %dma_wait3A_365 = tpu.memref_squeeze %dma_wait3A_364 : memref<1x128x64xf32, #tpu.memory_space<vmem>> -> memref<128x64xf32, #tpu.memory_space<vmem>>
    %dma_wait3A_366 = arith.constant 0 : i32
    %dma_wait3A_367 = arith.constant 0 : i32
    %dma_wait3A_368 = tpu.memref_slice %arg8[%dma_wait3A_366, %dma_wait3A_367] : memref<2048x64xf32, #tpu.memory_space<vmem_shared>> -> memref<2048x64xf32, #tpu.memory_space<vmem_shared>>
    tpu.wait_indirect_dma semaphore(%arg10 : memref<!tpu.dma_semaphore, #tpu.memory_space<semaphore_mem>>) src(%dma_wait3A_365 : memref<128x64xf32, #tpu.memory_space<vmem>>) dst(%dma_wait3A_368 : memref<2048x64xf32, #tpu.memory_space<vmem_shared>>)
    %dma_start3A_369 = arith.constant 11 : i32
    %dma_start3A_370 = arith.constant 3 : i32
    %dma_start3A_371 = arith.constant 0 : i32
    %dma_start3A_372 = arith.constant 0 : i32
    %dma_start3A_373 = tpu.memref_slice %arg7[%dma_start3A_370, %dma_start3A_371, %dma_start3A_372] : memref<8x128x64xf32, #tpu.memory_space<vmem>> -> memref<1x128x64xf32, #tpu.memory_space<vmem>>
    %dma_start3A_374 = tpu.memref_squeeze %dma_start3A_373 : memref<1x128x64xf32, #tpu.memory_space<vmem>> -> memref<128x64xf32, #tpu.memory_space<vmem>>
    %dma_start3A_375 = arith.constant 0 : i32
    %dma_start3A_376 = tpu.memref_slice %arg5[%dma_start3A_369, %dma_start3A_375] : memref<200x128xi32, #tpu.memory_space<vmem>> -> memref<1x128xi32, #tpu.memory_space<vmem>>
    %dma_start3A_377 = tpu.memref_squeeze %dma_start3A_376 : memref<1x128xi32, #tpu.memory_space<vmem>> -> memref<128xi32, #tpu.memory_space<vmem>>
    %dma_start3A_378 = arith.constant 0 : i32
    %dma_start3A_379 = arith.constant 0 : i32
    %dma_start3A_380 = tpu.memref_slice %arg3[%dma_start3A_378, %dma_start3A_379] : memref<1001472x64xf32, #tpu.memory_space<hbm>> -> memref<1001472x64xf32, #tpu.memory_space<hbm>>
    tpu.enqueue_indirect_dma source(%dma_start3A_380 : memref<1001472x64xf32, #tpu.memory_space<hbm>>) target(%dma_start3A_374 : memref<128x64xf32, #tpu.memory_space<vmem>>) offsets(%dma_start3A_377 : memref<128xi32, #tpu.memory_space<vmem>>) semaphore(%arg9 : memref<!tpu.dma_semaphore, #tpu.memory_space<semaphore_mem>>)
    %dma_wait3A_381 = arith.constant 0 : i32
    %dma_wait3A_382 = arith.constant 6 : i32
    %dma_wait3A_383 = arith.constant 0 : i32
    %dma_wait3A_384 = arith.constant 0 : i32
    %dma_wait3A_385 = tpu.memref_slice %arg7[%dma_wait3A_382, %dma_wait3A_383, %dma_wait3A_384] : memref<8x128x64xf32, #tpu.memory_space<vmem>> -> memref<1x128x64xf32, #tpu.memory_space<vmem>>
    %dma_wait3A_386 = tpu.memref_squeeze %dma_wait3A_385 : memref<1x128x64xf32, #tpu.memory_space<vmem>> -> memref<128x64xf32, #tpu.memory_space<vmem>>
    %dma_wait3A_387 = arith.constant 0 : i32
    %dma_wait3A_388 = tpu.memref_slice %arg5[%dma_wait3A_381, %dma_wait3A_387] : memref<200x128xi32, #tpu.memory_space<vmem>> -> memref<1x128xi32, #tpu.memory_space<vmem>>
    %dma_wait3A_389 = tpu.memref_squeeze %dma_wait3A_388 : memref<1x128xi32, #tpu.memory_space<vmem>> -> memref<128xi32, #tpu.memory_space<vmem>>
    %dma_wait3A_390 = arith.constant 0 : i32
    %dma_wait3A_391 = arith.constant 0 : i32
    %dma_wait3A_392 = tpu.memref_slice %arg3[%dma_wait3A_390, %dma_wait3A_391] : memref<1001472x64xf32, #tpu.memory_space<hbm>> -> memref<1001472x64xf32, #tpu.memory_space<hbm>>
    tpu.wait_indirect_dma semaphore(%arg9 : memref<!tpu.dma_semaphore, #tpu.memory_space<semaphore_mem>>) src(%dma_wait3A_392 : memref<1001472x64xf32, #tpu.memory_space<hbm>>) dst(%dma_wait3A_386 : memref<128x64xf32, #tpu.memory_space<vmem>>)
    %dma_start3A_393 = arith.constant 6 : i32
    %dma_start3A_394 = arith.constant 0 : i32
    %dma_start3A_395 = arith.constant 0 : i32
    %dma_start3A_396 = tpu.memref_slice %arg7[%dma_start3A_393, %dma_start3A_394, %dma_start3A_395] : memref<8x128x64xf32, #tpu.memory_space<vmem>> -> memref<1x128x64xf32, #tpu.memory_space<vmem>>
    %dma_start3A_397 = tpu.memref_squeeze %dma_start3A_396 : memref<1x128x64xf32, #tpu.memory_space<vmem>> -> memref<128x64xf32, #tpu.memory_space<vmem>>
    %dma_start3A_398 = arith.constant 0 : i32
    %dma_start3A_399 = arith.constant 0 : i32
    %dma_start3A_400 = tpu.memref_slice %arg8[%dma_start3A_398, %dma_start3A_399] : memref<2048x64xf32, #tpu.memory_space<vmem_shared>> -> memref<2048x64xf32, #tpu.memory_space<vmem_shared>>
    tpu.enqueue_indirect_dma source(%dma_start3A_397 : memref<128x64xf32, #tpu.memory_space<vmem>>) target(%dma_start3A_400 : memref<2048x64xf32, #tpu.memory_space<vmem_shared>>) offsets(%arg6 : memref<128xi32, #tpu.memory_space<vmem>>) semaphore(%arg10 : memref<!tpu.dma_semaphore, #tpu.memory_space<semaphore_mem>>) {add = true}
    %dma_wait3A_401 = arith.constant 0 : i32
    %dma_wait3A_402 = arith.constant 0 : i32
    %dma_wait3A_403 = arith.constant 0 : i32
    %dma_wait3A_404 = tpu.memref_slice %arg7[%dma_wait3A_401, %dma_wait3A_402, %dma_wait3A_403] : memref<8x128x64xf32, #tpu.memory_space<vmem>> -> memref<1x128x64xf32, #tpu.memory_space<vmem>>
    %dma_wait3A_405 = tpu.memref_squeeze %dma_wait3A_404 : memref<1x128x64xf32, #tpu.memory_space<vmem>> -> memref<128x64xf32, #tpu.memory_space<vmem>>
    %dma_wait3A_406 = arith.constant 0 : i32
    %dma_wait3A_407 = arith.constant 0 : i32
    %dma_wait3A_408 = tpu.memref_slice %arg8[%dma_wait3A_406, %dma_wait3A_407] : memref<2048x64xf32, #tpu.memory_space<vmem_shared>> -> memref<2048x64xf32, #tpu.memory_space<vmem_shared>>
    tpu.wait_indirect_dma semaphore(%arg10 : memref<!tpu.dma_semaphore, #tpu.memory_space<semaphore_mem>>) src(%dma_wait3A_405 : memref<128x64xf32, #tpu.memory_space<vmem>>) dst(%dma_wait3A_408 : memref<2048x64xf32, #tpu.memory_space<vmem_shared>>)
    %dma_start3A_409 = arith.constant 12 : i32
    %dma_start3A_410 = arith.constant 4 : i32
    %dma_start3A_411 = arith.constant 0 : i32
    %dma_start3A_412 = arith.constant 0 : i32
    %dma_start3A_413 = tpu.memref_slice %arg7[%dma_start3A_410, %dma_start3A_411, %dma_start3A_412] : memref<8x128x64xf32, #tpu.memory_space<vmem>> -> memref<1x128x64xf32, #tpu.memory_space<vmem>>
    %dma_start3A_414 = tpu.memref_squeeze %dma_start3A_413 : memref<1x128x64xf32, #tpu.memory_space<vmem>> -> memref<128x64xf32, #tpu.memory_space<vmem>>
    %dma_start3A_415 = arith.constant 0 : i32
    %dma_start3A_416 = tpu.memref_slice %arg5[%dma_start3A_409, %dma_start3A_415] : memref<200x128xi32, #tpu.memory_space<vmem>> -> memref<1x128xi32, #tpu.memory_space<vmem>>
    %dma_start3A_417 = tpu.memref_squeeze %dma_start3A_416 : memref<1x128xi32, #tpu.memory_space<vmem>> -> memref<128xi32, #tpu.memory_space<vmem>>
    %dma_start3A_418 = arith.constant 0 : i32
    %dma_start3A_419 = arith.constant 0 : i32
    %dma_start3A_420 = tpu.memref_slice %arg3[%dma_start3A_418, %dma_start3A_419] : memref<1001472x64xf32, #tpu.memory_space<hbm>> -> memref<1001472x64xf32, #tpu.memory_space<hbm>>
    tpu.enqueue_indirect_dma source(%dma_start3A_420 : memref<1001472x64xf32, #tpu.memory_space<hbm>>) target(%dma_start3A_414 : memref<128x64xf32, #tpu.memory_space<vmem>>) offsets(%dma_start3A_417 : memref<128xi32, #tpu.memory_space<vmem>>) semaphore(%arg9 : memref<!tpu.dma_semaphore, #tpu.memory_space<semaphore_mem>>)
    %dma_wait3A_421 = arith.constant 0 : i32
    %dma_wait3A_422 = arith.constant 7 : i32
    %dma_wait3A_423 = arith.constant 0 : i32
    %dma_wait3A_424 = arith.constant 0 : i32
    %dma_wait3A_425 = tpu.memref_slice %arg7[%dma_wait3A_422, %dma_wait3A_423, %dma_wait3A_424] : memref<8x128x64xf32, #tpu.memory_space<vmem>> -> memref<1x128x64xf32, #tpu.memory_space<vmem>>
    %dma_wait3A_426 = tpu.memref_squeeze %dma_wait3A_425 : memref<1x128x64xf32, #tpu.memory_space<vmem>> -> memref<128x64xf32, #tpu.memory_space<vmem>>
    %dma_wait3A_427 = arith.constant 0 : i32
    %dma_wait3A_428 = tpu.memref_slice %arg5[%dma_wait3A_421, %dma_wait3A_427] : memref<200x128xi32, #tpu.memory_space<vmem>> -> memref<1x128xi32, #tpu.memory_space<vmem>>
    %dma_wait3A_429 = tpu.memref_squeeze %dma_wait3A_428 : memref<1x128xi32, #tpu.memory_space<vmem>> -> memref<128xi32, #tpu.memory_space<vmem>>
    %dma_wait3A_430 = arith.constant 0 : i32
    %dma_wait3A_431 = arith.constant 0 : i32
    %dma_wait3A_432 = tpu.memref_slice %arg3[%dma_wait3A_430, %dma_wait3A_431] : memref<1001472x64xf32, #tpu.memory_space<hbm>> -> memref<1001472x64xf32, #tpu.memory_space<hbm>>
    tpu.wait_indirect_dma semaphore(%arg9 : memref<!tpu.dma_semaphore, #tpu.memory_space<semaphore_mem>>) src(%dma_wait3A_432 : memref<1001472x64xf32, #tpu.memory_space<hbm>>) dst(%dma_wait3A_426 : memref<128x64xf32, #tpu.memory_space<vmem>>)
    %dma_start3A_433 = arith.constant 7 : i32
    %dma_start3A_434 = arith.constant 0 : i32
    %dma_start3A_435 = arith.constant 0 : i32
    %dma_start3A_436 = tpu.memref_slice %arg7[%dma_start3A_433, %dma_start3A_434, %dma_start3A_435] : memref<8x128x64xf32, #tpu.memory_space<vmem>> -> memref<1x128x64xf32, #tpu.memory_space<vmem>>
    %dma_start3A_437 = tpu.memref_squeeze %dma_start3A_436 : memref<1x128x64xf32, #tpu.memory_space<vmem>> -> memref<128x64xf32, #tpu.memory_space<vmem>>
    %dma_start3A_438 = arith.constant 0 : i32
    %dma_start3A_439 = arith.constant 0 : i32
    %dma_start3A_440 = tpu.memref_slice %arg8[%dma_start3A_438, %dma_start3A_439] : memref<2048x64xf32, #tpu.memory_space<vmem_shared>> -> memref<2048x64xf32, #tpu.memory_space<vmem_shared>>
    tpu.enqueue_indirect_dma source(%dma_start3A_437 : memref<128x64xf32, #tpu.memory_space<vmem>>) target(%dma_start3A_440 : memref<2048x64xf32, #tpu.memory_space<vmem_shared>>) offsets(%arg6 : memref<128xi32, #tpu.memory_space<vmem>>) semaphore(%arg10 : memref<!tpu.dma_semaphore, #tpu.memory_space<semaphore_mem>>) {add = true}
    %dma_wait3A_441 = arith.constant 0 : i32
    %dma_wait3A_442 = arith.constant 0 : i32
    %dma_wait3A_443 = arith.constant 0 : i32
    %dma_wait3A_444 = tpu.memref_slice %arg7[%dma_wait3A_441, %dma_wait3A_442, %dma_wait3A_443] : memref<8x128x64xf32, #tpu.memory_space<vmem>> -> memref<1x128x64xf32, #tpu.memory_space<vmem>>
    %dma_wait3A_445 = tpu.memref_squeeze %dma_wait3A_444 : memref<1x128x64xf32, #tpu.memory_space<vmem>> -> memref<128x64xf32, #tpu.memory_space<vmem>>
    %dma_wait3A_446 = arith.constant 0 : i32
    %dma_wait3A_447 = arith.constant 0 : i32
    %dma_wait3A_448 = tpu.memref_slice %arg8[%dma_wait3A_446, %dma_wait3A_447] : memref<2048x64xf32, #tpu.memory_space<vmem_shared>> -> memref<2048x64xf32, #tpu.memory_space<vmem_shared>>
    tpu.wait_indirect_dma semaphore(%arg10 : memref<!tpu.dma_semaphore, #tpu.memory_space<semaphore_mem>>) src(%dma_wait3A_445 : memref<128x64xf32, #tpu.memory_space<vmem>>) dst(%dma_wait3A_448 : memref<2048x64xf32, #tpu.memory_space<vmem_shared>>)
    %dma_start3A_449 = arith.constant 13 : i32
    %dma_start3A_450 = arith.constant 5 : i32
    %dma_start3A_451 = arith.constant 0 : i32
    %dma_start3A_452 = arith.constant 0 : i32
    %dma_start3A_453 = tpu.memref_slice %arg7[%dma_start3A_450, %dma_start3A_451, %dma_start3A_452] : memref<8x128x64xf32, #tpu.memory_space<vmem>> -> memref<1x128x64xf32, #tpu.memory_space<vmem>>
    %dma_start3A_454 = tpu.memref_squeeze %dma_start3A_453 : memref<1x128x64xf32, #tpu.memory_space<vmem>> -> memref<128x64xf32, #tpu.memory_space<vmem>>
    %dma_start3A_455 = arith.constant 0 : i32
    %dma_start3A_456 = tpu.memref_slice %arg5[%dma_start3A_449, %dma_start3A_455] : memref<200x128xi32, #tpu.memory_space<vmem>> -> memref<1x128xi32, #tpu.memory_space<vmem>>
    %dma_start3A_457 = tpu.memref_squeeze %dma_start3A_456 : memref<1x128xi32, #tpu.memory_space<vmem>> -> memref<128xi32, #tpu.memory_space<vmem>>
    %dma_start3A_458 = arith.constant 0 : i32
    %dma_start3A_459 = arith.constant 0 : i32
    %dma_start3A_460 = tpu.memref_slice %arg3[%dma_start3A_458, %dma_start3A_459] : memref<1001472x64xf32, #tpu.memory_space<hbm>> -> memref<1001472x64xf32, #tpu.memory_space<hbm>>
    tpu.enqueue_indirect_dma source(%dma_start3A_460 : memref<1001472x64xf32, #tpu.memory_space<hbm>>) target(%dma_start3A_454 : memref<128x64xf32, #tpu.memory_space<vmem>>) offsets(%dma_start3A_457 : memref<128xi32, #tpu.memory_space<vmem>>) semaphore(%arg9 : memref<!tpu.dma_semaphore, #tpu.memory_space<semaphore_mem>>)
    %scan3A_461 = arith.constant 0 : i32
    %scan3A_462 = arith.constant 1 : i32
    %scan3A_463 = arith.constant 23 : i32
    %scan3A_464 = arith.addi %scan3A_462, %scan3A_463 : i32
    %scan3A_465 = arith.constant 1 : i32
    scf.for %scan3A_731 = %scan3A_462 to %scan3A_464 step %scan3A_465  : i32 {
      %mul3A_732 = arith.constant 8 : i32
      %mul3A_733 = arith.muli %mul3A_732, %scan3A_731 : i32
      %dma_wait3A_734 = arith.constant 0 : i32
      %dma_wait3A_735 = arith.constant 0 : i32
      %dma_wait3A_736 = arith.constant 0 : i32
      %dma_wait3A_737 = arith.constant 0 : i32
      %dma_wait3A_738 = tpu.memref_slice %arg7[%dma_wait3A_735, %dma_wait3A_736, %dma_wait3A_737] : memref<8x128x64xf32, #tpu.memory_space<vmem>> -> memref<1x128x64xf32, #tpu.memory_space<vmem>>
      %dma_wait3A_739 = tpu.memref_squeeze %dma_wait3A_738 : memref<1x128x64xf32, #tpu.memory_space<vmem>> -> memref<128x64xf32, #tpu.memory_space<vmem>>
      %dma_wait3A_740 = arith.constant 0 : i32
      %dma_wait3A_741 = tpu.memref_slice %arg5[%dma_wait3A_734, %dma_wait3A_740] : memref<200x128xi32, #tpu.memory_space<vmem>> -> memref<1x128xi32, #tpu.memory_space<vmem>>
      %dma_wait3A_742 = tpu.memref_squeeze %dma_wait3A_741 : memref<1x128xi32, #tpu.memory_space<vmem>> -> memref<128xi32, #tpu.memory_space<vmem>>
      %dma_wait3A_743 = arith.constant 0 : i32
      %dma_wait3A_744 = arith.constant 0 : i32
      %dma_wait3A_745 = tpu.memref_slice %arg3[%dma_wait3A_743, %dma_wait3A_744] : memref<1001472x64xf32, #tpu.memory_space<hbm>> -> memref<1001472x64xf32, #tpu.memory_space<hbm>>
      tpu.wait_indirect_dma semaphore(%arg9 : memref<!tpu.dma_semaphore, #tpu.memory_space<semaphore_mem>>) src(%dma_wait3A_745 : memref<1001472x64xf32, #tpu.memory_space<hbm>>) dst(%dma_wait3A_739 : memref<128x64xf32, #tpu.memory_space<vmem>>)
      %dma_start3A_746 = arith.constant 0 : i32
      %dma_start3A_747 = arith.constant 0 : i32
      %dma_start3A_748 = arith.constant 0 : i32
      %dma_start3A_749 = tpu.memref_slice %arg7[%dma_start3A_746, %dma_start3A_747, %dma_start3A_748] : memref<8x128x64xf32, #tpu.memory_space<vmem>> -> memref<1x128x64xf32, #tpu.memory_space<vmem>>
      %dma_start3A_750 = tpu.memref_squeeze %dma_start3A_749 : memref<1x128x64xf32, #tpu.memory_space<vmem>> -> memref<128x64xf32, #tpu.memory_space<vmem>>
      %dma_start3A_751 = arith.constant 0 : i32
      %dma_start3A_752 = arith.constant 0 : i32
      %dma_start3A_753 = tpu.memref_slice %arg8[%dma_start3A_751, %dma_start3A_752] : memref<2048x64xf32, #tpu.memory_space<vmem_shared>> -> memref<2048x64xf32, #tpu.memory_space<vmem_shared>>
      tpu.enqueue_indirect_dma source(%dma_start3A_750 : memref<128x64xf32, #tpu.memory_space<vmem>>) target(%dma_start3A_753 : memref<2048x64xf32, #tpu.memory_space<vmem_shared>>) offsets(%arg6 : memref<128xi32, #tpu.memory_space<vmem>>) semaphore(%arg10 : memref<!tpu.dma_semaphore, #tpu.memory_space<semaphore_mem>>) {add = true}
      %dma_wait3A_754 = arith.constant 0 : i32
      %dma_wait3A_755 = arith.constant 0 : i32
      %dma_wait3A_756 = arith.constant 0 : i32
      %dma_wait3A_757 = tpu.memref_slice %arg7[%dma_wait3A_754, %dma_wait3A_755, %dma_wait3A_756] : memref<8x128x64xf32, #tpu.memory_space<vmem>> -> memref<1x128x64xf32, #tpu.memory_space<vmem>>
      %dma_wait3A_758 = tpu.memref_squeeze %dma_wait3A_757 : memref<1x128x64xf32, #tpu.memory_space<vmem>> -> memref<128x64xf32, #tpu.memory_space<vmem>>
      %dma_wait3A_759 = arith.constant 0 : i32
      %dma_wait3A_760 = arith.constant 0 : i32
      %dma_wait3A_761 = tpu.memref_slice %arg8[%dma_wait3A_759, %dma_wait3A_760] : memref<2048x64xf32, #tpu.memory_space<vmem_shared>> -> memref<2048x64xf32, #tpu.memory_space<vmem_shared>>
      tpu.wait_indirect_dma semaphore(%arg10 : memref<!tpu.dma_semaphore, #tpu.memory_space<semaphore_mem>>) src(%dma_wait3A_758 : memref<128x64xf32, #tpu.memory_space<vmem>>) dst(%dma_wait3A_761 : memref<2048x64xf32, #tpu.memory_space<vmem_shared>>)
      %add3A_762 = arith.constant 0 : i32
      %add3A_763 = arith.addi %mul3A_733, %add3A_762 : i32
      %add3A_764 = arith.constant 6 : i32
      %add3A_765 = arith.addi %add3A_763, %add3A_764 : i32
      %dma_start3A_766 = arith.constant 6 : i32
      %dma_start3A_767 = arith.constant 0 : i32
      %dma_start3A_768 = arith.constant 0 : i32
      %dma_start3A_769 = tpu.memref_slice %arg7[%dma_start3A_766, %dma_start3A_767, %dma_start3A_768] : memref<8x128x64xf32, #tpu.memory_space<vmem>> -> memref<1x128x64xf32, #tpu.memory_space<vmem>>
      %dma_start3A_770 = tpu.memref_squeeze %dma_start3A_769 : memref<1x128x64xf32, #tpu.memory_space<vmem>> -> memref<128x64xf32, #tpu.memory_space<vmem>>
      %dma_start3A_771 = arith.constant 0 : i32
      %dma_start3A_772 = tpu.memref_slice %arg5[%add3A_765, %dma_start3A_771] : memref<200x128xi32, #tpu.memory_space<vmem>> -> memref<1x128xi32, #tpu.memory_space<vmem>>
      %dma_start3A_773 = tpu.memref_squeeze %dma_start3A_772 : memref<1x128xi32, #tpu.memory_space<vmem>> -> memref<128xi32, #tpu.memory_space<vmem>>
      %dma_start3A_774 = arith.constant 0 : i32
      %dma_start3A_775 = arith.constant 0 : i32
      %dma_start3A_776 = tpu.memref_slice %arg3[%dma_start3A_774, %dma_start3A_775] : memref<1001472x64xf32, #tpu.memory_space<hbm>> -> memref<1001472x64xf32, #tpu.memory_space<hbm>>
      tpu.enqueue_indirect_dma source(%dma_start3A_776 : memref<1001472x64xf32, #tpu.memory_space<hbm>>) target(%dma_start3A_770 : memref<128x64xf32, #tpu.memory_space<vmem>>) offsets(%dma_start3A_773 : memref<128xi32, #tpu.memory_space<vmem>>) semaphore(%arg9 : memref<!tpu.dma_semaphore, #tpu.memory_space<semaphore_mem>>)
      %dma_wait3A_777 = arith.constant 0 : i32
      %dma_wait3A_778 = arith.constant 1 : i32
      %dma_wait3A_779 = arith.constant 0 : i32
      %dma_wait3A_780 = arith.constant 0 : i32
      %dma_wait3A_781 = tpu.memref_slice %arg7[%dma_wait3A_778, %dma_wait3A_779, %dma_wait3A_780] : memref<8x128x64xf32, #tpu.memory_space<vmem>> -> memref<1x128x64xf32, #tpu.memory_space<vmem>>
      %dma_wait3A_782 = tpu.memref_squeeze %dma_wait3A_781 : memref<1x128x64xf32, #tpu.memory_space<vmem>> -> memref<128x64xf32, #tpu.memory_space<vmem>>
      %dma_wait3A_783 = arith.constant 0 : i32
      %dma_wait3A_784 = tpu.memref_slice %arg5[%dma_wait3A_777, %dma_wait3A_783] : memref<200x128xi32, #tpu.memory_space<vmem>> -> memref<1x128xi32, #tpu.memory_space<vmem>>
      %dma_wait3A_785 = tpu.memref_squeeze %dma_wait3A_784 : memref<1x128xi32, #tpu.memory_space<vmem>> -> memref<128xi32, #tpu.memory_space<vmem>>
      %dma_wait3A_786 = arith.constant 0 : i32
      %dma_wait3A_787 = arith.constant 0 : i32
      %dma_wait3A_788 = tpu.memref_slice %arg3[%dma_wait3A_786, %dma_wait3A_787] : memref<1001472x64xf32, #tpu.memory_space<hbm>> -> memref<1001472x64xf32, #tpu.memory_space<hbm>>
      tpu.wait_indirect_dma semaphore(%arg9 : memref<!tpu.dma_semaphore, #tpu.memory_space<semaphore_mem>>) src(%dma_wait3A_788 : memref<1001472x64xf32, #tpu.memory_space<hbm>>) dst(%dma_wait3A_782 : memref<128x64xf32, #tpu.memory_space<vmem>>)
      %dma_start3A_789 = arith.constant 1 : i32
      %dma_start3A_790 = arith.constant 0 : i32
      %dma_start3A_791 = arith.constant 0 : i32
      %dma_start3A_792 = tpu.memref_slice %arg7[%dma_start3A_789, %dma_start3A_790, %dma_start3A_791] : memref<8x128x64xf32, #tpu.memory_space<vmem>> -> memref<1x128x64xf32, #tpu.memory_space<vmem>>
      %dma_start3A_793 = tpu.memref_squeeze %dma_start3A_792 : memref<1x128x64xf32, #tpu.memory_space<vmem>> -> memref<128x64xf32, #tpu.memory_space<vmem>>
      %dma_start3A_794 = arith.constant 0 : i32
      %dma_start3A_795 = arith.constant 0 : i32
      %dma_start3A_796 = tpu.memref_slice %arg8[%dma_start3A_794, %dma_start3A_795] : memref<2048x64xf32, #tpu.memory_space<vmem_shared>> -> memref<2048x64xf32, #tpu.memory_space<vmem_shared>>
      tpu.enqueue_indirect_dma source(%dma_start3A_793 : memref<128x64xf32, #tpu.memory_space<vmem>>) target(%dma_start3A_796 : memref<2048x64xf32, #tpu.memory_space<vmem_shared>>) offsets(%arg6 : memref<128xi32, #tpu.memory_space<vmem>>) semaphore(%arg10 : memref<!tpu.dma_semaphore, #tpu.memory_space<semaphore_mem>>) {add = true}
      %dma_wait3A_797 = arith.constant 0 : i32
      %dma_wait3A_798 = arith.constant 0 : i32
      %dma_wait3A_799 = arith.constant 0 : i32
      %dma_wait3A_800 = tpu.memref_slice %arg7[%dma_wait3A_797, %dma_wait3A_798, %dma_wait3A_799] : memref<8x128x64xf32, #tpu.memory_space<vmem>> -> memref<1x128x64xf32, #tpu.memory_space<vmem>>
      %dma_wait3A_801 = tpu.memref_squeeze %dma_wait3A_800 : memref<1x128x64xf32, #tpu.memory_space<vmem>> -> memref<128x64xf32, #tpu.memory_space<vmem>>
      %dma_wait3A_802 = arith.constant 0 : i32
      %dma_wait3A_803 = arith.constant 0 : i32
      %dma_wait3A_804 = tpu.memref_slice %arg8[%dma_wait3A_802, %dma_wait3A_803] : memref<2048x64xf32, #tpu.memory_space<vmem_shared>> -> memref<2048x64xf32, #tpu.memory_space<vmem_shared>>
      tpu.wait_indirect_dma semaphore(%arg10 : memref<!tpu.dma_semaphore, #tpu.memory_space<semaphore_mem>>) src(%dma_wait3A_801 : memref<128x64xf32, #tpu.memory_space<vmem>>) dst(%dma_wait3A_804 : memref<2048x64xf32, #tpu.memory_space<vmem_shared>>)
      %add3A_805 = arith.constant 1 : i32
      %add3A_806 = arith.addi %mul3A_733, %add3A_805 : i32
      %add3A_807 = arith.constant 6 : i32
      %add3A_808 = arith.addi %add3A_806, %add3A_807 : i32
      %dma_start3A_809 = arith.constant 7 : i32
      %dma_start3A_810 = arith.constant 0 : i32
      %dma_start3A_811 = arith.constant 0 : i32
      %dma_start3A_812 = tpu.memref_slice %arg7[%dma_start3A_809, %dma_start3A_810, %dma_start3A_811] : memref<8x128x64xf32, #tpu.memory_space<vmem>> -> memref<1x128x64xf32, #tpu.memory_space<vmem>>
      %dma_start3A_813 = tpu.memref_squeeze %dma_start3A_812 : memref<1x128x64xf32, #tpu.memory_space<vmem>> -> memref<128x64xf32, #tpu.memory_space<vmem>>
      %dma_start3A_814 = arith.constant 0 : i32
      %dma_start3A_815 = tpu.memref_slice %arg5[%add3A_808, %dma_start3A_814] : memref<200x128xi32, #tpu.memory_space<vmem>> -> memref<1x128xi32, #tpu.memory_space<vmem>>
      %dma_start3A_816 = tpu.memref_squeeze %dma_start3A_815 : memref<1x128xi32, #tpu.memory_space<vmem>> -> memref<128xi32, #tpu.memory_space<vmem>>
      %dma_start3A_817 = arith.constant 0 : i32
      %dma_start3A_818 = arith.constant 0 : i32
      %dma_start3A_819 = tpu.memref_slice %arg3[%dma_start3A_817, %dma_start3A_818] : memref<1001472x64xf32, #tpu.memory_space<hbm>> -> memref<1001472x64xf32, #tpu.memory_space<hbm>>
      tpu.enqueue_indirect_dma source(%dma_start3A_819 : memref<1001472x64xf32, #tpu.memory_space<hbm>>) target(%dma_start3A_813 : memref<128x64xf32, #tpu.memory_space<vmem>>) offsets(%dma_start3A_816 : memref<128xi32, #tpu.memory_space<vmem>>) semaphore(%arg9 : memref<!tpu.dma_semaphore, #tpu.memory_space<semaphore_mem>>)
      %dma_wait3A_820 = arith.constant 0 : i32
      %dma_wait3A_821 = arith.constant 2 : i32
      %dma_wait3A_822 = arith.constant 0 : i32
      %dma_wait3A_823 = arith.constant 0 : i32
      %dma_wait3A_824 = tpu.memref_slice %arg7[%dma_wait3A_821, %dma_wait3A_822, %dma_wait3A_823] : memref<8x128x64xf32, #tpu.memory_space<vmem>> -> memref<1x128x64xf32, #tpu.memory_space<vmem>>
      %dma_wait3A_825 = tpu.memref_squeeze %dma_wait3A_824 : memref<1x128x64xf32, #tpu.memory_space<vmem>> -> memref<128x64xf32, #tpu.memory_space<vmem>>
      %dma_wait3A_826 = arith.constant 0 : i32
      %dma_wait3A_827 = tpu.memref_slice %arg5[%dma_wait3A_820, %dma_wait3A_826] : memref<200x128xi32, #tpu.memory_space<vmem>> -> memref<1x128xi32, #tpu.memory_space<vmem>>
      %dma_wait3A_828 = tpu.memref_squeeze %dma_wait3A_827 : memref<1x128xi32, #tpu.memory_space<vmem>> -> memref<128xi32, #tpu.memory_space<vmem>>
      %dma_wait3A_829 = arith.constant 0 : i32
      %dma_wait3A_830 = arith.constant 0 : i32
      %dma_wait3A_831 = tpu.memref_slice %arg3[%dma_wait3A_829, %dma_wait3A_830] : memref<1001472x64xf32, #tpu.memory_space<hbm>> -> memref<1001472x64xf32, #tpu.memory_space<hbm>>
      tpu.wait_indirect_dma semaphore(%arg9 : memref<!tpu.dma_semaphore, #tpu.memory_space<semaphore_mem>>) src(%dma_wait3A_831 : memref<1001472x64xf32, #tpu.memory_space<hbm>>) dst(%dma_wait3A_825 : memref<128x64xf32, #tpu.memory_space<vmem>>)
      %dma_start3A_832 = arith.constant 2 : i32
      %dma_start3A_833 = arith.constant 0 : i32
      %dma_start3A_834 = arith.constant 0 : i32
      %dma_start3A_835 = tpu.memref_slice %arg7[%dma_start3A_832, %dma_start3A_833, %dma_start3A_834] : memref<8x128x64xf32, #tpu.memory_space<vmem>> -> memref<1x128x64xf32, #tpu.memory_space<vmem>>
      %dma_start3A_836 = tpu.memref_squeeze %dma_start3A_835 : memref<1x128x64xf32, #tpu.memory_space<vmem>> -> memref<128x64xf32, #tpu.memory_space<vmem>>
      %dma_start3A_837 = arith.constant 0 : i32
      %dma_start3A_838 = arith.constant 0 : i32
      %dma_start3A_839 = tpu.memref_slice %arg8[%dma_start3A_837, %dma_start3A_838] : memref<2048x64xf32, #tpu.memory_space<vmem_shared>> -> memref<2048x64xf32, #tpu.memory_space<vmem_shared>>
      tpu.enqueue_indirect_dma source(%dma_start3A_836 : memref<128x64xf32, #tpu.memory_space<vmem>>) target(%dma_start3A_839 : memref<2048x64xf32, #tpu.memory_space<vmem_shared>>) offsets(%arg6 : memref<128xi32, #tpu.memory_space<vmem>>) semaphore(%arg10 : memref<!tpu.dma_semaphore, #tpu.memory_space<semaphore_mem>>) {add = true}
      %dma_wait3A_840 = arith.constant 0 : i32
      %dma_wait3A_841 = arith.constant 0 : i32
      %dma_wait3A_842 = arith.constant 0 : i32
      %dma_wait3A_843 = tpu.memref_slice %arg7[%dma_wait3A_840, %dma_wait3A_841, %dma_wait3A_842] : memref<8x128x64xf32, #tpu.memory_space<vmem>> -> memref<1x128x64xf32, #tpu.memory_space<vmem>>
      %dma_wait3A_844 = tpu.memref_squeeze %dma_wait3A_843 : memref<1x128x64xf32, #tpu.memory_space<vmem>> -> memref<128x64xf32, #tpu.memory_space<vmem>>
      %dma_wait3A_845 = arith.constant 0 : i32
      %dma_wait3A_846 = arith.constant 0 : i32
      %dma_wait3A_847 = tpu.memref_slice %arg8[%dma_wait3A_845, %dma_wait3A_846] : memref<2048x64xf32, #tpu.memory_space<vmem_shared>> -> memref<2048x64xf32, #tpu.memory_space<vmem_shared>>
      tpu.wait_indirect_dma semaphore(%arg10 : memref<!tpu.dma_semaphore, #tpu.memory_space<semaphore_mem>>) src(%dma_wait3A_844 : memref<128x64xf32, #tpu.memory_space<vmem>>) dst(%dma_wait3A_847 : memref<2048x64xf32, #tpu.memory_space<vmem_shared>>)
      %add3A_848 = arith.constant 2 : i32
      %add3A_849 = arith.addi %mul3A_733, %add3A_848 : i32
      %add3A_850 = arith.constant 6 : i32
      %add3A_851 = arith.addi %add3A_849, %add3A_850 : i32
      %dma_start3A_852 = arith.constant 0 : i32
      %dma_start3A_853 = arith.constant 0 : i32
      %dma_start3A_854 = arith.constant 0 : i32
      %dma_start3A_855 = tpu.memref_slice %arg7[%dma_start3A_852, %dma_start3A_853, %dma_start3A_854] : memref<8x128x64xf32, #tpu.memory_space<vmem>> -> memref<1x128x64xf32, #tpu.memory_space<vmem>>
      %dma_start3A_856 = tpu.memref_squeeze %dma_start3A_855 : memref<1x128x64xf32, #tpu.memory_space<vmem>> -> memref<128x64xf32, #tpu.memory_space<vmem>>
      %dma_start3A_857 = arith.constant 0 : i32
      %dma_start3A_858 = tpu.memref_slice %arg5[%add3A_851, %dma_start3A_857] : memref<200x128xi32, #tpu.memory_space<vmem>> -> memref<1x128xi32, #tpu.memory_space<vmem>>
      %dma_start3A_859 = tpu.memref_squeeze %dma_start3A_858 : memref<1x128xi32, #tpu.memory_space<vmem>> -> memref<128xi32, #tpu.memory_space<vmem>>
      %dma_start3A_860 = arith.constant 0 : i32
      %dma_start3A_861 = arith.constant 0 : i32
      %dma_start3A_862 = tpu.memref_slice %arg3[%dma_start3A_860, %dma_start3A_861] : memref<1001472x64xf32, #tpu.memory_space<hbm>> -> memref<1001472x64xf32, #tpu.memory_space<hbm>>
      tpu.enqueue_indirect_dma source(%dma_start3A_862 : memref<1001472x64xf32, #tpu.memory_space<hbm>>) target(%dma_start3A_856 : memref<128x64xf32, #tpu.memory_space<vmem>>) offsets(%dma_start3A_859 : memref<128xi32, #tpu.memory_space<vmem>>) semaphore(%arg9 : memref<!tpu.dma_semaphore, #tpu.memory_space<semaphore_mem>>)
      %dma_wait3A_863 = arith.constant 0 : i32
      %dma_wait3A_864 = arith.constant 3 : i32
      %dma_wait3A_865 = arith.constant 0 : i32
      %dma_wait3A_866 = arith.constant 0 : i32
      %dma_wait3A_867 = tpu.memref_slice %arg7[%dma_wait3A_864, %dma_wait3A_865, %dma_wait3A_866] : memref<8x128x64xf32, #tpu.memory_space<vmem>> -> memref<1x128x64xf32, #tpu.memory_space<vmem>>
      %dma_wait3A_868 = tpu.memref_squeeze %dma_wait3A_867 : memref<1x128x64xf32, #tpu.memory_space<vmem>> -> memref<128x64xf32, #tpu.memory_space<vmem>>
      %dma_wait3A_869 = arith.constant 0 : i32
      %dma_wait3A_870 = tpu.memref_slice %arg5[%dma_wait3A_863, %dma_wait3A_869] : memref<200x128xi32, #tpu.memory_space<vmem>> -> memref<1x128xi32, #tpu.memory_space<vmem>>
      %dma_wait3A_871 = tpu.memref_squeeze %dma_wait3A_870 : memref<1x128xi32, #tpu.memory_space<vmem>> -> memref<128xi32, #tpu.memory_space<vmem>>
      %dma_wait3A_872 = arith.constant 0 : i32
      %dma_wait3A_873 = arith.constant 0 : i32
      %dma_wait3A_874 = tpu.memref_slice %arg3[%dma_wait3A_872, %dma_wait3A_873] : memref<1001472x64xf32, #tpu.memory_space<hbm>> -> memref<1001472x64xf32, #tpu.memory_space<hbm>>
      tpu.wait_indirect_dma semaphore(%arg9 : memref<!tpu.dma_semaphore, #tpu.memory_space<semaphore_mem>>) src(%dma_wait3A_874 : memref<1001472x64xf32, #tpu.memory_space<hbm>>) dst(%dma_wait3A_868 : memref<128x64xf32, #tpu.memory_space<vmem>>)
      %dma_start3A_875 = arith.constant 3 : i32
      %dma_start3A_876 = arith.constant 0 : i32
      %dma_start3A_877 = arith.constant 0 : i32
      %dma_start3A_878 = tpu.memref_slice %arg7[%dma_start3A_875, %dma_start3A_876, %dma_start3A_877] : memref<8x128x64xf32, #tpu.memory_space<vmem>> -> memref<1x128x64xf32, #tpu.memory_space<vmem>>
      %dma_start3A_879 = tpu.memref_squeeze %dma_start3A_878 : memref<1x128x64xf32, #tpu.memory_space<vmem>> -> memref<128x64xf32, #tpu.memory_space<vmem>>
      %dma_start3A_880 = arith.constant 0 : i32
      %dma_start3A_881 = arith.constant 0 : i32
      %dma_start3A_882 = tpu.memref_slice %arg8[%dma_start3A_880, %dma_start3A_881] : memref<2048x64xf32, #tpu.memory_space<vmem_shared>> -> memref<2048x64xf32, #tpu.memory_space<vmem_shared>>
      tpu.enqueue_indirect_dma source(%dma_start3A_879 : memref<128x64xf32, #tpu.memory_space<vmem>>) target(%dma_start3A_882 : memref<2048x64xf32, #tpu.memory_space<vmem_shared>>) offsets(%arg6 : memref<128xi32, #tpu.memory_space<vmem>>) semaphore(%arg10 : memref<!tpu.dma_semaphore, #tpu.memory_space<semaphore_mem>>) {add = true}
      %dma_wait3A_883 = arith.constant 0 : i32
      %dma_wait3A_884 = arith.constant 0 : i32
      %dma_wait3A_885 = arith.constant 0 : i32
      %dma_wait3A_886 = tpu.memref_slice %arg7[%dma_wait3A_883, %dma_wait3A_884, %dma_wait3A_885] : memref<8x128x64xf32, #tpu.memory_space<vmem>> -> memref<1x128x64xf32, #tpu.memory_space<vmem>>
      %dma_wait3A_887 = tpu.memref_squeeze %dma_wait3A_886 : memref<1x128x64xf32, #tpu.memory_space<vmem>> -> memref<128x64xf32, #tpu.memory_space<vmem>>
      %dma_wait3A_888 = arith.constant 0 : i32
      %dma_wait3A_889 = arith.constant 0 : i32
      %dma_wait3A_890 = tpu.memref_slice %arg8[%dma_wait3A_888, %dma_wait3A_889] : memref<2048x64xf32, #tpu.memory_space<vmem_shared>> -> memref<2048x64xf32, #tpu.memory_space<vmem_shared>>
      tpu.wait_indirect_dma semaphore(%arg10 : memref<!tpu.dma_semaphore, #tpu.memory_space<semaphore_mem>>) src(%dma_wait3A_887 : memref<128x64xf32, #tpu.memory_space<vmem>>) dst(%dma_wait3A_890 : memref<2048x64xf32, #tpu.memory_space<vmem_shared>>)
      %add3A_891 = arith.constant 3 : i32
      %add3A_892 = arith.addi %mul3A_733, %add3A_891 : i32
      %add3A_893 = arith.constant 6 : i32
      %add3A_894 = arith.addi %add3A_892, %add3A_893 : i32
      %dma_start3A_895 = arith.constant 1 : i32
      %dma_start3A_896 = arith.constant 0 : i32
      %dma_start3A_897 = arith.constant 0 : i32
      %dma_start3A_898 = tpu.memref_slice %arg7[%dma_start3A_895, %dma_start3A_896, %dma_start3A_897] : memref<8x128x64xf32, #tpu.memory_space<vmem>> -> memref<1x128x64xf32, #tpu.memory_space<vmem>>
      %dma_start3A_899 = tpu.memref_squeeze %dma_start3A_898 : memref<1x128x64xf32, #tpu.memory_space<vmem>> -> memref<128x64xf32, #tpu.memory_space<vmem>>
      %dma_start3A_900 = arith.constant 0 : i32
      %dma_start3A_901 = tpu.memref_slice %arg5[%add3A_894, %dma_start3A_900] : memref<200x128xi32, #tpu.memory_space<vmem>> -> memref<1x128xi32, #tpu.memory_space<vmem>>
      %dma_start3A_902 = tpu.memref_squeeze %dma_start3A_901 : memref<1x128xi32, #tpu.memory_space<vmem>> -> memref<128xi32, #tpu.memory_space<vmem>>
      %dma_start3A_903 = arith.constant 0 : i32
      %dma_start3A_904 = arith.constant 0 : i32
      %dma_start3A_905 = tpu.memref_slice %arg3[%dma_start3A_903, %dma_start3A_904] : memref<1001472x64xf32, #tpu.memory_space<hbm>> -> memref<1001472x64xf32, #tpu.memory_space<hbm>>
      tpu.enqueue_indirect_dma source(%dma_start3A_905 : memref<1001472x64xf32, #tpu.memory_space<hbm>>) target(%dma_start3A_899 : memref<128x64xf32, #tpu.memory_space<vmem>>) offsets(%dma_start3A_902 : memref<128xi32, #tpu.memory_space<vmem>>) semaphore(%arg9 : memref<!tpu.dma_semaphore, #tpu.memory_space<semaphore_mem>>)
      %dma_wait3A_906 = arith.constant 0 : i32
      %dma_wait3A_907 = arith.constant 4 : i32
      %dma_wait3A_908 = arith.constant 0 : i32
      %dma_wait3A_909 = arith.constant 0 : i32
      %dma_wait3A_910 = tpu.memref_slice %arg7[%dma_wait3A_907, %dma_wait3A_908, %dma_wait3A_909] : memref<8x128x64xf32, #tpu.memory_space<vmem>> -> memref<1x128x64xf32, #tpu.memory_space<vmem>>
      %dma_wait3A_911 = tpu.memref_squeeze %dma_wait3A_910 : memref<1x128x64xf32, #tpu.memory_space<vmem>> -> memref<128x64xf32, #tpu.memory_space<vmem>>
      %dma_wait3A_912 = arith.constant 0 : i32
      %dma_wait3A_913 = tpu.memref_slice %arg5[%dma_wait3A_906, %dma_wait3A_912] : memref<200x128xi32, #tpu.memory_space<vmem>> -> memref<1x128xi32, #tpu.memory_space<vmem>>
      %dma_wait3A_914 = tpu.memref_squeeze %dma_wait3A_913 : memref<1x128xi32, #tpu.memory_space<vmem>> -> memref<128xi32, #tpu.memory_space<vmem>>
      %dma_wait3A_915 = arith.constant 0 : i32
      %dma_wait3A_916 = arith.constant 0 : i32
      %dma_wait3A_917 = tpu.memref_slice %arg3[%dma_wait3A_915, %dma_wait3A_916] : memref<1001472x64xf32, #tpu.memory_space<hbm>> -> memref<1001472x64xf32, #tpu.memory_space<hbm>>
      tpu.wait_indirect_dma semaphore(%arg9 : memref<!tpu.dma_semaphore, #tpu.memory_space<semaphore_mem>>) src(%dma_wait3A_917 : memref<1001472x64xf32, #tpu.memory_space<hbm>>) dst(%dma_wait3A_911 : memref<128x64xf32, #tpu.memory_space<vmem>>)
      %dma_start3A_918 = arith.constant 4 : i32
      %dma_start3A_919 = arith.constant 0 : i32
      %dma_start3A_920 = arith.constant 0 : i32
      %dma_start3A_921 = tpu.memref_slice %arg7[%dma_start3A_918, %dma_start3A_919, %dma_start3A_920] : memref<8x128x64xf32, #tpu.memory_space<vmem>> -> memref<1x128x64xf32, #tpu.memory_space<vmem>>
      %dma_start3A_922 = tpu.memref_squeeze %dma_start3A_921 : memref<1x128x64xf32, #tpu.memory_space<vmem>> -> memref<128x64xf32, #tpu.memory_space<vmem>>
      %dma_start3A_923 = arith.constant 0 : i32
      %dma_start3A_924 = arith.constant 0 : i32
      %dma_start3A_925 = tpu.memref_slice %arg8[%dma_start3A_923, %dma_start3A_924] : memref<2048x64xf32, #tpu.memory_space<vmem_shared>> -> memref<2048x64xf32, #tpu.memory_space<vmem_shared>>
      tpu.enqueue_indirect_dma source(%dma_start3A_922 : memref<128x64xf32, #tpu.memory_space<vmem>>) target(%dma_start3A_925 : memref<2048x64xf32, #tpu.memory_space<vmem_shared>>) offsets(%arg6 : memref<128xi32, #tpu.memory_space<vmem>>) semaphore(%arg10 : memref<!tpu.dma_semaphore, #tpu.memory_space<semaphore_mem>>) {add = true}
      %dma_wait3A_926 = arith.constant 0 : i32
      %dma_wait3A_927 = arith.constant 0 : i32
      %dma_wait3A_928 = arith.constant 0 : i32
      %dma_wait3A_929 = tpu.memref_slice %arg7[%dma_wait3A_926, %dma_wait3A_927, %dma_wait3A_928] : memref<8x128x64xf32, #tpu.memory_space<vmem>> -> memref<1x128x64xf32, #tpu.memory_space<vmem>>
      %dma_wait3A_930 = tpu.memref_squeeze %dma_wait3A_929 : memref<1x128x64xf32, #tpu.memory_space<vmem>> -> memref<128x64xf32, #tpu.memory_space<vmem>>
      %dma_wait3A_931 = arith.constant 0 : i32
      %dma_wait3A_932 = arith.constant 0 : i32
      %dma_wait3A_933 = tpu.memref_slice %arg8[%dma_wait3A_931, %dma_wait3A_932] : memref<2048x64xf32, #tpu.memory_space<vmem_shared>> -> memref<2048x64xf32, #tpu.memory_space<vmem_shared>>
      tpu.wait_indirect_dma semaphore(%arg10 : memref<!tpu.dma_semaphore, #tpu.memory_space<semaphore_mem>>) src(%dma_wait3A_930 : memref<128x64xf32, #tpu.memory_space<vmem>>) dst(%dma_wait3A_933 : memref<2048x64xf32, #tpu.memory_space<vmem_shared>>)
      %add3A_934 = arith.constant 4 : i32
      %add3A_935 = arith.addi %mul3A_733, %add3A_934 : i32
      %add3A_936 = arith.constant 6 : i32
      %add3A_937 = arith.addi %add3A_935, %add3A_936 : i32
      %dma_start3A_938 = arith.constant 2 : i32
      %dma_start3A_939 = arith.constant 0 : i32
      %dma_start3A_940 = arith.constant 0 : i32
      %dma_start3A_941 = tpu.memref_slice %arg7[%dma_start3A_938, %dma_start3A_939, %dma_start3A_940] : memref<8x128x64xf32, #tpu.memory_space<vmem>> -> memref<1x128x64xf32, #tpu.memory_space<vmem>>
      %dma_start3A_942 = tpu.memref_squeeze %dma_start3A_941 : memref<1x128x64xf32, #tpu.memory_space<vmem>> -> memref<128x64xf32, #tpu.memory_space<vmem>>
      %dma_start3A_943 = arith.constant 0 : i32
      %dma_start3A_944 = tpu.memref_slice %arg5[%add3A_937, %dma_start3A_943] : memref<200x128xi32, #tpu.memory_space<vmem>> -> memref<1x128xi32, #tpu.memory_space<vmem>>
      %dma_start3A_945 = tpu.memref_squeeze %dma_start3A_944 : memref<1x128xi32, #tpu.memory_space<vmem>> -> memref<128xi32, #tpu.memory_space<vmem>>
      %dma_start3A_946 = arith.constant 0 : i32
      %dma_start3A_947 = arith.constant 0 : i32
      %dma_start3A_948 = tpu.memref_slice %arg3[%dma_start3A_946, %dma_start3A_947] : memref<1001472x64xf32, #tpu.memory_space<hbm>> -> memref<1001472x64xf32, #tpu.memory_space<hbm>>
      tpu.enqueue_indirect_dma source(%dma_start3A_948 : memref<1001472x64xf32, #tpu.memory_space<hbm>>) target(%dma_start3A_942 : memref<128x64xf32, #tpu.memory_space<vmem>>) offsets(%dma_start3A_945 : memref<128xi32, #tpu.memory_space<vmem>>) semaphore(%arg9 : memref<!tpu.dma_semaphore, #tpu.memory_space<semaphore_mem>>)
      %dma_wait3A_949 = arith.constant 0 : i32
      %dma_wait3A_950 = arith.constant 5 : i32
      %dma_wait3A_951 = arith.constant 0 : i32
      %dma_wait3A_952 = arith.constant 0 : i32
      %dma_wait3A_953 = tpu.memref_slice %arg7[%dma_wait3A_950, %dma_wait3A_951, %dma_wait3A_952] : memref<8x128x64xf32, #tpu.memory_space<vmem>> -> memref<1x128x64xf32, #tpu.memory_space<vmem>>
      %dma_wait3A_954 = tpu.memref_squeeze %dma_wait3A_953 : memref<1x128x64xf32, #tpu.memory_space<vmem>> -> memref<128x64xf32, #tpu.memory_space<vmem>>
      %dma_wait3A_955 = arith.constant 0 : i32
      %dma_wait3A_956 = tpu.memref_slice %arg5[%dma_wait3A_949, %dma_wait3A_955] : memref<200x128xi32, #tpu.memory_space<vmem>> -> memref<1x128xi32, #tpu.memory_space<vmem>>
      %dma_wait3A_957 = tpu.memref_squeeze %dma_wait3A_956 : memref<1x128xi32, #tpu.memory_space<vmem>> -> memref<128xi32, #tpu.memory_space<vmem>>
      %dma_wait3A_958 = arith.constant 0 : i32
      %dma_wait3A_959 = arith.constant 0 : i32
      %dma_wait3A_960 = tpu.memref_slice %arg3[%dma_wait3A_958, %dma_wait3A_959] : memref<1001472x64xf32, #tpu.memory_space<hbm>> -> memref<1001472x64xf32, #tpu.memory_space<hbm>>
      tpu.wait_indirect_dma semaphore(%arg9 : memref<!tpu.dma_semaphore, #tpu.memory_space<semaphore_mem>>) src(%dma_wait3A_960 : memref<1001472x64xf32, #tpu.memory_space<hbm>>) dst(%dma_wait3A_954 : memref<128x64xf32, #tpu.memory_space<vmem>>)
      %dma_start3A_961 = arith.constant 5 : i32
      %dma_start3A_962 = arith.constant 0 : i32
      %dma_start3A_963 = arith.constant 0 : i32
      %dma_start3A_964 = tpu.memref_slice %arg7[%dma_start3A_961, %dma_start3A_962, %dma_start3A_963] : memref<8x128x64xf32, #tpu.memory_space<vmem>> -> memref<1x128x64xf32, #tpu.memory_space<vmem>>
      %dma_start3A_965 = tpu.memref_squeeze %dma_start3A_964 : memref<1x128x64xf32, #tpu.memory_space<vmem>> -> memref<128x64xf32, #tpu.memory_space<vmem>>
      %dma_start3A_966 = arith.constant 0 : i32
      %dma_start3A_967 = arith.constant 0 : i32
      %dma_start3A_968 = tpu.memref_slice %arg8[%dma_start3A_966, %dma_start3A_967] : memref<2048x64xf32, #tpu.memory_space<vmem_shared>> -> memref<2048x64xf32, #tpu.memory_space<vmem_shared>>
      tpu.enqueue_indirect_dma source(%dma_start3A_965 : memref<128x64xf32, #tpu.memory_space<vmem>>) target(%dma_start3A_968 : memref<2048x64xf32, #tpu.memory_space<vmem_shared>>) offsets(%arg6 : memref<128xi32, #tpu.memory_space<vmem>>) semaphore(%arg10 : memref<!tpu.dma_semaphore, #tpu.memory_space<semaphore_mem>>) {add = true}
      %dma_wait3A_969 = arith.constant 0 : i32
      %dma_wait3A_970 = arith.constant 0 : i32
      %dma_wait3A_971 = arith.constant 0 : i32
      %dma_wait3A_972 = tpu.memref_slice %arg7[%dma_wait3A_969, %dma_wait3A_970, %dma_wait3A_971] : memref<8x128x64xf32, #tpu.memory_space<vmem>> -> memref<1x128x64xf32, #tpu.memory_space<vmem>>
      %dma_wait3A_973 = tpu.memref_squeeze %dma_wait3A_972 : memref<1x128x64xf32, #tpu.memory_space<vmem>> -> memref<128x64xf32, #tpu.memory_space<vmem>>
      %dma_wait3A_974 = arith.constant 0 : i32
      %dma_wait3A_975 = arith.constant 0 : i32
      %dma_wait3A_976 = tpu.memref_slice %arg8[%dma_wait3A_974, %dma_wait3A_975] : memref<2048x64xf32, #tpu.memory_space<vmem_shared>> -> memref<2048x64xf32, #tpu.memory_space<vmem_shared>>
      tpu.wait_indirect_dma semaphore(%arg10 : memref<!tpu.dma_semaphore, #tpu.memory_space<semaphore_mem>>) src(%dma_wait3A_973 : memref<128x64xf32, #tpu.memory_space<vmem>>) dst(%dma_wait3A_976 : memref<2048x64xf32, #tpu.memory_space<vmem_shared>>)
      %add3A_977 = arith.constant 5 : i32
      %add3A_978 = arith.addi %mul3A_733, %add3A_977 : i32
      %add3A_979 = arith.constant 6 : i32
      %add3A_980 = arith.addi %add3A_978, %add3A_979 : i32
      %dma_start3A_981 = arith.constant 3 : i32
      %dma_start3A_982 = arith.constant 0 : i32
      %dma_start3A_983 = arith.constant 0 : i32
      %dma_start3A_984 = tpu.memref_slice %arg7[%dma_start3A_981, %dma_start3A_982, %dma_start3A_983] : memref<8x128x64xf32, #tpu.memory_space<vmem>> -> memref<1x128x64xf32, #tpu.memory_space<vmem>>
      %dma_start3A_985 = tpu.memref_squeeze %dma_start3A_984 : memref<1x128x64xf32, #tpu.memory_space<vmem>> -> memref<128x64xf32, #tpu.memory_space<vmem>>
      %dma_start3A_986 = arith.constant 0 : i32
      %dma_start3A_987 = tpu.memref_slice %arg5[%add3A_980, %dma_start3A_986] : memref<200x128xi32, #tpu.memory_space<vmem>> -> memref<1x128xi32, #tpu.memory_space<vmem>>
      %dma_start3A_988 = tpu.memref_squeeze %dma_start3A_987 : memref<1x128xi32, #tpu.memory_space<vmem>> -> memref<128xi32, #tpu.memory_space<vmem>>
      %dma_start3A_989 = arith.constant 0 : i32
      %dma_start3A_990 = arith.constant 0 : i32
      %dma_start3A_991 = tpu.memref_slice %arg3[%dma_start3A_989, %dma_start3A_990] : memref<1001472x64xf32, #tpu.memory_space<hbm>> -> memref<1001472x64xf32, #tpu.memory_space<hbm>>
      tpu.enqueue_indirect_dma source(%dma_start3A_991 : memref<1001472x64xf32, #tpu.memory_space<hbm>>) target(%dma_start3A_985 : memref<128x64xf32, #tpu.memory_space<vmem>>) offsets(%dma_start3A_988 : memref<128xi32, #tpu.memory_space<vmem>>) semaphore(%arg9 : memref<!tpu.dma_semaphore, #tpu.memory_space<semaphore_mem>>)
      %dma_wait3A_992 = arith.constant 0 : i32
      %dma_wait3A_993 = arith.constant 6 : i32
      %dma_wait3A_994 = arith.constant 0 : i32
      %dma_wait3A_995 = arith.constant 0 : i32
      %dma_wait3A_996 = tpu.memref_slice %arg7[%dma_wait3A_993, %dma_wait3A_994, %dma_wait3A_995] : memref<8x128x64xf32, #tpu.memory_space<vmem>> -> memref<1x128x64xf32, #tpu.memory_space<vmem>>
      %dma_wait3A_997 = tpu.memref_squeeze %dma_wait3A_996 : memref<1x128x64xf32, #tpu.memory_space<vmem>> -> memref<128x64xf32, #tpu.memory_space<vmem>>
      %dma_wait3A_998 = arith.constant 0 : i32
      %dma_wait3A_999 = tpu.memref_slice %arg5[%dma_wait3A_992, %dma_wait3A_998] : memref<200x128xi32, #tpu.memory_space<vmem>> -> memref<1x128xi32, #tpu.memory_space<vmem>>
      %dma_wait3A_1000 = tpu.memref_squeeze %dma_wait3A_999 : memref<1x128xi32, #tpu.memory_space<vmem>> -> memref<128xi32, #tpu.memory_space<vmem>>
      %dma_wait3A_1001 = arith.constant 0 : i32
      %dma_wait3A_1002 = arith.constant 0 : i32
      %dma_wait3A_1003 = tpu.memref_slice %arg3[%dma_wait3A_1001, %dma_wait3A_1002] : memref<1001472x64xf32, #tpu.memory_space<hbm>> -> memref<1001472x64xf32, #tpu.memory_space<hbm>>
      tpu.wait_indirect_dma semaphore(%arg9 : memref<!tpu.dma_semaphore, #tpu.memory_space<semaphore_mem>>) src(%dma_wait3A_1003 : memref<1001472x64xf32, #tpu.memory_space<hbm>>) dst(%dma_wait3A_997 : memref<128x64xf32, #tpu.memory_space<vmem>>)
      %dma_start3A_1004 = arith.constant 6 : i32
      %dma_start3A_1005 = arith.constant 0 : i32
      %dma_start3A_1006 = arith.constant 0 : i32
      %dma_start3A_1007 = tpu.memref_slice %arg7[%dma_start3A_1004, %dma_start3A_1005, %dma_start3A_1006] : memref<8x128x64xf32, #tpu.memory_space<vmem>> -> memref<1x128x64xf32, #tpu.memory_space<vmem>>
      %dma_start3A_1008 = tpu.memref_squeeze %dma_start3A_1007 : memref<1x128x64xf32, #tpu.memory_space<vmem>> -> memref<128x64xf32, #tpu.memory_space<vmem>>
      %dma_start3A_1009 = arith.constant 0 : i32
      %dma_start3A_1010 = arith.constant 0 : i32
      %dma_start3A_1011 = tpu.memref_slice %arg8[%dma_start3A_1009, %dma_start3A_1010] : memref<2048x64xf32, #tpu.memory_space<vmem_shared>> -> memref<2048x64xf32, #tpu.memory_space<vmem_shared>>
      tpu.enqueue_indirect_dma source(%dma_start3A_1008 : memref<128x64xf32, #tpu.memory_space<vmem>>) target(%dma_start3A_1011 : memref<2048x64xf32, #tpu.memory_space<vmem_shared>>) offsets(%arg6 : memref<128xi32, #tpu.memory_space<vmem>>) semaphore(%arg10 : memref<!tpu.dma_semaphore, #tpu.memory_space<semaphore_mem>>) {add = true}
      %dma_wait3A_1012 = arith.constant 0 : i32
      %dma_wait3A_1013 = arith.constant 0 : i32
      %dma_wait3A_1014 = arith.constant 0 : i32
      %dma_wait3A_1015 = tpu.memref_slice %arg7[%dma_wait3A_1012, %dma_wait3A_1013, %dma_wait3A_1014] : memref<8x128x64xf32, #tpu.memory_space<vmem>> -> memref<1x128x64xf32, #tpu.memory_space<vmem>>
      %dma_wait3A_1016 = tpu.memref_squeeze %dma_wait3A_1015 : memref<1x128x64xf32, #tpu.memory_space<vmem>> -> memref<128x64xf32, #tpu.memory_space<vmem>>
      %dma_wait3A_1017 = arith.constant 0 : i32
      %dma_wait3A_1018 = arith.constant 0 : i32
      %dma_wait3A_1019 = tpu.memref_slice %arg8[%dma_wait3A_1017, %dma_wait3A_1018] : memref<2048x64xf32, #tpu.memory_space<vmem_shared>> -> memref<2048x64xf32, #tpu.memory_space<vmem_shared>>
      tpu.wait_indirect_dma semaphore(%arg10 : memref<!tpu.dma_semaphore, #tpu.memory_space<semaphore_mem>>) src(%dma_wait3A_1016 : memref<128x64xf32, #tpu.memory_space<vmem>>) dst(%dma_wait3A_1019 : memref<2048x64xf32, #tpu.memory_space<vmem_shared>>)
      %add3A_1020 = arith.constant 6 : i32
      %add3A_1021 = arith.addi %mul3A_733, %add3A_1020 : i32
      %add3A_1022 = arith.constant 6 : i32
      %add3A_1023 = arith.addi %add3A_1021, %add3A_1022 : i32
      %dma_start3A_1024 = arith.constant 4 : i32
      %dma_start3A_1025 = arith.constant 0 : i32
      %dma_start3A_1026 = arith.constant 0 : i32
      %dma_start3A_1027 = tpu.memref_slice %arg7[%dma_start3A_1024, %dma_start3A_1025, %dma_start3A_1026] : memref<8x128x64xf32, #tpu.memory_space<vmem>> -> memref<1x128x64xf32, #tpu.memory_space<vmem>>
      %dma_start3A_1028 = tpu.memref_squeeze %dma_start3A_1027 : memref<1x128x64xf32, #tpu.memory_space<vmem>> -> memref<128x64xf32, #tpu.memory_space<vmem>>
      %dma_start3A_1029 = arith.constant 0 : i32
      %dma_start3A_1030 = tpu.memref_slice %arg5[%add3A_1023, %dma_start3A_1029] : memref<200x128xi32, #tpu.memory_space<vmem>> -> memref<1x128xi32, #tpu.memory_space<vmem>>
      %dma_start3A_1031 = tpu.memref_squeeze %dma_start3A_1030 : memref<1x128xi32, #tpu.memory_space<vmem>> -> memref<128xi32, #tpu.memory_space<vmem>>
      %dma_start3A_1032 = arith.constant 0 : i32
      %dma_start3A_1033 = arith.constant 0 : i32
      %dma_start3A_1034 = tpu.memref_slice %arg3[%dma_start3A_1032, %dma_start3A_1033] : memref<1001472x64xf32, #tpu.memory_space<hbm>> -> memref<1001472x64xf32, #tpu.memory_space<hbm>>
      tpu.enqueue_indirect_dma source(%dma_start3A_1034 : memref<1001472x64xf32, #tpu.memory_space<hbm>>) target(%dma_start3A_1028 : memref<128x64xf32, #tpu.memory_space<vmem>>) offsets(%dma_start3A_1031 : memref<128xi32, #tpu.memory_space<vmem>>) semaphore(%arg9 : memref<!tpu.dma_semaphore, #tpu.memory_space<semaphore_mem>>)
      %dma_wait3A_1035 = arith.constant 0 : i32
      %dma_wait3A_1036 = arith.constant 7 : i32
      %dma_wait3A_1037 = arith.constant 0 : i32
      %dma_wait3A_1038 = arith.constant 0 : i32
      %dma_wait3A_1039 = tpu.memref_slice %arg7[%dma_wait3A_1036, %dma_wait3A_1037, %dma_wait3A_1038] : memref<8x128x64xf32, #tpu.memory_space<vmem>> -> memref<1x128x64xf32, #tpu.memory_space<vmem>>
      %dma_wait3A_1040 = tpu.memref_squeeze %dma_wait3A_1039 : memref<1x128x64xf32, #tpu.memory_space<vmem>> -> memref<128x64xf32, #tpu.memory_space<vmem>>
      %dma_wait3A_1041 = arith.constant 0 : i32
      %dma_wait3A_1042 = tpu.memref_slice %arg5[%dma_wait3A_1035, %dma_wait3A_1041] : memref<200x128xi32, #tpu.memory_space<vmem>> -> memref<1x128xi32, #tpu.memory_space<vmem>>
      %dma_wait3A_1043 = tpu.memref_squeeze %dma_wait3A_1042 : memref<1x128xi32, #tpu.memory_space<vmem>> -> memref<128xi32, #tpu.memory_space<vmem>>
      %dma_wait3A_1044 = arith.constant 0 : i32
      %dma_wait3A_1045 = arith.constant 0 : i32
      %dma_wait3A_1046 = tpu.memref_slice %arg3[%dma_wait3A_1044, %dma_wait3A_1045] : memref<1001472x64xf32, #tpu.memory_space<hbm>> -> memref<1001472x64xf32, #tpu.memory_space<hbm>>
      tpu.wait_indirect_dma semaphore(%arg9 : memref<!tpu.dma_semaphore, #tpu.memory_space<semaphore_mem>>) src(%dma_wait3A_1046 : memref<1001472x64xf32, #tpu.memory_space<hbm>>) dst(%dma_wait3A_1040 : memref<128x64xf32, #tpu.memory_space<vmem>>)
      %dma_start3A_1047 = arith.constant 7 : i32
      %dma_start3A_1048 = arith.constant 0 : i32
      %dma_start3A_1049 = arith.constant 0 : i32
      %dma_start3A_1050 = tpu.memref_slice %arg7[%dma_start3A_1047, %dma_start3A_1048, %dma_start3A_1049] : memref<8x128x64xf32, #tpu.memory_space<vmem>> -> memref<1x128x64xf32, #tpu.memory_space<vmem>>
      %dma_start3A_1051 = tpu.memref_squeeze %dma_start3A_1050 : memref<1x128x64xf32, #tpu.memory_space<vmem>> -> memref<128x64xf32, #tpu.memory_space<vmem>>
      %dma_start3A_1052 = arith.constant 0 : i32
      %dma_start3A_1053 = arith.constant 0 : i32
      %dma_start3A_1054 = tpu.memref_slice %arg8[%dma_start3A_1052, %dma_start3A_1053] : memref<2048x64xf32, #tpu.memory_space<vmem_shared>> -> memref<2048x64xf32, #tpu.memory_space<vmem_shared>>
      tpu.enqueue_indirect_dma source(%dma_start3A_1051 : memref<128x64xf32, #tpu.memory_space<vmem>>) target(%dma_start3A_1054 : memref<2048x64xf32, #tpu.memory_space<vmem_shared>>) offsets(%arg6 : memref<128xi32, #tpu.memory_space<vmem>>) semaphore(%arg10 : memref<!tpu.dma_semaphore, #tpu.memory_space<semaphore_mem>>) {add = true}
      %dma_wait3A_1055 = arith.constant 0 : i32
      %dma_wait3A_1056 = arith.constant 0 : i32
      %dma_wait3A_1057 = arith.constant 0 : i32
      %dma_wait3A_1058 = tpu.memref_slice %arg7[%dma_wait3A_1055, %dma_wait3A_1056, %dma_wait3A_1057] : memref<8x128x64xf32, #tpu.memory_space<vmem>> -> memref<1x128x64xf32, #tpu.memory_space<vmem>>
      %dma_wait3A_1059 = tpu.memref_squeeze %dma_wait3A_1058 : memref<1x128x64xf32, #tpu.memory_space<vmem>> -> memref<128x64xf32, #tpu.memory_space<vmem>>
      %dma_wait3A_1060 = arith.constant 0 : i32
      %dma_wait3A_1061 = arith.constant 0 : i32
      %dma_wait3A_1062 = tpu.memref_slice %arg8[%dma_wait3A_1060, %dma_wait3A_1061] : memref<2048x64xf32, #tpu.memory_space<vmem_shared>> -> memref<2048x64xf32, #tpu.memory_space<vmem_shared>>
      tpu.wait_indirect_dma semaphore(%arg10 : memref<!tpu.dma_semaphore, #tpu.memory_space<semaphore_mem>>) src(%dma_wait3A_1059 : memref<128x64xf32, #tpu.memory_space<vmem>>) dst(%dma_wait3A_1062 : memref<2048x64xf32, #tpu.memory_space<vmem_shared>>)
      %add3A_1063 = arith.constant 7 : i32
      %add3A_1064 = arith.addi %mul3A_733, %add3A_1063 : i32
      %add3A_1065 = arith.constant 6 : i32
      %add3A_1066 = arith.addi %add3A_1064, %add3A_1065 : i32
      %dma_start3A_1067 = arith.constant 5 : i32
      %dma_start3A_1068 = arith.constant 0 : i32
      %dma_start3A_1069 = arith.constant 0 : i32
      %dma_start3A_1070 = tpu.memref_slice %arg7[%dma_start3A_1067, %dma_start3A_1068, %dma_start3A_1069] : memref<8x128x64xf32, #tpu.memory_space<vmem>> -> memref<1x128x64xf32, #tpu.memory_space<vmem>>
      %dma_start3A_1071 = tpu.memref_squeeze %dma_start3A_1070 : memref<1x128x64xf32, #tpu.memory_space<vmem>> -> memref<128x64xf32, #tpu.memory_space<vmem>>
      %dma_start3A_1072 = arith.constant 0 : i32
      %dma_start3A_1073 = tpu.memref_slice %arg5[%add3A_1066, %dma_start3A_1072] : memref<200x128xi32, #tpu.memory_space<vmem>> -> memref<1x128xi32, #tpu.memory_space<vmem>>
      %dma_start3A_1074 = tpu.memref_squeeze %dma_start3A_1073 : memref<1x128xi32, #tpu.memory_space<vmem>> -> memref<128xi32, #tpu.memory_space<vmem>>
      %dma_start3A_1075 = arith.constant 0 : i32
      %dma_start3A_1076 = arith.constant 0 : i32
      %dma_start3A_1077 = tpu.memref_slice %arg3[%dma_start3A_1075, %dma_start3A_1076] : memref<1001472x64xf32, #tpu.memory_space<hbm>> -> memref<1001472x64xf32, #tpu.memory_space<hbm>>
      tpu.enqueue_indirect_dma source(%dma_start3A_1077 : memref<1001472x64xf32, #tpu.memory_space<hbm>>) target(%dma_start3A_1071 : memref<128x64xf32, #tpu.memory_space<vmem>>) offsets(%dma_start3A_1074 : memref<128xi32, #tpu.memory_space<vmem>>) semaphore(%arg9 : memref<!tpu.dma_semaphore, #tpu.memory_space<semaphore_mem>>)
    }
    %scan3A_466 = arith.constant 23 : i32
    %dma_wait3A_467 = arith.constant 0 : i32
    %dma_wait3A_468 = arith.constant 0 : i32
    %dma_wait3A_469 = arith.constant 0 : i32
    %dma_wait3A_470 = arith.constant 0 : i32
    %dma_wait3A_471 = tpu.memref_slice %arg7[%dma_wait3A_468, %dma_wait3A_469, %dma_wait3A_470] : memref<8x128x64xf32, #tpu.memory_space<vmem>> -> memref<1x128x64xf32, #tpu.memory_space<vmem>>
    %dma_wait3A_472 = tpu.memref_squeeze %dma_wait3A_471 : memref<1x128x64xf32, #tpu.memory_space<vmem>> -> memref<128x64xf32, #tpu.memory_space<vmem>>
    %dma_wait3A_473 = arith.constant 0 : i32
    %dma_wait3A_474 = tpu.memref_slice %arg5[%dma_wait3A_467, %dma_wait3A_473] : memref<200x128xi32, #tpu.memory_space<vmem>> -> memref<1x128xi32, #tpu.memory_space<vmem>>
    %dma_wait3A_475 = tpu.memref_squeeze %dma_wait3A_474 : memref<1x128xi32, #tpu.memory_space<vmem>> -> memref<128xi32, #tpu.memory_space<vmem>>
    %dma_wait3A_476 = arith.constant 0 : i32
    %dma_wait3A_477 = arith.constant 0 : i32
    %dma_wait3A_478 = tpu.memref_slice %arg3[%dma_wait3A_476, %dma_wait3A_477] : memref<1001472x64xf32, #tpu.memory_space<hbm>> -> memref<1001472x64xf32, #tpu.memory_space<hbm>>
    tpu.wait_indirect_dma semaphore(%arg9 : memref<!tpu.dma_semaphore, #tpu.memory_space<semaphore_mem>>) src(%dma_wait3A_478 : memref<1001472x64xf32, #tpu.memory_space<hbm>>) dst(%dma_wait3A_472 : memref<128x64xf32, #tpu.memory_space<vmem>>)
    %dma_start3A_479 = arith.constant 0 : i32
    %dma_start3A_480 = arith.constant 0 : i32
    %dma_start3A_481 = arith.constant 0 : i32
    %dma_start3A_482 = tpu.memref_slice %arg7[%dma_start3A_479, %dma_start3A_480, %dma_start3A_481] : memref<8x128x64xf32, #tpu.memory_space<vmem>> -> memref<1x128x64xf32, #tpu.memory_space<vmem>>
    %dma_start3A_483 = tpu.memref_squeeze %dma_start3A_482 : memref<1x128x64xf32, #tpu.memory_space<vmem>> -> memref<128x64xf32, #tpu.memory_space<vmem>>
    %dma_start3A_484 = arith.constant 0 : i32
    %dma_start3A_485 = arith.constant 0 : i32
    %dma_start3A_486 = tpu.memref_slice %arg8[%dma_start3A_484, %dma_start3A_485] : memref<2048x64xf32, #tpu.memory_space<vmem_shared>> -> memref<2048x64xf32, #tpu.memory_space<vmem_shared>>
    tpu.enqueue_indirect_dma source(%dma_start3A_483 : memref<128x64xf32, #tpu.memory_space<vmem>>) target(%dma_start3A_486 : memref<2048x64xf32, #tpu.memory_space<vmem_shared>>) offsets(%arg6 : memref<128xi32, #tpu.memory_space<vmem>>) semaphore(%arg10 : memref<!tpu.dma_semaphore, #tpu.memory_space<semaphore_mem>>) {add = true}
    %dma_wait3A_487 = arith.constant 0 : i32
    %dma_wait3A_488 = arith.constant 0 : i32
    %dma_wait3A_489 = arith.constant 0 : i32
    %dma_wait3A_490 = tpu.memref_slice %arg7[%dma_wait3A_487, %dma_wait3A_488, %dma_wait3A_489] : memref<8x128x64xf32, #tpu.memory_space<vmem>> -> memref<1x128x64xf32, #tpu.memory_space<vmem>>
    %dma_wait3A_491 = tpu.memref_squeeze %dma_wait3A_490 : memref<1x128x64xf32, #tpu.memory_space<vmem>> -> memref<128x64xf32, #tpu.memory_space<vmem>>
    %dma_wait3A_492 = arith.constant 0 : i32
    %dma_wait3A_493 = arith.constant 0 : i32
    %dma_wait3A_494 = tpu.memref_slice %arg8[%dma_wait3A_492, %dma_wait3A_493] : memref<2048x64xf32, #tpu.memory_space<vmem_shared>> -> memref<2048x64xf32, #tpu.memory_space<vmem_shared>>
    tpu.wait_indirect_dma semaphore(%arg10 : memref<!tpu.dma_semaphore, #tpu.memory_space<semaphore_mem>>) src(%dma_wait3A_491 : memref<128x64xf32, #tpu.memory_space<vmem>>) dst(%dma_wait3A_494 : memref<2048x64xf32, #tpu.memory_space<vmem_shared>>)
    %dma_start3A_495 = arith.constant 198 : i32
    %dma_start3A_496 = arith.constant 6 : i32
    %dma_start3A_497 = arith.constant 0 : i32
    %dma_start3A_498 = arith.constant 0 : i32
    %dma_start3A_499 = tpu.memref_slice %arg7[%dma_start3A_496, %dma_start3A_497, %dma_start3A_498] : memref<8x128x64xf32, #tpu.memory_space<vmem>> -> memref<1x128x64xf32, #tpu.memory_space<vmem>>
    %dma_start3A_500 = tpu.memref_squeeze %dma_start3A_499 : memref<1x128x64xf32, #tpu.memory_space<vmem>> -> memref<128x64xf32, #tpu.memory_space<vmem>>
    %dma_start3A_501 = arith.constant 0 : i32
    %dma_start3A_502 = tpu.memref_slice %arg5[%dma_start3A_495, %dma_start3A_501] : memref<200x128xi32, #tpu.memory_space<vmem>> -> memref<1x128xi32, #tpu.memory_space<vmem>>
    %dma_start3A_503 = tpu.memref_squeeze %dma_start3A_502 : memref<1x128xi32, #tpu.memory_space<vmem>> -> memref<128xi32, #tpu.memory_space<vmem>>
    %dma_start3A_504 = arith.constant 0 : i32
    %dma_start3A_505 = arith.constant 0 : i32
    %dma_start3A_506 = tpu.memref_slice %arg3[%dma_start3A_504, %dma_start3A_505] : memref<1001472x64xf32, #tpu.memory_space<hbm>> -> memref<1001472x64xf32, #tpu.memory_space<hbm>>
    tpu.enqueue_indirect_dma source(%dma_start3A_506 : memref<1001472x64xf32, #tpu.memory_space<hbm>>) target(%dma_start3A_500 : memref<128x64xf32, #tpu.memory_space<vmem>>) offsets(%dma_start3A_503 : memref<128xi32, #tpu.memory_space<vmem>>) semaphore(%arg9 : memref<!tpu.dma_semaphore, #tpu.memory_space<semaphore_mem>>)
    %dma_wait3A_507 = arith.constant 0 : i32
    %dma_wait3A_508 = arith.constant 1 : i32
    %dma_wait3A_509 = arith.constant 0 : i32
    %dma_wait3A_510 = arith.constant 0 : i32
    %dma_wait3A_511 = tpu.memref_slice %arg7[%dma_wait3A_508, %dma_wait3A_509, %dma_wait3A_510] : memref<8x128x64xf32, #tpu.memory_space<vmem>> -> memref<1x128x64xf32, #tpu.memory_space<vmem>>
    %dma_wait3A_512 = tpu.memref_squeeze %dma_wait3A_511 : memref<1x128x64xf32, #tpu.memory_space<vmem>> -> memref<128x64xf32, #tpu.memory_space<vmem>>
    %dma_wait3A_513 = arith.constant 0 : i32
    %dma_wait3A_514 = tpu.memref_slice %arg5[%dma_wait3A_507, %dma_wait3A_513] : memref<200x128xi32, #tpu.memory_space<vmem>> -> memref<1x128xi32, #tpu.memory_space<vmem>>
    %dma_wait3A_515 = tpu.memref_squeeze %dma_wait3A_514 : memref<1x128xi32, #tpu.memory_space<vmem>> -> memref<128xi32, #tpu.memory_space<vmem>>
    %dma_wait3A_516 = arith.constant 0 : i32
    %dma_wait3A_517 = arith.constant 0 : i32
    %dma_wait3A_518 = tpu.memref_slice %arg3[%dma_wait3A_516, %dma_wait3A_517] : memref<1001472x64xf32, #tpu.memory_space<hbm>> -> memref<1001472x64xf32, #tpu.memory_space<hbm>>
    tpu.wait_indirect_dma semaphore(%arg9 : memref<!tpu.dma_semaphore, #tpu.memory_space<semaphore_mem>>) src(%dma_wait3A_518 : memref<1001472x64xf32, #tpu.memory_space<hbm>>) dst(%dma_wait3A_512 : memref<128x64xf32, #tpu.memory_space<vmem>>)
    %dma_start3A_519 = arith.constant 1 : i32
    %dma_start3A_520 = arith.constant 0 : i32
    %dma_start3A_521 = arith.constant 0 : i32
    %dma_start3A_522 = tpu.memref_slice %arg7[%dma_start3A_519, %dma_start3A_520, %dma_start3A_521] : memref<8x128x64xf32, #tpu.memory_space<vmem>> -> memref<1x128x64xf32, #tpu.memory_space<vmem>>
    %dma_start3A_523 = tpu.memref_squeeze %dma_start3A_522 : memref<1x128x64xf32, #tpu.memory_space<vmem>> -> memref<128x64xf32, #tpu.memory_space<vmem>>
    %dma_start3A_524 = arith.constant 0 : i32
    %dma_start3A_525 = arith.constant 0 : i32
    %dma_start3A_526 = tpu.memref_slice %arg8[%dma_start3A_524, %dma_start3A_525] : memref<2048x64xf32, #tpu.memory_space<vmem_shared>> -> memref<2048x64xf32, #tpu.memory_space<vmem_shared>>
    tpu.enqueue_indirect_dma source(%dma_start3A_523 : memref<128x64xf32, #tpu.memory_space<vmem>>) target(%dma_start3A_526 : memref<2048x64xf32, #tpu.memory_space<vmem_shared>>) offsets(%arg6 : memref<128xi32, #tpu.memory_space<vmem>>) semaphore(%arg10 : memref<!tpu.dma_semaphore, #tpu.memory_space<semaphore_mem>>) {add = true}
    %dma_wait3A_527 = arith.constant 0 : i32
    %dma_wait3A_528 = arith.constant 0 : i32
    %dma_wait3A_529 = arith.constant 0 : i32
    %dma_wait3A_530 = tpu.memref_slice %arg7[%dma_wait3A_527, %dma_wait3A_528, %dma_wait3A_529] : memref<8x128x64xf32, #tpu.memory_space<vmem>> -> memref<1x128x64xf32, #tpu.memory_space<vmem>>
    %dma_wait3A_531 = tpu.memref_squeeze %dma_wait3A_530 : memref<1x128x64xf32, #tpu.memory_space<vmem>> -> memref<128x64xf32, #tpu.memory_space<vmem>>
    %dma_wait3A_532 = arith.constant 0 : i32
    %dma_wait3A_533 = arith.constant 0 : i32
    %dma_wait3A_534 = tpu.memref_slice %arg8[%dma_wait3A_532, %dma_wait3A_533] : memref<2048x64xf32, #tpu.memory_space<vmem_shared>> -> memref<2048x64xf32, #tpu.memory_space<vmem_shared>>
    tpu.wait_indirect_dma semaphore(%arg10 : memref<!tpu.dma_semaphore, #tpu.memory_space<semaphore_mem>>) src(%dma_wait3A_531 : memref<128x64xf32, #tpu.memory_space<vmem>>) dst(%dma_wait3A_534 : memref<2048x64xf32, #tpu.memory_space<vmem_shared>>)
    %dma_start3A_535 = arith.constant 199 : i32
    %dma_start3A_536 = arith.constant 7 : i32
    %dma_start3A_537 = arith.constant 0 : i32
    %dma_start3A_538 = arith.constant 0 : i32
    %dma_start3A_539 = tpu.memref_slice %arg7[%dma_start3A_536, %dma_start3A_537, %dma_start3A_538] : memref<8x128x64xf32, #tpu.memory_space<vmem>> -> memref<1x128x64xf32, #tpu.memory_space<vmem>>
    %dma_start3A_540 = tpu.memref_squeeze %dma_start3A_539 : memref<1x128x64xf32, #tpu.memory_space<vmem>> -> memref<128x64xf32, #tpu.memory_space<vmem>>
    %dma_start3A_541 = arith.constant 0 : i32
    %dma_start3A_542 = tpu.memref_slice %arg5[%dma_start3A_535, %dma_start3A_541] : memref<200x128xi32, #tpu.memory_space<vmem>> -> memref<1x128xi32, #tpu.memory_space<vmem>>
    %dma_start3A_543 = tpu.memref_squeeze %dma_start3A_542 : memref<1x128xi32, #tpu.memory_space<vmem>> -> memref<128xi32, #tpu.memory_space<vmem>>
    %dma_start3A_544 = arith.constant 0 : i32
    %dma_start3A_545 = arith.constant 0 : i32
    %dma_start3A_546 = tpu.memref_slice %arg3[%dma_start3A_544, %dma_start3A_545] : memref<1001472x64xf32, #tpu.memory_space<hbm>> -> memref<1001472x64xf32, #tpu.memory_space<hbm>>
    tpu.enqueue_indirect_dma source(%dma_start3A_546 : memref<1001472x64xf32, #tpu.memory_space<hbm>>) target(%dma_start3A_540 : memref<128x64xf32, #tpu.memory_space<vmem>>) offsets(%dma_start3A_543 : memref<128xi32, #tpu.memory_space<vmem>>) semaphore(%arg9 : memref<!tpu.dma_semaphore, #tpu.memory_space<semaphore_mem>>)
    %dma_wait3A_547 = arith.constant 0 : i32
    %dma_wait3A_548 = arith.constant 2 : i32
    %dma_wait3A_549 = arith.constant 0 : i32
    %dma_wait3A_550 = arith.constant 0 : i32
    %dma_wait3A_551 = tpu.memref_slice %arg7[%dma_wait3A_548, %dma_wait3A_549, %dma_wait3A_550] : memref<8x128x64xf32, #tpu.memory_space<vmem>> -> memref<1x128x64xf32, #tpu.memory_space<vmem>>
    %dma_wait3A_552 = tpu.memref_squeeze %dma_wait3A_551 : memref<1x128x64xf32, #tpu.memory_space<vmem>> -> memref<128x64xf32, #tpu.memory_space<vmem>>
    %dma_wait3A_553 = arith.constant 0 : i32
    %dma_wait3A_554 = tpu.memref_slice %arg5[%dma_wait3A_547, %dma_wait3A_553] : memref<200x128xi32, #tpu.memory_space<vmem>> -> memref<1x128xi32, #tpu.memory_space<vmem>>
    %dma_wait3A_555 = tpu.memref_squeeze %dma_wait3A_554 : memref<1x128xi32, #tpu.memory_space<vmem>> -> memref<128xi32, #tpu.memory_space<vmem>>
    %dma_wait3A_556 = arith.constant 0 : i32
    %dma_wait3A_557 = arith.constant 0 : i32
    %dma_wait3A_558 = tpu.memref_slice %arg3[%dma_wait3A_556, %dma_wait3A_557] : memref<1001472x64xf32, #tpu.memory_space<hbm>> -> memref<1001472x64xf32, #tpu.memory_space<hbm>>
    tpu.wait_indirect_dma semaphore(%arg9 : memref<!tpu.dma_semaphore, #tpu.memory_space<semaphore_mem>>) src(%dma_wait3A_558 : memref<1001472x64xf32, #tpu.memory_space<hbm>>) dst(%dma_wait3A_552 : memref<128x64xf32, #tpu.memory_space<vmem>>)
    %dma_start3A_559 = arith.constant 2 : i32
    %dma_start3A_560 = arith.constant 0 : i32
    %dma_start3A_561 = arith.constant 0 : i32
    %dma_start3A_562 = tpu.memref_slice %arg7[%dma_start3A_559, %dma_start3A_560, %dma_start3A_561] : memref<8x128x64xf32, #tpu.memory_space<vmem>> -> memref<1x128x64xf32, #tpu.memory_space<vmem>>
    %dma_start3A_563 = tpu.memref_squeeze %dma_start3A_562 : memref<1x128x64xf32, #tpu.memory_space<vmem>> -> memref<128x64xf32, #tpu.memory_space<vmem>>
    %dma_start3A_564 = arith.constant 0 : i32
    %dma_start3A_565 = arith.constant 0 : i32
    %dma_start3A_566 = tpu.memref_slice %arg8[%dma_start3A_564, %dma_start3A_565] : memref<2048x64xf32, #tpu.memory_space<vmem_shared>> -> memref<2048x64xf32, #tpu.memory_space<vmem_shared>>
    tpu.enqueue_indirect_dma source(%dma_start3A_563 : memref<128x64xf32, #tpu.memory_space<vmem>>) target(%dma_start3A_566 : memref<2048x64xf32, #tpu.memory_space<vmem_shared>>) offsets(%arg6 : memref<128xi32, #tpu.memory_space<vmem>>) semaphore(%arg10 : memref<!tpu.dma_semaphore, #tpu.memory_space<semaphore_mem>>) {add = true}
    %dma_wait3A_567 = arith.constant 0 : i32
    %dma_wait3A_568 = arith.constant 0 : i32
    %dma_wait3A_569 = arith.constant 0 : i32
    %dma_wait3A_570 = tpu.memref_slice %arg7[%dma_wait3A_567, %dma_wait3A_568, %dma_wait3A_569] : memref<8x128x64xf32, #tpu.memory_space<vmem>> -> memref<1x128x64xf32, #tpu.memory_space<vmem>>
    %dma_wait3A_571 = tpu.memref_squeeze %dma_wait3A_570 : memref<1x128x64xf32, #tpu.memory_space<vmem>> -> memref<128x64xf32, #tpu.memory_space<vmem>>
    %dma_wait3A_572 = arith.constant 0 : i32
    %dma_wait3A_573 = arith.constant 0 : i32
    %dma_wait3A_574 = tpu.memref_slice %arg8[%dma_wait3A_572, %dma_wait3A_573] : memref<2048x64xf32, #tpu.memory_space<vmem_shared>> -> memref<2048x64xf32, #tpu.memory_space<vmem_shared>>
    tpu.wait_indirect_dma semaphore(%arg10 : memref<!tpu.dma_semaphore, #tpu.memory_space<semaphore_mem>>) src(%dma_wait3A_571 : memref<128x64xf32, #tpu.memory_space<vmem>>) dst(%dma_wait3A_574 : memref<2048x64xf32, #tpu.memory_space<vmem_shared>>)
    %dma_wait3A_575 = arith.constant 0 : i32
    %dma_wait3A_576 = arith.constant 3 : i32
    %dma_wait3A_577 = arith.constant 0 : i32
    %dma_wait3A_578 = arith.constant 0 : i32
    %dma_wait3A_579 = tpu.memref_slice %arg7[%dma_wait3A_576, %dma_wait3A_577, %dma_wait3A_578] : memref<8x128x64xf32, #tpu.memory_space<vmem>> -> memref<1x128x64xf32, #tpu.memory_space<vmem>>
    %dma_wait3A_580 = tpu.memref_squeeze %dma_wait3A_579 : memref<1x128x64xf32, #tpu.memory_space<vmem>> -> memref<128x64xf32, #tpu.memory_space<vmem>>
    %dma_wait3A_581 = arith.constant 0 : i32
    %dma_wait3A_582 = tpu.memref_slice %arg5[%dma_wait3A_575, %dma_wait3A_581] : memref<200x128xi32, #tpu.memory_space<vmem>> -> memref<1x128xi32, #tpu.memory_space<vmem>>
    %dma_wait3A_583 = tpu.memref_squeeze %dma_wait3A_582 : memref<1x128xi32, #tpu.memory_space<vmem>> -> memref<128xi32, #tpu.memory_space<vmem>>
    %dma_wait3A_584 = arith.constant 0 : i32
    %dma_wait3A_585 = arith.constant 0 : i32
    %dma_wait3A_586 = tpu.memref_slice %arg3[%dma_wait3A_584, %dma_wait3A_585] : memref<1001472x64xf32, #tpu.memory_space<hbm>> -> memref<1001472x64xf32, #tpu.memory_space<hbm>>
    tpu.wait_indirect_dma semaphore(%arg9 : memref<!tpu.dma_semaphore, #tpu.memory_space<semaphore_mem>>) src(%dma_wait3A_586 : memref<1001472x64xf32, #tpu.memory_space<hbm>>) dst(%dma_wait3A_580 : memref<128x64xf32, #tpu.memory_space<vmem>>)
    %dma_start3A_587 = arith.constant 3 : i32
    %dma_start3A_588 = arith.constant 0 : i32
    %dma_start3A_589 = arith.constant 0 : i32
    %dma_start3A_590 = tpu.memref_slice %arg7[%dma_start3A_587, %dma_start3A_588, %dma_start3A_589] : memref<8x128x64xf32, #tpu.memory_space<vmem>> -> memref<1x128x64xf32, #tpu.memory_space<vmem>>
    %dma_start3A_591 = tpu.memref_squeeze %dma_start3A_590 : memref<1x128x64xf32, #tpu.memory_space<vmem>> -> memref<128x64xf32, #tpu.memory_space<vmem>>
    %dma_start3A_592 = arith.constant 0 : i32
    %dma_start3A_593 = arith.constant 0 : i32
    %dma_start3A_594 = tpu.memref_slice %arg8[%dma_start3A_592, %dma_start3A_593] : memref<2048x64xf32, #tpu.memory_space<vmem_shared>> -> memref<2048x64xf32, #tpu.memory_space<vmem_shared>>
    tpu.enqueue_indirect_dma source(%dma_start3A_591 : memref<128x64xf32, #tpu.memory_space<vmem>>) target(%dma_start3A_594 : memref<2048x64xf32, #tpu.memory_space<vmem_shared>>) offsets(%arg6 : memref<128xi32, #tpu.memory_space<vmem>>) semaphore(%arg10 : memref<!tpu.dma_semaphore, #tpu.memory_space<semaphore_mem>>) {add = true}
    %dma_wait3A_595 = arith.constant 0 : i32
    %dma_wait3A_596 = arith.constant 0 : i32
    %dma_wait3A_597 = arith.constant 0 : i32
    %dma_wait3A_598 = tpu.memref_slice %arg7[%dma_wait3A_595, %dma_wait3A_596, %dma_wait3A_597] : memref<8x128x64xf32, #tpu.memory_space<vmem>> -> memref<1x128x64xf32, #tpu.memory_space<vmem>>
    %dma_wait3A_599 = tpu.memref_squeeze %dma_wait3A_598 : memref<1x128x64xf32, #tpu.memory_space<vmem>> -> memref<128x64xf32, #tpu.memory_space<vmem>>
    %dma_wait3A_600 = arith.constant 0 : i32
    %dma_wait3A_601 = arith.constant 0 : i32
    %dma_wait3A_602 = tpu.memref_slice %arg8[%dma_wait3A_600, %dma_wait3A_601] : memref<2048x64xf32, #tpu.memory_space<vmem_shared>> -> memref<2048x64xf32, #tpu.memory_space<vmem_shared>>
    tpu.wait_indirect_dma semaphore(%arg10 : memref<!tpu.dma_semaphore, #tpu.memory_space<semaphore_mem>>) src(%dma_wait3A_599 : memref<128x64xf32, #tpu.memory_space<vmem>>) dst(%dma_wait3A_602 : memref<2048x64xf32, #tpu.memory_space<vmem_shared>>)
    %dma_wait3A_603 = arith.constant 0 : i32
    %dma_wait3A_604 = arith.constant 4 : i32
    %dma_wait3A_605 = arith.constant 0 : i32
    %dma_wait3A_606 = arith.constant 0 : i32
    %dma_wait3A_607 = tpu.memref_slice %arg7[%dma_wait3A_604, %dma_wait3A_605, %dma_wait3A_606] : memref<8x128x64xf32, #tpu.memory_space<vmem>> -> memref<1x128x64xf32, #tpu.memory_space<vmem>>
    %dma_wait3A_608 = tpu.memref_squeeze %dma_wait3A_607 : memref<1x128x64xf32, #tpu.memory_space<vmem>> -> memref<128x64xf32, #tpu.memory_space<vmem>>
    %dma_wait3A_609 = arith.constant 0 : i32
    %dma_wait3A_610 = tpu.memref_slice %arg5[%dma_wait3A_603, %dma_wait3A_609] : memref<200x128xi32, #tpu.memory_space<vmem>> -> memref<1x128xi32, #tpu.memory_space<vmem>>
    %dma_wait3A_611 = tpu.memref_squeeze %dma_wait3A_610 : memref<1x128xi32, #tpu.memory_space<vmem>> -> memref<128xi32, #tpu.memory_space<vmem>>
    %dma_wait3A_612 = arith.constant 0 : i32
    %dma_wait3A_613 = arith.constant 0 : i32
    %dma_wait3A_614 = tpu.memref_slice %arg3[%dma_wait3A_612, %dma_wait3A_613] : memref<1001472x64xf32, #tpu.memory_space<hbm>> -> memref<1001472x64xf32, #tpu.memory_space<hbm>>
    tpu.wait_indirect_dma semaphore(%arg9 : memref<!tpu.dma_semaphore, #tpu.memory_space<semaphore_mem>>) src(%dma_wait3A_614 : memref<1001472x64xf32, #tpu.memory_space<hbm>>) dst(%dma_wait3A_608 : memref<128x64xf32, #tpu.memory_space<vmem>>)
    %dma_start3A_615 = arith.constant 4 : i32
    %dma_start3A_616 = arith.constant 0 : i32
    %dma_start3A_617 = arith.constant 0 : i32
    %dma_start3A_618 = tpu.memref_slice %arg7[%dma_start3A_615, %dma_start3A_616, %dma_start3A_617] : memref<8x128x64xf32, #tpu.memory_space<vmem>> -> memref<1x128x64xf32, #tpu.memory_space<vmem>>
    %dma_start3A_619 = tpu.memref_squeeze %dma_start3A_618 : memref<1x128x64xf32, #tpu.memory_space<vmem>> -> memref<128x64xf32, #tpu.memory_space<vmem>>
    %dma_start3A_620 = arith.constant 0 : i32
    %dma_start3A_621 = arith.constant 0 : i32
    %dma_start3A_622 = tpu.memref_slice %arg8[%dma_start3A_620, %dma_start3A_621] : memref<2048x64xf32, #tpu.memory_space<vmem_shared>> -> memref<2048x64xf32, #tpu.memory_space<vmem_shared>>
    tpu.enqueue_indirect_dma source(%dma_start3A_619 : memref<128x64xf32, #tpu.memory_space<vmem>>) target(%dma_start3A_622 : memref<2048x64xf32, #tpu.memory_space<vmem_shared>>) offsets(%arg6 : memref<128xi32, #tpu.memory_space<vmem>>) semaphore(%arg10 : memref<!tpu.dma_semaphore, #tpu.memory_space<semaphore_mem>>) {add = true}
    %dma_wait3A_623 = arith.constant 0 : i32
    %dma_wait3A_624 = arith.constant 0 : i32
    %dma_wait3A_625 = arith.constant 0 : i32
    %dma_wait3A_626 = tpu.memref_slice %arg7[%dma_wait3A_623, %dma_wait3A_624, %dma_wait3A_625] : memref<8x128x64xf32, #tpu.memory_space<vmem>> -> memref<1x128x64xf32, #tpu.memory_space<vmem>>
    %dma_wait3A_627 = tpu.memref_squeeze %dma_wait3A_626 : memref<1x128x64xf32, #tpu.memory_space<vmem>> -> memref<128x64xf32, #tpu.memory_space<vmem>>
    %dma_wait3A_628 = arith.constant 0 : i32
    %dma_wait3A_629 = arith.constant 0 : i32
    %dma_wait3A_630 = tpu.memref_slice %arg8[%dma_wait3A_628, %dma_wait3A_629] : memref<2048x64xf32, #tpu.memory_space<vmem_shared>> -> memref<2048x64xf32, #tpu.memory_space<vmem_shared>>
    tpu.wait_indirect_dma semaphore(%arg10 : memref<!tpu.dma_semaphore, #tpu.memory_space<semaphore_mem>>) src(%dma_wait3A_627 : memref<128x64xf32, #tpu.memory_space<vmem>>) dst(%dma_wait3A_630 : memref<2048x64xf32, #tpu.memory_space<vmem_shared>>)
    %dma_wait3A_631 = arith.constant 0 : i32
    %dma_wait3A_632 = arith.constant 5 : i32
    %dma_wait3A_633 = arith.constant 0 : i32
    %dma_wait3A_634 = arith.constant 0 : i32
    %dma_wait3A_635 = tpu.memref_slice %arg7[%dma_wait3A_632, %dma_wait3A_633, %dma_wait3A_634] : memref<8x128x64xf32, #tpu.memory_space<vmem>> -> memref<1x128x64xf32, #tpu.memory_space<vmem>>
    %dma_wait3A_636 = tpu.memref_squeeze %dma_wait3A_635 : memref<1x128x64xf32, #tpu.memory_space<vmem>> -> memref<128x64xf32, #tpu.memory_space<vmem>>
    %dma_wait3A_637 = arith.constant 0 : i32
    %dma_wait3A_638 = tpu.memref_slice %arg5[%dma_wait3A_631, %dma_wait3A_637] : memref<200x128xi32, #tpu.memory_space<vmem>> -> memref<1x128xi32, #tpu.memory_space<vmem>>
    %dma_wait3A_639 = tpu.memref_squeeze %dma_wait3A_638 : memref<1x128xi32, #tpu.memory_space<vmem>> -> memref<128xi32, #tpu.memory_space<vmem>>
    %dma_wait3A_640 = arith.constant 0 : i32
    %dma_wait3A_641 = arith.constant 0 : i32
    %dma_wait3A_642 = tpu.memref_slice %arg3[%dma_wait3A_640, %dma_wait3A_641] : memref<1001472x64xf32, #tpu.memory_space<hbm>> -> memref<1001472x64xf32, #tpu.memory_space<hbm>>
    tpu.wait_indirect_dma semaphore(%arg9 : memref<!tpu.dma_semaphore, #tpu.memory_space<semaphore_mem>>) src(%dma_wait3A_642 : memref<1001472x64xf32, #tpu.memory_space<hbm>>) dst(%dma_wait3A_636 : memref<128x64xf32, #tpu.memory_space<vmem>>)
    %dma_start3A_643 = arith.constant 5 : i32
    %dma_start3A_644 = arith.constant 0 : i32
    %dma_start3A_645 = arith.constant 0 : i32
    %dma_start3A_646 = tpu.memref_slice %arg7[%dma_start3A_643, %dma_start3A_644, %dma_start3A_645] : memref<8x128x64xf32, #tpu.memory_space<vmem>> -> memref<1x128x64xf32, #tpu.memory_space<vmem>>
    %dma_start3A_647 = tpu.memref_squeeze %dma_start3A_646 : memref<1x128x64xf32, #tpu.memory_space<vmem>> -> memref<128x64xf32, #tpu.memory_space<vmem>>
    %dma_start3A_648 = arith.constant 0 : i32
    %dma_start3A_649 = arith.constant 0 : i32
    %dma_start3A_650 = tpu.memref_slice %arg8[%dma_start3A_648, %dma_start3A_649] : memref<2048x64xf32, #tpu.memory_space<vmem_shared>> -> memref<2048x64xf32, #tpu.memory_space<vmem_shared>>
    tpu.enqueue_indirect_dma source(%dma_start3A_647 : memref<128x64xf32, #tpu.memory_space<vmem>>) target(%dma_start3A_650 : memref<2048x64xf32, #tpu.memory_space<vmem_shared>>) offsets(%arg6 : memref<128xi32, #tpu.memory_space<vmem>>) semaphore(%arg10 : memref<!tpu.dma_semaphore, #tpu.memory_space<semaphore_mem>>) {add = true}
    %dma_wait3A_651 = arith.constant 0 : i32
    %dma_wait3A_652 = arith.constant 0 : i32
    %dma_wait3A_653 = arith.constant 0 : i32
    %dma_wait3A_654 = tpu.memref_slice %arg7[%dma_wait3A_651, %dma_wait3A_652, %dma_wait3A_653] : memref<8x128x64xf32, #tpu.memory_space<vmem>> -> memref<1x128x64xf32, #tpu.memory_space<vmem>>
    %dma_wait3A_655 = tpu.memref_squeeze %dma_wait3A_654 : memref<1x128x64xf32, #tpu.memory_space<vmem>> -> memref<128x64xf32, #tpu.memory_space<vmem>>
    %dma_wait3A_656 = arith.constant 0 : i32
    %dma_wait3A_657 = arith.constant 0 : i32
    %dma_wait3A_658 = tpu.memref_slice %arg8[%dma_wait3A_656, %dma_wait3A_657] : memref<2048x64xf32, #tpu.memory_space<vmem_shared>> -> memref<2048x64xf32, #tpu.memory_space<vmem_shared>>
    tpu.wait_indirect_dma semaphore(%arg10 : memref<!tpu.dma_semaphore, #tpu.memory_space<semaphore_mem>>) src(%dma_wait3A_655 : memref<128x64xf32, #tpu.memory_space<vmem>>) dst(%dma_wait3A_658 : memref<2048x64xf32, #tpu.memory_space<vmem_shared>>)
    %dma_wait3A_659 = arith.constant 0 : i32
    %dma_wait3A_660 = arith.constant 6 : i32
    %dma_wait3A_661 = arith.constant 0 : i32
    %dma_wait3A_662 = arith.constant 0 : i32
    %dma_wait3A_663 = tpu.memref_slice %arg7[%dma_wait3A_660, %dma_wait3A_661, %dma_wait3A_662] : memref<8x128x64xf32, #tpu.memory_space<vmem>> -> memref<1x128x64xf32, #tpu.memory_space<vmem>>
    %dma_wait3A_664 = tpu.memref_squeeze %dma_wait3A_663 : memref<1x128x64xf32, #tpu.memory_space<vmem>> -> memref<128x64xf32, #tpu.memory_space<vmem>>
    %dma_wait3A_665 = arith.constant 0 : i32
    %dma_wait3A_666 = tpu.memref_slice %arg5[%dma_wait3A_659, %dma_wait3A_665] : memref<200x128xi32, #tpu.memory_space<vmem>> -> memref<1x128xi32, #tpu.memory_space<vmem>>
    %dma_wait3A_667 = tpu.memref_squeeze %dma_wait3A_666 : memref<1x128xi32, #tpu.memory_space<vmem>> -> memref<128xi32, #tpu.memory_space<vmem>>
    %dma_wait3A_668 = arith.constant 0 : i32
    %dma_wait3A_669 = arith.constant 0 : i32
    %dma_wait3A_670 = tpu.memref_slice %arg3[%dma_wait3A_668, %dma_wait3A_669] : memref<1001472x64xf32, #tpu.memory_space<hbm>> -> memref<1001472x64xf32, #tpu.memory_space<hbm>>
    tpu.wait_indirect_dma semaphore(%arg9 : memref<!tpu.dma_semaphore, #tpu.memory_space<semaphore_mem>>) src(%dma_wait3A_670 : memref<1001472x64xf32, #tpu.memory_space<hbm>>) dst(%dma_wait3A_664 : memref<128x64xf32, #tpu.memory_space<vmem>>)
    %dma_start3A_671 = arith.constant 6 : i32
    %dma_start3A_672 = arith.constant 0 : i32
    %dma_start3A_673 = arith.constant 0 : i32
    %dma_start3A_674 = tpu.memref_slice %arg7[%dma_start3A_671, %dma_start3A_672, %dma_start3A_673] : memref<8x128x64xf32, #tpu.memory_space<vmem>> -> memref<1x128x64xf32, #tpu.memory_space<vmem>>
    %dma_start3A_675 = tpu.memref_squeeze %dma_start3A_674 : memref<1x128x64xf32, #tpu.memory_space<vmem>> -> memref<128x64xf32, #tpu.memory_space<vmem>>
    %dma_start3A_676 = arith.constant 0 : i32
    %dma_start3A_677 = arith.constant 0 : i32
    %dma_start3A_678 = tpu.memref_slice %arg8[%dma_start3A_676, %dma_start3A_677] : memref<2048x64xf32, #tpu.memory_space<vmem_shared>> -> memref<2048x64xf32, #tpu.memory_space<vmem_shared>>
    tpu.enqueue_indirect_dma source(%dma_start3A_675 : memref<128x64xf32, #tpu.memory_space<vmem>>) target(%dma_start3A_678 : memref<2048x64xf32, #tpu.memory_space<vmem_shared>>) offsets(%arg6 : memref<128xi32, #tpu.memory_space<vmem>>) semaphore(%arg10 : memref<!tpu.dma_semaphore, #tpu.memory_space<semaphore_mem>>) {add = true}
    %dma_wait3A_679 = arith.constant 0 : i32
    %dma_wait3A_680 = arith.constant 0 : i32
    %dma_wait3A_681 = arith.constant 0 : i32
    %dma_wait3A_682 = tpu.memref_slice %arg7[%dma_wait3A_679, %dma_wait3A_680, %dma_wait3A_681] : memref<8x128x64xf32, #tpu.memory_space<vmem>> -> memref<1x128x64xf32, #tpu.memory_space<vmem>>
    %dma_wait3A_683 = tpu.memref_squeeze %dma_wait3A_682 : memref<1x128x64xf32, #tpu.memory_space<vmem>> -> memref<128x64xf32, #tpu.memory_space<vmem>>
    %dma_wait3A_684 = arith.constant 0 : i32
    %dma_wait3A_685 = arith.constant 0 : i32
    %dma_wait3A_686 = tpu.memref_slice %arg8[%dma_wait3A_684, %dma_wait3A_685] : memref<2048x64xf32, #tpu.memory_space<vmem_shared>> -> memref<2048x64xf32, #tpu.memory_space<vmem_shared>>
    tpu.wait_indirect_dma semaphore(%arg10 : memref<!tpu.dma_semaphore, #tpu.memory_space<semaphore_mem>>) src(%dma_wait3A_683 : memref<128x64xf32, #tpu.memory_space<vmem>>) dst(%dma_wait3A_686 : memref<2048x64xf32, #tpu.memory_space<vmem_shared>>)
    %dma_wait3A_687 = arith.constant 0 : i32
    %dma_wait3A_688 = arith.constant 7 : i32
    %dma_wait3A_689 = arith.constant 0 : i32
    %dma_wait3A_690 = arith.constant 0 : i32
    %dma_wait3A_691 = tpu.memref_slice %arg7[%dma_wait3A_688, %dma_wait3A_689, %dma_wait3A_690] : memref<8x128x64xf32, #tpu.memory_space<vmem>> -> memref<1x128x64xf32, #tpu.memory_space<vmem>>
    %dma_wait3A_692 = tpu.memref_squeeze %dma_wait3A_691 : memref<1x128x64xf32, #tpu.memory_space<vmem>> -> memref<128x64xf32, #tpu.memory_space<vmem>>
    %dma_wait3A_693 = arith.constant 0 : i32
    %dma_wait3A_694 = tpu.memref_slice %arg5[%dma_wait3A_687, %dma_wait3A_693] : memref<200x128xi32, #tpu.memory_space<vmem>> -> memref<1x128xi32, #tpu.memory_space<vmem>>
    %dma_wait3A_695 = tpu.memref_squeeze %dma_wait3A_694 : memref<1x128xi32, #tpu.memory_space<vmem>> -> memref<128xi32, #tpu.memory_space<vmem>>
    %dma_wait3A_696 = arith.constant 0 : i32
    %dma_wait3A_697 = arith.constant 0 : i32
    %dma_wait3A_698 = tpu.memref_slice %arg3[%dma_wait3A_696, %dma_wait3A_697] : memref<1001472x64xf32, #tpu.memory_space<hbm>> -> memref<1001472x64xf32, #tpu.memory_space<hbm>>
    tpu.wait_indirect_dma semaphore(%arg9 : memref<!tpu.dma_semaphore, #tpu.memory_space<semaphore_mem>>) src(%dma_wait3A_698 : memref<1001472x64xf32, #tpu.memory_space<hbm>>) dst(%dma_wait3A_692 : memref<128x64xf32, #tpu.memory_space<vmem>>)
    %dma_start3A_699 = arith.constant 7 : i32
    %dma_start3A_700 = arith.constant 0 : i32
    %dma_start3A_701 = arith.constant 0 : i32
    %dma_start3A_702 = tpu.memref_slice %arg7[%dma_start3A_699, %dma_start3A_700, %dma_start3A_701] : memref<8x128x64xf32, #tpu.memory_space<vmem>> -> memref<1x128x64xf32, #tpu.memory_space<vmem>>
    %dma_start3A_703 = tpu.memref_squeeze %dma_start3A_702 : memref<1x128x64xf32, #tpu.memory_space<vmem>> -> memref<128x64xf32, #tpu.memory_space<vmem>>
    %dma_start3A_704 = arith.constant 0 : i32
    %dma_start3A_705 = arith.constant 0 : i32
    %dma_start3A_706 = tpu.memref_slice %arg8[%dma_start3A_704, %dma_start3A_705] : memref<2048x64xf32, #tpu.memory_space<vmem_shared>> -> memref<2048x64xf32, #tpu.memory_space<vmem_shared>>
    tpu.enqueue_indirect_dma source(%dma_start3A_703 : memref<128x64xf32, #tpu.memory_space<vmem>>) target(%dma_start3A_706 : memref<2048x64xf32, #tpu.memory_space<vmem_shared>>) offsets(%arg6 : memref<128xi32, #tpu.memory_space<vmem>>) semaphore(%arg10 : memref<!tpu.dma_semaphore, #tpu.memory_space<semaphore_mem>>) {add = true}
    %dma_wait3A_707 = arith.constant 0 : i32
    %dma_wait3A_708 = arith.constant 0 : i32
    %dma_wait3A_709 = arith.constant 0 : i32
    %dma_wait3A_710 = tpu.memref_slice %arg7[%dma_wait3A_707, %dma_wait3A_708, %dma_wait3A_709] : memref<8x128x64xf32, #tpu.memory_space<vmem>> -> memref<1x128x64xf32, #tpu.memory_space<vmem>>
    %dma_wait3A_711 = tpu.memref_squeeze %dma_wait3A_710 : memref<1x128x64xf32, #tpu.memory_space<vmem>> -> memref<128x64xf32, #tpu.memory_space<vmem>>
    %dma_wait3A_712 = arith.constant 0 : i32
    %dma_wait3A_713 = arith.constant 0 : i32
    %dma_wait3A_714 = tpu.memref_slice %arg8[%dma_wait3A_712, %dma_wait3A_713] : memref<2048x64xf32, #tpu.memory_space<vmem_shared>> -> memref<2048x64xf32, #tpu.memory_space<vmem_shared>>
    tpu.wait_indirect_dma semaphore(%arg10 : memref<!tpu.dma_semaphore, #tpu.memory_space<semaphore_mem>>) src(%dma_wait3A_711 : memref<128x64xf32, #tpu.memory_space<vmem>>) dst(%dma_wait3A_714 : memref<2048x64xf32, #tpu.memory_space<vmem_shared>>)
    %dma_wait3A_715 = arith.constant 0 : i32
    %dma_wait3A_716 = arith.constant 0 : i32
    %dma_wait3A_717 = arith.constant 0 : i32
    %dma_wait3A_718 = tpu.memref_slice %arg7[%dma_wait3A_715, %dma_wait3A_716, %dma_wait3A_717] : memref<8x128x64xf32, #tpu.memory_space<vmem>> -> memref<1x128x64xf32, #tpu.memory_space<vmem>>
    %dma_wait3A_719 = tpu.memref_squeeze %dma_wait3A_718 : memref<1x128x64xf32, #tpu.memory_space<vmem>> -> memref<128x64xf32, #tpu.memory_space<vmem>>
    %dma_wait3A_720 = arith.constant 0 : i32
    %dma_wait3A_721 = arith.constant 0 : i32
    %dma_wait3A_722 = tpu.memref_slice %arg8[%dma_wait3A_720, %dma_wait3A_721] : memref<2048x64xf32, #tpu.memory_space<vmem_shared>> -> memref<2048x64xf32, #tpu.memory_space<vmem_shared>>
    tpu.wait_indirect_dma semaphore(%arg10 : memref<!tpu.dma_semaphore, #tpu.memory_space<semaphore_mem>>) src(%dma_wait3A_719 : memref<128x64xf32, #tpu.memory_space<vmem>>) dst(%dma_wait3A_722 : memref<2048x64xf32, #tpu.memory_space<vmem_shared>>)
    %dma_wait3A_723 = arith.constant 0 : i32
    %dma_wait3A_724 = arith.constant 0 : i32
    %dma_wait3A_725 = arith.constant 0 : i32
    %dma_wait3A_726 = tpu.memref_slice %arg7[%dma_wait3A_723, %dma_wait3A_724, %dma_wait3A_725] : memref<8x128x64xf32, #tpu.memory_space<vmem>> -> memref<1x128x64xf32, #tpu.memory_space<vmem>>
    %dma_wait3A_727 = tpu.memref_squeeze %dma_wait3A_726 : memref<1x128x64xf32, #tpu.memory_space<vmem>> -> memref<128x64xf32, #tpu.memory_space<vmem>>
    %dma_wait3A_728 = arith.constant 0 : i32
    %dma_wait3A_729 = arith.constant 0 : i32
    %dma_wait3A_730 = tpu.memref_slice %arg8[%dma_wait3A_728, %dma_wait3A_729] : memref<2048x64xf32, #tpu.memory_space<vmem_shared>> -> memref<2048x64xf32, #tpu.memory_space<vmem_shared>>
    tpu.wait_indirect_dma semaphore(%arg10 : memref<!tpu.dma_semaphore, #tpu.memory_space<semaphore_mem>>) src(%dma_wait3A_727 : memref<128x64xf32, #tpu.memory_space<vmem>>) dst(%dma_wait3A_730 : memref<2048x64xf32, #tpu.memory_space<vmem_shared>>)
    "tpu.region"() ({
      %run_scoped3A_731 = tpu.sem_alloc : memref<!tpu.dma_semaphore, #tpu.memory_space<semaphore_mem>>
      %dma_start3A_732 = arith.constant 0 : i32
      %dma_start3A_733 = tpu.memref_slice %arg4[%mul3A_2, %dma_start3A_732] : memref<4096x64xf32, #tpu.memory_space<hbm>> -> memref<128x64xf32, #tpu.memory_space<hbm>>
      %dma_start3A_734 = arith.constant 0 : i32
      %dma_start3A_735 = tpu.memref_slice %arg8[%mul3A_4, %dma_start3A_734] : memref<2048x64xf32, #tpu.memory_space<vmem_shared>> -> memref<128x64xf32, #tpu.memory_space<vmem_shared>>
      tpu.enqueue_dma source(%dma_start3A_735 : memref<128x64xf32, #tpu.memory_space<vmem_shared>>) target(%dma_start3A_733 : memref<128x64xf32, #tpu.memory_space<hbm>>) target_semaphore(%run_scoped3A_731 : memref<!tpu.dma_semaphore, #tpu.memory_space<semaphore_mem>>)
      %dma_wait3A_736 = arith.constant 0 : i32
      %dma_wait3A_737 = tpu.memref_slice %arg4[%mul3A_2, %dma_wait3A_736] : memref<4096x64xf32, #tpu.memory_space<hbm>> -> memref<128x64xf32, #tpu.memory_space<hbm>>
      %dma_wait3A_738 = arith.constant 0 : i32
      %dma_wait3A_739 = tpu.memref_slice %arg8[%mul3A_4, %dma_wait3A_738] : memref<2048x64xf32, #tpu.memory_space<vmem_shared>> -> memref<128x64xf32, #tpu.memory_space<vmem_shared>>
      tpu.wait_dma2 semaphore(%run_scoped3A_731 : memref<!tpu.dma_semaphore, #tpu.memory_space<semaphore_mem>>) src(%dma_wait3A_739 : memref<128x64xf32, #tpu.memory_space<vmem_shared>>) dst(%dma_wait3A_737 : memref<128x64xf32, #tpu.memory_space<hbm>>)
      tpu.yield
    }) : () -> ()
    return
  }
}

module attributes {stable_mosaic.version = 14 : i64} {
  func.func @body(%arg0: memref<4096x64xf32, #tpu.memory_space<vmem>>, %arg1: memref<64x128xf32, #tpu.memory_space<vmem>>, %arg2: memref<1x128xf32, #tpu.memory_space<vmem>>, %arg3: memref<128x10xf32, #tpu.memory_space<vmem>>, %arg4: memref<1x10xf32, #tpu.memory_space<vmem>>, %arg5: memref<4096x10xf32, #tpu.memory_space<vmem>>) attributes {dimension_semantics = [], scalar_prefetch = 0 : i64, scratch_operands = 0 : i64, tpu.core_type = #tpu.core_type<tc>} {
    %get3A = arith.constant 0 : index
    %get3A_0 = arith.constant 0 : index
    %get3A_1 = vector.load %arg0[%get3A, %get3A_0] : memref<4096x64xf32, #tpu.memory_space<vmem>>, vector<4096x64xf32>
    %get3A_2 = arith.constant 0 : index
    %get3A_3 = arith.constant 0 : index
    %get3A_4 = vector.load %arg1[%get3A_2, %get3A_3] : memref<64x128xf32, #tpu.memory_space<vmem>>, vector<64x128xf32>
    %dot_general3A = arith.constant dense<0.000000e+00> : vector<4096x128xf32>
    %dot_general3A_5 = tpu.matmul %get3A_1, %get3A_4, %dot_general3A {dimension_numbers = #tpu.dot_dimension_numbers<[1], [0], [0], [1], [0, 0, 1, 1], [], []>, transpose_lhs_hint = false} : vector<4096x64xf32>, vector<64x128xf32>, vector<4096x128xf32> -> vector<4096x128xf32>
    %get3A_6 = arith.constant 0 : index
    %get3A_7 = arith.constant 0 : index
    %get3A_8 = vector.load %arg2[%get3A_6, %get3A_7] : memref<1x128xf32, #tpu.memory_space<vmem>>, vector<1x128xf32>
    %add3A = vector.broadcast %get3A_8 : vector<1x128xf32> to vector<4096x128xf32>
    %add3A_9 = arith.addf %dot_general3A_5, %add3A : vector<4096x128xf32>
    %max3A = arith.constant 0.000000e+00 : f32
    %max3A_10 = vector.broadcast %max3A : f32 to vector<4096x128xf32>
    %max3A_11 = arith.maximumf %add3A_9, %max3A_10 : vector<4096x128xf32>
    %get3A_12 = arith.constant 0 : index
    %get3A_13 = arith.constant 0 : index
    %get3A_14 = vector.load %arg3[%get3A_12, %get3A_13] : memref<128x10xf32, #tpu.memory_space<vmem>>, vector<128x10xf32>
    %dot_general3A_15 = arith.constant dense<0.000000e+00> : vector<4096x10xf32>
    %dot_general3A_16 = tpu.matmul %max3A_11, %get3A_14, %dot_general3A_15 {dimension_numbers = #tpu.dot_dimension_numbers<[1], [0], [0], [1], [0, 0, 1, 1], [], []>, transpose_lhs_hint = false} : vector<4096x128xf32>, vector<128x10xf32>, vector<4096x10xf32> -> vector<4096x10xf32>
    %get3A_17 = arith.constant 0 : index
    %get3A_18 = arith.constant 0 : index
    %get3A_19 = vector.load %arg4[%get3A_17, %get3A_18] : memref<1x10xf32, #tpu.memory_space<vmem>>, vector<1x10xf32>
    %add3A_20 = vector.broadcast %get3A_19 : vector<1x10xf32> to vector<4096x10xf32>
    %add3A_21 = arith.addf %dot_general3A_16, %add3A_20 : vector<4096x10xf32>
    %reduce_max3A = arith.constant dense<0xFF800000> : vector<4096xf32>
    %reduce_max3A_22 = vector.multi_reduction <maximumf>, %add3A_21, %reduce_max3A [1] : vector<4096x10xf32> to vector<4096xf32>
    %broadcast_in_dim3A = vector.shape_cast %reduce_max3A_22 : vector<4096xf32> to vector<4096x1xf32>
    %sub3A = vector.broadcast %broadcast_in_dim3A : vector<4096x1xf32> to vector<4096x10xf32>
    %sub3A_23 = arith.subf %add3A_21, %sub3A : vector<4096x10xf32>
    %exp3A = math.exp %sub3A_23 : vector<4096x10xf32>
    %reduce_sum3A = arith.constant dense<0.000000e+00> : vector<4096xf32>
    %reduce_sum3A_24 = vector.multi_reduction <add>, %exp3A, %reduce_sum3A [1] : vector<4096x10xf32> to vector<4096xf32>
    %broadcast_in_dim3A_25 = vector.shape_cast %reduce_sum3A_24 : vector<4096xf32> to vector<4096x1xf32>
    %div3A = vector.broadcast %broadcast_in_dim3A_25 : vector<4096x1xf32> to vector<4096x10xf32>
    %div3A_26 = arith.divf %exp3A, %div3A : vector<4096x10xf32>
    %swap3A = arith.constant 0 : index
    %swap3A_27 = arith.constant 0 : index
    %swap3A_28 = vector.load %arg5[%swap3A, %swap3A_27] : memref<4096x10xf32, #tpu.memory_space<vmem>>, vector<4096x10xf32>
    tpu.vector_store %arg5[%swap3A, %swap3A_27], %div3A_26 {strides = array<i32>} : memref<4096x10xf32, #tpu.memory_space<vmem>>, vector<4096x10xf32>,
    return
  }
}

module attributes {stable_mosaic.version = 14 : i64} {
  func.func @body(%arg0: i32, %arg1: memref<64x2048xf32, #tpu.memory_space<vmem>>, %arg2: memref<1024x128xf32, #tpu.memory_space<vmem>>) attributes {dimension_semantics = [#tpu.dimension_semantics<arbitrary>], iteration_bounds = array<i64: 489>, scalar_prefetch = 0 : i64, scratch_operands = 0 : i64, tpu.core_type = #tpu.core_type<tc>, window_params = [{transform_indices = @transform_0, window_bounds = array<i64: 64, 2048>}, {transform_indices = @transform_1, window_bounds = array<i64: 1024, 128>}]} {
    %get3A = arith.constant 0 : index
    %get3A_0 = arith.constant 0 : index
    %get3A_1 = vector.load %arg1[%get3A, %get3A_0] : memref<64x2048xf32, #tpu.memory_space<vmem>>, vector<64x2048xf32>
    %slice3A = vector.extract_strided_slice %get3A_1 {offsets = [0, 0], sizes = [64, 1024], strides = [1, 1]} : vector<64x2048xf32> to vector<64x1024xf32>
    %transpose3A = tpu.transpose %slice3A, [1, 0] : vector<64x1024xf32> -> vector<1024x64xf32>
    %swap3A = arith.constant 0 : index
    %swap3A_2 = arith.constant 0 : index
    %swap3A_3 = vector.load %arg2[%swap3A, %swap3A_2] : memref<1024x128xf32, #tpu.memory_space<vmem>>, vector<1024x64xf32>
    tpu.vector_store %arg2[%swap3A, %swap3A_2], %transpose3A {strides = array<i32>} : memref<1024x128xf32, #tpu.memory_space<vmem>>, vector<1024x64xf32>,
    %slice3A_4 = vector.extract_strided_slice %get3A_1 {offsets = [0, 1024], sizes = [64, 1024], strides = [1, 1]} : vector<64x2048xf32> to vector<64x1024xf32>
    %transpose3A_5 = tpu.transpose %slice3A_4, [1, 0] : vector<64x1024xf32> -> vector<1024x64xf32>
    %swap3A_6 = arith.constant 0 : index
    %swap3A_7 = arith.constant 64 : index
    %swap3A_8 = vector.load %arg2[%swap3A_6, %swap3A_7] : memref<1024x128xf32, #tpu.memory_space<vmem>>, vector<1024x64xf32>
    tpu.vector_store %arg2[%swap3A_6, %swap3A_7], %transpose3A_5 {strides = array<i32>} : memref<1024x128xf32, #tpu.memory_space<vmem>>, vector<1024x64xf32>,
    return
  }
  func.func @transform_0(%arg0: i32) -> (i32, i32) {
    %c0_i32 = arith.constant 0 : i32
    %c0_i32_0 = arith.constant 0 : i32
    return %c0_i32, %arg0 : i32, i32
  }
  func.func @transform_1(%arg0: i32) -> (i32, i32) {
    %c0_i32 = arith.constant 0 : i32
    %c0_i32_0 = arith.constant 0 : i32
    return %arg0, %c0_i32 : i32, i32
  }
}

</mosaic_0001>

<sc_bundles>
// kernel: kernel.5.cloned.1.call-start
scs
__scs_entry_jumppad:
0x0: {  	(pc) =	sbr.rel $0x88, $3  }
0x1: {  	(tag) =	ssettag $0x0;
	lr =	simm.s32 $0x1  }
0x2: {  	[smem:$0x3F9B] =	sst lr;
	_ =	strace $0xD0000000  }
0x3: {  	_ = 	snop  }
0x4: {  	_ = 	snop  }
0x5: {  	_ = 	snop  }
0x6: {  	_ = 	snop  }
0x7: {  	_ = 	snop  }
__scs_overlays_trampoline_lowered:
0x8: {  	[smem:$0x3FAA] =	sst s0  }
0x9: {  	[smem:$0x3FAB] =	sst s1  }
0xa: {  	[smem:$0x3FAC] =	sst s2  }
0xb: {  	[smem:$0x3FAD] =	sst s3  }
0xc: {  	[smem:$0x3FAE] =	sst s4  }
0xd: {  	[smem:$0x3FAF] =	sst s5  }
0xe: {  	[smem:$0x3FB0] =	sst s6  }
0xf: {  	[smem:$0x3FB1] =	sst s7  }
0x10: {  	[smem:$0x3FB2] =	sst s8  }
0x11: {  	[smem:$0x3FB3] =	sst s9;
	s0 =	simm.s32 @!p0 $0x0  }
0x12: {  	s1 =	sld [smem:$0x3F99];
	s0 =	simm.s32 @p0 $0x1  }
0x13: {  	[smem:$0x3FB4] =	sst s0;
	s0 =	simm.s32 @!p1 $0x0  }
0x14: {  	s2 =	sld [smem:$0x3F98];
	s0 =	simm.s32 @p1 $0x1  }
0x15: {  	[smem:$0x3FB5] =	sst s0;
	s0 =	simm.s32 @!p2 $0x0  }
0x16: {  	s3 =	sld [smem:$0x3FDB];
	s0 =	simm.s32 @p2 $0x1  }
0x17: {  	s4 =	simm.s32 $0x1BF5;
	[smem:$0x3FB7] =	sst s0  }
0x18: {  	s0 =	sld [smem:$0x3F9A];
	_ =	swait.ge [sflag:s4], $0x0  }
0x19: {  	s7 =	sld [smem:$0x3F9B]  }
0x1a: {  	s8 =	sadd.s32 $0xFFFFE003, lr  }
0x1b: {  	s9 =	sadd.s32 $0xFFFFFEF7, lr;
	s5 =	simm.s32 $0xFFFFFFFF;
	p2 =	slt.u32 s8, $0xFFFFF086  }
0x1c: {  	p1 =	slt.u32 s9, $0xF7A;
	s5 =	simm.s32 @!p2 $0x0  }
0x1d: {  	s5 =	simm.s32 @p1 $0x1;
	p0 =	seq.s32 s7, s2  }
0x1e: {  	s7 =	smul.u32 @!p0 $0xF7A, s2;
	p2 =	seq.s32 @!p0 s5, $0x0  }
0x1f: {  	s9 =	smul.u32 $0xF7A, s1;
	s8 =	simm.s32 @!p0 $0x1BF5;
	p2 =	por !p2, p0  }
0x20: {  	[sflag:s8] =	ssyncset.s32 @!p0 $0xFFFFF086;
	s6 =	sadd.s32 @!p0 s3, s7;
	s7 =	simm.s32 @!p0 $0x108  }
0x21: {  	s3 =	sadd.s32 s3, s9;
	s6 =	sadd.s32 @!p0 $0x88, s6;
	s7 =	simm.s32 @p2 $0x1082  }
0x22: {  	[simem:s7], [sflag:s8] =	dma.local @!p0 [hbm:s6], $0xF7A  }
0x23: {  	s9 =	sor.u32 $0xD0000000, s2;
	s6 =	simm.s32 $0x108;
	_ =	swait.ge @!p0 [sflag:s8], $0x0  }
0x24: {  	s3 =	sadd.s32 $0x88, s3;
	s6 =	simm.s32 @!p1 $0x1082;
	[sflag:s4] =	ssyncset.s32 $0xFFFFF086  }
0x25: {  	[simem:s6], [sflag:s4] =	dma.local [hbm:s3], $0xF7A  }
0x26: {  	[smem:$0x3F9B] =	sst s1;
	(tag) =	ssettag s2;
	_ =	strace s9  }
0x27: {  	s1 =	sld [smem:$0x3FAB]  }
0x28: {  	s2 =	sld [smem:$0x3FAC]  }
0x29: {  	s4 =	sld [smem:$0x3FAE]  }
0x2a: {  	p0 =	seq.s32 s5, $0x0;
	s5 =	sld [smem:$0x3FAF]  }
0x2b: {  	s6 =	sld [smem:$0x3FB0]  }
0x2c: {  	s7 =	sld [smem:$0x3FB1]  }
0x2d: {  	s3 =	simm.s32 $0x108;
	s8 =	sld [smem:$0x3FB2]  }
0x2e: {  	s3 =	simm.s32 @!p0 $0x1082;
	s9 =	sld [smem:$0x3FB3]  }
0x2f: {  	lr =	sadd.s32 s0, s3;
	s0 =	sld [smem:$0x3FAA]  }
0x30: {  	s3 =	sld [smem:$0x3FAD]  }
0x31: {  	[smem:$0x3FB6] =	sst s10  }
0x32: {  	s10 =	sld [smem:$0x3FB4];
	_ =	sdelay $0x3  }
0x33: {  	p0 =	seq.s32 s10, $0x1;
	s10 =	sld [smem:$0x3FB6];
	_ =	sdelay $0x3  }
0x34: {  	[smem:$0x3FB6] =	sst s10  }
0x35: {  	s10 =	sld [smem:$0x3FB5];
	_ =	sdelay $0x3  }
0x36: {  	p1 =	seq.s32 s10, $0x1;
	s10 =	sld [smem:$0x3FB6];
	_ =	sdelay $0x3  }
0x37: {  	[smem:$0x3FB6] =	sst s10  }
0x38: {  	s10 =	sld [smem:$0x3FB7]  }
0x39: {  	_ = 	snop;
	(pc) =	sbr.ind lr, $3  }
0x3a: {  	_ = 	snop  }
0x3b: {  	_ = 	snop  }
0x3c: {  	p2 =	seq.s32 s10, $0x1;
	s10 =	sld [smem:$0x3FB6]  }
0x3d: {  	_ =	shalt  }
0x3e: {  	_ =	shalt  }
0x3f: {  	_ =	shalt  }
0x40: {  	_ =	shalt  }
0x41: {  	_ =	shalt  }
0x42: {  	_ =	shalt  }
0x43: {  	_ =	shalt  }
0x44: {  	_ =	shalt  }
0x45: {  	_ =	shalt  }
0x46: {  	_ =	shalt  }
0x47: {  	_ =	shalt  }
0x48: {  	_ =	shalt  }
0x49: {  	_ =	shalt  }
0x4a: {  	_ =	shalt  }
0x4b: {  	_ =	shalt  }
0x4c: {  	_ =	shalt  }
0x4d: {  	_ =	shalt  }
0x4e: {  	_ =	shalt  }
0x4f: {  	_ =	shalt  }
0x50: {  	_ =	shalt  }
0x51: {  	_ =	shalt  }
0x52: {  	_ =	shalt  }
0x53: {  	_ =	shalt  }
0x54: {  	_ =	shalt  }
0x55: {  	_ =	shalt  }
0x56: {  	_ =	shalt  }
0x57: {  	_ =	shalt  }
0x58: {  	_ =	shalt  }
0x59: {  	_ =	shalt  }
0x5a: {  	_ =	shalt  }
0x5b: {  	_ =	shalt  }
0x5c: {  	_ =	shalt  }
0x5d: {  	_ =	shalt  }
0x5e: {  	_ =	shalt  }
0x5f: {  	_ =	shalt  }
0x60: {  	_ =	shalt  }
0x61: {  	_ =	shalt  }
0x62: {  	_ =	shalt  }
0x63: {  	_ =	shalt  }
0x64: {  	_ =	shalt  }
0x65: {  	_ =	shalt  }
0x66: {  	_ =	shalt  }
0x67: {  	_ =	shalt  }
0x68: {  	_ =	shalt  }
0x69: {  	_ =	shalt  }
0x6a: {  	_ =	shalt  }
0x6b: {  	_ =	shalt  }
0x6c: {  	_ =	shalt  }
0x6d: {  	_ =	shalt  }
0x6e: {  	_ =	shalt  }
0x6f: {  	_ =	shalt  }
0x70: {  	_ =	shalt  }
0x71: {  	_ =	shalt  }
0x72: {  	_ =	shalt  }
0x73: {  	_ =	shalt  }
0x74: {  	_ =	shalt  }
0x75: {  	_ =	shalt  }
0x76: {  	_ =	shalt  }
0x77: {  	_ =	shalt  }
0x78: {  	_ =	shalt  }
0x79: {  	_ =	shalt  }
0x7a: {  	_ =	shalt  }
0x7b: {  	_ =	shalt  }
0x7c: {  	_ =	shalt  }
0x7d: {  	_ =	shalt  }
0x7e: {  	_ =	shalt  }
0x7f: {  	_ =	shalt  }
0x80: {  	_ =	shalt  }
0x81: {  	_ =	shalt  }
0x82: {  	_ =	shalt  }
0x83: {  	_ =	shalt  }
0x84: {  	_ =	shalt  }
0x85: {  	_ =	shalt  }
0x86: {  	_ =	shalt  }
0x87: {  	_ =	shalt  }
.Lfunc_end0:
.L_simem_size_0:
called_computation_lowered:
.L_overlay_start_0:
0x88: {  	s2 =	sld [smem:$0x3FD9]  }
0x89: {  	s3 =	sld [smem:$0x3FFE];
	_ =	sdelay $0x1  }
0x8a: {  	s1 =	srdreg.scid  }
0x8b: {  	s0 =	sand.u32 $0x1, s1  }
0x8c: {  	s16 =	sshll.u32 s0, $0xA;
	s2 =	sadd.s32 s3, s2  }
0x8d: {  	s2 =	sadd.s32 s2, s16  }
0x8e: {  	[smem:$0x3FC2] =	sst s2  }
0x8f: {  	_ = 	snop  }
0x90: {  	(tm) =	ssettm $0x1  }
0x91: {  	s17 =	sld [smem:$0x3FFB];
	_ =	sdelay $0x3  }
0x92: {  	_ =	strace s17  }
0x93: {  	s2 =	sld [smem:$0x3FFC];
	_ =	sdelay $0x3  }
0x94: {  	_ =	strace s2  }
0x95: {  	s2 =	sld [smem:$0x3FFD];
	_ =	sdelay $0x3  }
0x96: {  	_ =	strace s2  }
0x97: {  	_ =	strace $0x8FFFFFFF  }
0x98: {  	s18 =	sld [smem:$0x3FDB];
	_ =	sdelay $0x1  }
0x99: {  	s19 =	simm.s32 $_scs_section_size  }
0x9a: {  	s4 =	simm.s32 $_size__tile_overlayer_lowered;
	s5 =	simm.s32 $_tile_overlayer_lowered  }
0x9b: {  	s22 =	simm.s32 $0x1BFF;
	s21 =	sshll.u32 s5, $0x1;
	s2 =	sadd.s32 s19, s18  }
0x9c: {  	s6 =	simm.s32 $0x0;
	s20 =	sshll.u32 s4, $0x1;
	s4 =	sadd.s32 s21, s2  }
0x9d: {  	[timem:s6], [sflag:s22] =	dma.local [hbm:s4], s20  }
0x9e: {  	_ =	swait.ge [sflag:s22], s20  }
0x9f: {  	s3 =	ssub.s32 $0x0, s20;
	[sflag:s22] =	ssyncset.done $0x0  }
0xa0: {  	[sflag:s22] =	ssyncadd.s32 s3;
	_ =	sdelay $0x1  }
0xa1: {  	s23 =	simm.s32 $0x1B8B  }
0xa2: {  	_ =	swait.ge [sflag:s23], $0x1  }
0xa3: {  	[sflag:s23] =	ssyncset.done $0x0  }
0xa4: {  	s25 =	simm.s32 $0x1B8E;
	s24 =	sld [smem:$0x3FFE];
	[sflag:s23] =	ssyncadd.s32 $0xFFFFFFFF  }
0xa5: {  	s26 =	simm.s32 $execute0_lowered;
	[smem:$0x3FD2] =	sst s25  }
0xa6: {  	s4 =	sshll.u32 s26, $0x1;
	_ =	strace $0x80000046;
	[dreg:$0x1] =	wrdreg $0xFFFFFFFF  }
0xa7: {  	s28 =	simm.s32 $_size_execute0_lowered;
	s2 =	sadd.s32 s2, s4;
	[dreg:$0x0] =	wrdreg $0x0  }
0xa8: {  	s4 =	sshll.u32 s28, $0x1;
	[dreg:$0x2] =	wrdreg s2  }
0xa9: {  	[dreg:$0x3] =	wrdreg s4  }
0xaa: {  	[dreg:$0x4] =	wrdreg $0xC0  }
0xab: {  	_ =	task [dreg:s6], $0x5FFFF  }
0xac: {  	[dreg:$0x1] =	wrdreg $0xFFFFFFFF  }
0xad: {  	[dreg:$0x0] =	wrdreg $0x60  }
0xae: {  	[dreg:$0x2] =	wrdreg s24  }
0xaf: {  	[dreg:$0x3] =	wrdreg $0x164800  }
0xb0: {  	[dreg:$0x4] =	wrdreg $0x9  }
0xb1: {  	_ =	task.clear_ibuf [dreg:s6], $0x5FFFF;
	_ =	strace $0x90000046  }
0xb2: {  	s29 =	simm.s32 $0x9;
	_ =	strace $0x80000048  }
0xb3: {  	_ =	swait.ge [sflag:s29], $0x1  }
0xb4: {  	[sflag:s29] =	ssyncadd.s32 $0xFFFFFFFF  }
0xb5: {  	_ =	strace $0x90000048  }
0xb6: {  	_ =	sfence  }
0xb7: {  	s30 =	sld [smem:$0x0];
	_ =	sdelay $0x2  }
0xb8: {  	s31 =	sshll.u32 s1, $0xD;
	s1 =	sshrl.u32 s1, $0x2  }
0xb9: {  	s3 =	sand.u32 $0x4000, s31;
	s1 =	sadd.s32 s1, s30  }
0xba: {  	s0 =	sor.u32 s3, s0;
	s1 =	sshll.u32 s1, $0x11  }
0xbb: {  	s0 =	sor.u32 s1, s0  }
0xbc: {  	s0 =	sadd.s32 $0x8F2B, s0  }
0xbd: {  	[sflag:s0] =	ssyncadd.remote.s32 $0x1  }
0xbe: {  	_ =	sfence.sel $0xFFFF  }
0xbf: {  	[dreg:$0x0] =	wrdreg $0xFFFFFFFF;
	(pc) =	sbr.abs _section_cstart, $3  }
0xc0: {  	[dreg:$0x1] =	wrdreg $0xFFFFFFFF  }
0xc1: {  	_ =	task.clear_ibuf [dreg:s6], $0x2FFFF;
	_ =	strace $0x9FFFFFFF  }
0xc2: {  	(tm) =	ssettm $0x7FFFFFFF  }
0xc3: {  	_ =	shalt  }
tec
execute0_lowered:
.L_overlay_start_1:
0x0: {  	(tag) =	ssettag $0x1  }
0x1: {  	s1 =	srdreg.scid;
	s3 =	rddreg [dreg:$0x0]  }
0x2: {  	s0 =	stileid.u32;
	s2 =	rddreg [dreg:$0x1];
	s6 =	simm.s32 $0x0  }
0x3: {  	s9 =	simm.s32 $0x80;
	s11 =	simm.s32 $0x3;
	s12 =	simm.s32 $0x6480  }
0x4: {  	s13 =	simm.s32 $0x8480;
	s15 =	simm.s32 $0xA480;
	s17 =	simm.s32 $0xC480  }
0x5: {  	s19 =	simm.s32 $0xE480;
	s21 =	simm.s32 $0x10480;
	s22 =	simm.s32 $0x1  }
0x6: {  	s28 =	simm.s32 $0x14480;
	s29 =	simm.s32 $0x2;
	s31 =	simm.s32 $0x480  }
0x7: {  	s1 =	sand.u32 $0x1, s1;
	s4 =	sshll.u32 s0, $0x8;
	[smem:$0x7FF] =	sst s6  }
0x8: {  	s10 =	sshll.u32 s0, $0x7;
	s25 =	sshll.u32 s0, $0xD;
	s5 =	sshll.u32 s1, $0x7  }
0x9: {  	_ =	strace $0x80000047;
	s1 =	ssub.s32 $0x2, s1;
	s14 =	sor.u32 $0x10, s10  }
0xa: {  	s16 =	sor.u32 $0x20, s10;
	s18 =	sor.u32 $0x30, s10;
	s20 =	sor.u32 $0x40, s10  }
0xb: {  	s26 =	sor.u32 $0x60, s10;
	s30 =	sor.u32 $0x70, s10;
	s6 =	sadd.s32 s25, s2  }
0xc: {  	v7 =	vlaneseq.u32;
	s25 =	simm.s32 $0x12480;
	s5 =	sor.u32 s5, s4;
	s24 =	sshrl.u32 s1, $0x1  }
0xd: {  	v1 =	vor.u32 s14, v7;
	v2 =	vor.u32 s16, v7;
	v3 =	vor.u32 s18, v7;
	s14 =	simm.s32 $0x680;
	s16 =	simm.s32 $0x6300;
	s18 =	simm.s32 $0x6380  }
0xe: {  	v4 =	vor.u32 s20, v7;
	s20 =	simm.s32 $0x0;
	s4 =	sshrl.u32 s5, $0x3;
	s5 =	sshll.u32 s5, $0x3  }
0xf: {  	v0 =	vor.u32 s10, v7;
	s1 =	ssub.s32 s1, s24;
	s24 =	sor.u32 $0x50, s10;
	s10 =	simm.s32 $0x600  }
0x10: {  	s23 =	sadd.s32 s4, s3;
	s4 =	sadd.s32 $0xE00, s3;
	s3 =	sadd.s32 s5, s3  }
0x11: {  	v8 =	vimm.f32 $0.0e+00;
	s8 =	smax.u32 s1, $0x1;
	s1 =	simm.s32 $0x500;
	s5 =	sadd.s32 $0x7A4E00, s23  }
0x12: {  	v6 =	vor.u32 s26, v7;
	v5 =	vor.u32 s24, v7;
	v7 =	vor.u32 s30, v7;
	s7 =	sadd.s32 $0x7BDE00, s3;
	s23 =	simm.s32 $0x6400;
	s3 =	simm.s32 $0x580  }
.LBB2_1:
0x13: {  	s24 =	simm.s32 $0x0;
	s26 =	simm.s32 $0x1000  }
0x14: {  	[tilespmem:s24], [sflag:$0x3] =	stream.strided.gather [hbm4b:s5+s9], $0x6400, s26, s9, $0x38;
	[tilespmem:$0x18480] =	vst v63  }
0x15: {  	_ =	swait.ge [sflag:s11], $0x6400  }
0x16: {  	[sflag:s11] =	ssyncset.done $0x0  }
0x17: {  	s24 =	simm.s32 $0x0;
	[sflag:s11] =	ssyncadd.s32 $0xFFFF9C00  }
0x18: {  	v9 =	vld [tilespmem:s24+$0x0]  }
0x19: {  	v10 =	vld [tilespmem:s24+$0x10]  }
0x1a: {  	v14 =	vld [tilespmem:s24+$0x30];
	_ =	sdelay $0x2  }
0x1b: {  	v11 =	vshll.u32 v9, $0x1  }
0x1c: {  	v12 =	vld [tilespmem:s24+$0x20];
	v13 =	vand.u32 $0xFFFFF800, v9;
	v9 =	vshrl.u32 v9, $0xA;
	v15 =	vand.u32 $0xFFFFF800, v10  }
0x1d: {  	v16 =	vshll.u32 v14, $0x1;
	v18 =	vand.u32 $0xFFFFF800, v14;
	v14 =	vshrl.u32 v14, $0xA  }
0x1e: {  	v11 =	vand.u32 $0x7FE, v11;
	v9 =	vand.u32 $0x1, v9;
	v16 =	vand.u32 $0x7FE, v16  }
0x1f: {  	v17 =	vld [tilespmem:s24+$0x40];
	v11 =	vor.u32 v13, v11;
	v13 =	vshll.u32 v10, $0x1;
	v10 =	vshrl.u32 v10, $0xA  }
0x20: {  	v16 =	vor.u32 v18, v16;
	v18 =	vand.u32 $0x1, v14;
	v13 =	vand.u32 $0x7FE, v13  }
0x21: {  	v14 =	vld [tilespmem:s24+$0x50];
	v9 =	vor.u32 v9, v11;
	v11 =	vor.u32 v15, v13;
	v15 =	vshll.u32 v12, $0x1  }
0x22: {  	v13 =	vand.u32 $0xFFFFF800, v12;
	v12 =	vshrl.u32 v12, $0xA;
	v15 =	vand.u32 $0x7FE, v15  }
0x23: {  	v10 =	vand.u32 $0x1, v10;
	v12 =	vand.u32 $0x1, v12;
	v15 =	vor.u32 v13, v15  }
0x24: {  	v13 =	vor.u32 v10, v11;
	v10 =	vor.u32 v18, v16;
	v11 =	vld [tilespmem:s24+$0x60];
	v16 =	vshll.u32 v17, $0x1  }
0x25: {  	s26 =	simm.s32 $0x200;
	v12 =	vor.u32 v12, v15;
	v15 =	vand.u32 $0xFFFFF800, v17;
	v17 =	vshrl.u32 v17, $0xA  }
.LBB2_2:
0x26: {  	p0 =	sne.s32 s26, $0x18E00;
	v16 =	vand.u32 $0x7FE, v16;
	v17 =	vand.u32 $0x1, v17;
	v18 =	vshll.u32 v14, $0x1;
	v19 =	vld [tilespmem:s24+$0x70]  }
0x27: {  	v20 =	vand.u32 $0xFFFFF800, v14;
	v14 =	vshrl.u32 v14, $0xA;
	v18 =	vand.u32 $0x7FE, v18  }
0x28: {  	s30 =	sshra.s32 s26, $0x2;
	v14 =	vand.u32 $0x1, v14;
	[tilespmem:s24+$0x0] =	vst v9;
	v9 =	vor.u32 v15, v16;
	v15 =	vor.u32 v20, v18  }
0x29: {  	v16 =	vld [tilespmem:s30+$0x0];
	[tilespmem:s24+$0x10] =	vst v13;
	v9 =	vor.u32 v17, v9;
	v13 =	vor.u32 v14, v15;
	v14 =	vshll.u32 v11, $0x1  }
0x2a: {  	[tilespmem:s24+$0x20] =	vst v12;
	v12 =	vand.u32 $0xFFFFF800, v11;
	v14 =	vand.u32 $0x7FE, v14;
	v11 =	vshrl.u32 v11, $0xA  }
0x2b: {  	v15 =	vld [tilespmem:s30+$0x10];
	[tilespmem:s24+$0x30] =	vst v10;
	v10 =	vor.u32 v12, v14;
	v11 =	vand.u32 $0x1, v11;
	v12 =	vshll.u32 v19, $0x1  }
0x2c: {  	v14 =	vshrl.u32 v19, $0xA;
	[tilespmem:s24+$0x40] =	vst v9;
	v9 =	vand.u32 $0xFFFFF800, v19;
	v12 =	vand.u32 $0x7FE, v12  }
0x2d: {  	v10 =	vor.u32 v11, v10;
	v11 =	vand.u32 $0x1, v14;
	[tilespmem:s24+$0x50] =	vst v13;
	v9 =	vor.u32 v9, v12  }
0x2e: {  	v12 =	vshll.u32 v16, $0x1;
	v13 =	vld [tilespmem:s30+$0x20];
	[tilespmem:s24+$0x60] =	vst v10;
	v9 =	vor.u32 v11, v9  }
0x2f: {  	v10 =	vand.u32 $0xFFFFF800, v16;
	v11 =	vand.u32 $0x7FE, v12;
	v12 =	vshrl.u32 v16, $0xA;
	v16 =	vld [tilespmem:s30+$0x30];
	[tilespmem:s24+$0x70] =	vst v9;
	s24 =	smov.u32 s30  }
0x30: {  	v9 =	vor.u32 v10, v11;
	v10 =	vand.u32 $0x1, v12;
	v11 =	vshll.u32 v15, $0x1  }
0x31: {  	v12 =	vand.u32 $0xFFFFF800, v15;
	v14 =	vshrl.u32 v15, $0xA;
	v11 =	vand.u32 $0x7FE, v11  }
0x32: {  	v9 =	vor.u32 v10, v9;
	v10 =	vor.u32 v12, v11;
	v11 =	vand.u32 $0x1, v14  }
0x33: {  	v12 =	vand.u32 $0xFFFFF800, v13;
	v14 =	vshll.u32 v13, $0x1;
	v13 =	vshrl.u32 v13, $0xA;
	v17 =	vld [tilespmem:s24+$0x40]  }
.Ltmp0:
0x34: {  	v15 =	vand.u32 $0x7FE, v14;
	v18 =	vand.u32 $0x1, v13;
	v13 =	vshll.u32 v16, $0x1;
	v14 =	vld [tilespmem:s24+$0x50];
	(pc) =	sbr.rel @p0 .LBB2_2-.Ltmp0, $4  }
0x35: {  	v19 =	vand.u32 $0xFFFFF800, v16;
	v16 =	vshrl.u32 v16, $0xA;
	v13 =	vand.u32 $0x7FE, v13  }
0x36: {  	v12 =	vor.u32 v12, v15;
	v16 =	vand.u32 $0x1, v16;
	v15 =	vor.u32 v19, v13  }
0x37: {  	v13 =	vor.u32 v11, v10;
	v12 =	vor.u32 v18, v12;
	v10 =	vor.u32 v16, v15;
	v11 =	vld [tilespmem:s24+$0x60]  }
0x38: {  	s26 =	sadd.s32 $0x200, s26;
	v15 =	vand.u32 $0xFFFFF800, v17;
	v16 =	vshll.u32 v17, $0x1;
	v17 =	vshrl.u32 v17, $0xA  }
0x39: {  	v16 =	vand.u32 $0x7FE, v16;
	v17 =	vand.u32 $0x1, v17;
	v18 =	vshll.u32 v14, $0x1;
	v19 =	vld [tilespmem:s24+$0x70]  }
0x3a: {  	v20 =	vand.u32 $0xFFFFF800, v14;
	v57 =	vshrl.u32 v14, $0xA;
	v18 =	vand.u32 $0x7FE, v18  }
0x3b: {  	[tilespmem:s24+$0x0] =	vst v9;
	v9 =	vor.u32 v15, v16;
	v14 =	vand.u32 $0x1, v57;
	v58 =	vor.u32 v20, v18  }
0x3c: {  	[tilespmem:s24+$0x10] =	vst v13;
	v9 =	vor.u32 v17, v9;
	v59 =	vor.u32 v14, v58;
	v60 =	vshll.u32 v11, $0x1  }
0x3d: {  	[tilespmem:s24+$0x20] =	vst v12;
	v61 =	vand.u32 $0xFFFFF800, v11;
	v11 =	vshrl.u32 v11, $0xA;
	v14 =	vand.u32 $0x7FE, v60  }
0x3e: {  	[tilespmem:s24+$0x30] =	vst v10;
	v11 =	vand.u32 $0x1, v11;
	v10 =	vor.u32 v61, v14;
	v62 =	vshll.u32 v19, $0x1  }
0x3f: {  	[tilespmem:s24+$0x40] =	vst v9;
	v9 =	vand.u32 $0xFFFFF800, v19;
	v63 =	vshrl.u32 v19, $0xA;
	v12 =	vand.u32 $0x7FE, v62  }
0x40: {  	[tilespmem:s24+$0x50] =	vst v59;
	v10 =	vor.u32 v11, v10;
	v11 =	vand.u32 $0x1, v63;
	v9 =	vor.u32 v9, v12  }
0x41: {  	[tilespmem:s24+$0x60] =	vst v10;
	v9 =	vor.u32 v11, v9  }
0x42: {  	[tilespmem:s24+$0x70] =	vst v9  }
0x43: {  	[tilespmem:$0x6400] =	vst v0  }
0x44: {  	[tilespmem:$0x6410] =	vst v1  }
0x45: {  	[tilespmem:$0x6420] =	vst v2  }
0x46: {  	[tilespmem:$0x6430] =	vst v3  }
0x47: {  	[tilespmem:$0x6440] =	vst v4  }
0x48: {  	[tilespmem:$0x6450] =	vst v5  }
0x49: {  	[tilespmem:$0x6460] =	vst v6  }
0x4a: {  	s26 =	simm.s32 $0x100;
	s24 =	simm.s32 $0x0;
	[tilespmem:$0x6470] =	vst v7  }
.LBB2_4:
0x4b: {  	p0 =	sne.s32 s26, $0x7F00;
	[tilespmem:s24+$0x64B0] =	vst v8;
	s30 =	smov.u32 s26;
	s26 =	sadd.s32 $0x100, s26  }
.Ltmp1:
0x4c: {  	[tilespmem:s24+$0x64A0] =	vst v8;
	(pc) =	sbr.rel @p0 .LBB2_4-.Ltmp1, $3  }
0x4d: {  	[tilespmem:s24+$0x6480] =	vst v8  }
0x4e: {  	[tilespmem:s24+$0x6490] =	vst v8;
	_ =	sdelay $0x1  }
0x4f: {  	s24 =	sshra.s32 s30, $0x2  }
0x50: {  	[tilespmem:s24+$0x64B0] =	vst v8  }
0x51: {  	[tilespmem:s24+$0x64A0] =	vst v8  }
0x52: {  	[tilespmem:s24+$0x6480] =	vst v8  }
0x53: {  	[tilespmem:s24+$0x6490] =	vst v8  }
0x54: {  	[spmem:s6] =	stream.linear.scatter [tilespmem:s12], [sflag:$0x3], $0x2000, $0x38;
	[tilespmem:$0x18480] =	vst v63  }
0x55: {  	_ =	swait.ge [sflag:s11], $0x2000  }
0x56: {  	[sflag:s11] =	ssyncset.done $0x0  }
0x57: {  	s30 =	simm.s32 $0x0;
	[sflag:s11] =	ssyncadd.s32 $0xFFFFE000  }
0x58: {  	[tilespmem:s12], [sflag:$0x1] =	stream.indirect.gather [hbm4b:s4+s9], $0x40, s30, s9, $0xb8;
	[tilespmem:$0x18480] =	vst v63  }
0x59: {  	_ = 	snop  }
0x5a: {  	[tilespmem:s13], [sflag:$0x1] =	stream.indirect.gather [hbm4b:s4+s9], $0x40, s9, s9, $0xb8;
	[tilespmem:$0x18480] =	vst v63  }
0x5b: {  	s26 =	simm.s32 $0x100  }
0x5c: {  	[tilespmem:s15], [sflag:$0x1] =	stream.indirect.gather [hbm4b:s4+s9], $0x40, s26, s9, $0xb8;
	[tilespmem:$0x18480] =	vst v63  }
0x5d: {  	s30 =	simm.s32 $0x180  }
0x5e: {  	[tilespmem:s17], [sflag:$0x1] =	stream.indirect.gather [hbm4b:s4+s9], $0x40, s30, s9, $0xb8;
	[tilespmem:$0x18480] =	vst v63  }
0x5f: {  	s26 =	simm.s32 $0x200  }
0x60: {  	[tilespmem:s19], [sflag:$0x1] =	stream.indirect.gather [hbm4b:s4+s9], $0x40, s26, s9, $0xb8;
	[tilespmem:$0x18480] =	vst v63  }
0x61: {  	s30 =	simm.s32 $0x280  }
0x62: {  	[tilespmem:s21], [sflag:$0x1] =	stream.indirect.gather [hbm4b:s4+s9], $0x40, s30, s9, $0xb8;
	[tilespmem:$0x18480] =	vst v63  }
0x63: {  	_ =	swait.ge [sflag:s22], $0x2000  }
0x64: {  	[sflag:s22] =	ssyncset.done $0x0  }
0x65: {  	[sflag:s22] =	ssyncadd.s32 $0xFFFFE000  }
0x66: {  	[spmem:s2] =	stream.indirect.scatter.add.f32 [tilespmem:s12], [sflag:$0x2], $0x40, s23, s9, $0xb8;
	[tilespmem:$0x18480] =	vst v63  }
0x67: {  	s26 =	simm.s32 $0x300  }
0x68: {  	[tilespmem:s25], [sflag:$0x1] =	stream.indirect.gather [hbm4b:s4+s9], $0x40, s26, s9, $0xb8;
	[tilespmem:$0x18480] =	vst v63  }
0x69: {  	_ =	swait.ge [sflag:s22], $0x2000  }
0x6a: {  	[sflag:s22] =	ssyncset.done $0x0  }
0x6b: {  	[sflag:s22] =	ssyncadd.s32 $0xFFFFE000  }
0x6c: {  	[spmem:s2] =	stream.indirect.scatter.add.f32 [tilespmem:s13], [sflag:$0x2], $0x40, s23, s9, $0xb8;
	[tilespmem:$0x18480] =	vst v63  }
0x6d: {  	s30 =	simm.s32 $0x380  }
0x6e: {  	[tilespmem:s28], [sflag:$0x1] =	stream.indirect.gather [hbm4b:s4+s9], $0x40, s30, s9, $0xb8;
	[tilespmem:$0x18480] =	vst v63  }
0x6f: {  	_ =	swait.ge [sflag:s22], $0x2000  }
0x70: {  	[sflag:s22] =	ssyncset.done $0x0  }
0x71: {  	[sflag:s22] =	ssyncadd.s32 $0xFFFFE000  }
0x72: {  	[spmem:s2] =	stream.indirect.scatter.add.f32 [tilespmem:s15], [sflag:$0x2], $0x40, s23, s9, $0xb8;
	[tilespmem:$0x18480] =	vst v63  }
0x73: {  	_ =	swait.ge [sflag:s29], $0x2000  }
0x74: {  	[sflag:s29] =	ssyncset.done $0x0  }
0x75: {  	s26 =	simm.s32 $0x400;
	[sflag:s29] =	ssyncadd.s32 $0xFFFFE000  }
0x76: {  	[tilespmem:s12], [sflag:$0x1] =	stream.indirect.gather [hbm4b:s4+s9], $0x40, s26, s9, $0xb8;
	[tilespmem:$0x18480] =	vst v63  }
0x77: {  	_ =	swait.ge [sflag:s22], $0x2000  }
0x78: {  	[sflag:s22] =	ssyncset.done $0x0  }
0x79: {  	[sflag:s22] =	ssyncadd.s32 $0xFFFFE000  }
0x7a: {  	[spmem:s2] =	stream.indirect.scatter.add.f32 [tilespmem:s17], [sflag:$0x2], $0x40, s23, s9, $0xb8;
	[tilespmem:$0x18480] =	vst v63  }
0x7b: {  	_ =	swait.ge [sflag:s29], $0x2000  }
0x7c: {  	[sflag:s29] =	ssyncset.done $0x0  }
0x7d: {  	[sflag:s29] =	ssyncadd.s32 $0xFFFFE000  }
0x7e: {  	[tilespmem:s13], [sflag:$0x1] =	stream.indirect.gather [hbm4b:s4+s9], $0x40, s31, s9, $0xb8;
	[tilespmem:$0x18480] =	vst v63  }
0x7f: {  	_ =	swait.ge [sflag:s22], $0x2000  }
0x80: {  	[sflag:s22] =	ssyncset.done $0x0  }
0x81: {  	[sflag:s22] =	ssyncadd.s32 $0xFFFFE000  }
0x82: {  	[spmem:s2] =	stream.indirect.scatter.add.f32 [tilespmem:s19], [sflag:$0x2], $0x40, s23, s9, $0xb8;
	[tilespmem:$0x18480] =	vst v63  }
0x83: {  	_ =	swait.ge [sflag:s29], $0x2000  }
0x84: {  	[sflag:s29] =	ssyncset.done $0x0  }
0x85: {  	[sflag:s29] =	ssyncadd.s32 $0xFFFFE000  }
0x86: {  	[tilespmem:s15], [sflag:$0x1] =	stream.indirect.gather [hbm4b:s4+s9], $0x40, s1, s9, $0xb8;
	[tilespmem:$0x18480] =	vst v63  }
0x87: {  	_ =	swait.ge [sflag:s22], $0x2000  }
0x88: {  	[sflag:s22] =	ssyncset.done $0x0  }
0x89: {  	[sflag:s22] =	ssyncadd.s32 $0xFFFFE000  }
0x8a: {  	[spmem:s2] =	stream.indirect.scatter.add.f32 [tilespmem:s21], [sflag:$0x2], $0x40, s23, s9, $0xb8;
	[tilespmem:$0x18480] =	vst v63  }
0x8b: {  	_ =	swait.ge [sflag:s29], $0x2000  }
0x8c: {  	[sflag:s29] =	ssyncset.done $0x0  }
0x8d: {  	[sflag:s29] =	ssyncadd.s32 $0xFFFFE000  }
0x8e: {  	[tilespmem:s17], [sflag:$0x1] =	stream.indirect.gather [hbm4b:s4+s9], $0x40, s3, s9, $0xb8;
	[tilespmem:$0x18480] =	vst v63  }
0x8f: {  	_ =	swait.ge [sflag:s22], $0x2000  }
0x90: {  	[sflag:s22] =	ssyncset.done $0x0  }
0x91: {  	[sflag:s22] =	ssyncadd.s32 $0xFFFFE000  }
0x92: {  	[spmem:s2] =	stream.indirect.scatter.add.f32 [tilespmem:s25], [sflag:$0x2], $0x40, s23, s9, $0xb8;
	[tilespmem:$0x18480] =	vst v63  }
0x93: {  	_ =	swait.ge [sflag:s29], $0x2000  }
0x94: {  	[sflag:s29] =	ssyncset.done $0x0  }
0x95: {  	[sflag:s29] =	ssyncadd.s32 $0xFFFFE000  }
0x96: {  	[tilespmem:s19], [sflag:$0x1] =	stream.indirect.gather [hbm4b:s4+s9], $0x40, s10, s9, $0xb8;
	[tilespmem:$0x18480] =	vst v63  }
0x97: {  	_ =	swait.ge [sflag:s22], $0x2000  }
0x98: {  	[sflag:s22] =	ssyncset.done $0x0  }
0x99: {  	[sflag:s22] =	ssyncadd.s32 $0xFFFFE000  }
0x9a: {  	[spmem:s2] =	stream.indirect.scatter.add.f32 [tilespmem:s28], [sflag:$0x2], $0x40, s23, s9, $0xb8;
	[tilespmem:$0x18480] =	vst v63  }
0x9b: {  	_ =	swait.ge [sflag:s29], $0x2000  }
0x9c: {  	[sflag:s29] =	ssyncset.done $0x0  }
0x9d: {  	[sflag:s29] =	ssyncadd.s32 $0xFFFFE000  }
0x9e: {  	[tilespmem:s21], [sflag:$0x1] =	stream.indirect.gather [hbm4b:s4+s9], $0x40, s14, s9, $0xb8;
	[tilespmem:$0x18480] =	vst v63  }
0x9f: {  	_ =	swait.ge [sflag:s22], $0x2000  }
0xa0: {  	[sflag:s22] =	ssyncset.done $0x0  }
0xa1: {  	[sflag:s22] =	ssyncadd.s32 $0xFFFFE000  }
0xa2: {  	[spmem:s2] =	stream.indirect.scatter.add.f32 [tilespmem:s12], [sflag:$0x2], $0x40, s23, s9, $0xb8;
	[tilespmem:$0x18480] =	vst v63  }
0xa3: {  	_ =	swait.ge [sflag:s29], $0x2000  }
0xa4: {  	[sflag:s29] =	ssyncset.done $0x0  }
0xa5: {  	s30 =	simm.s32 $0x700;
	[sflag:s29] =	ssyncadd.s32 $0xFFFFE000  }
0xa6: {  	[tilespmem:s25], [sflag:$0x1] =	stream.indirect.gather [hbm4b:s4+s9], $0x40, s30, s9, $0xb8;
	[tilespmem:$0x18480] =	vst v63  }
0xa7: {  	_ =	swait.ge [sflag:s22], $0x2000  }
0xa8: {  	[sflag:s22] =	ssyncset.done $0x0  }
0xa9: {  	[sflag:s22] =	ssyncadd.s32 $0xFFFFE000  }
0xaa: {  	[spmem:s2] =	stream.indirect.scatter.add.f32 [tilespmem:s13], [sflag:$0x2], $0x40, s23, s9, $0xb8;
	[tilespmem:$0x18480] =	vst v63  }
0xab: {  	_ =	swait.ge [sflag:s29], $0x2000  }
0xac: {  	[sflag:s29] =	ssyncset.done $0x0  }
0xad: {  	s26 =	simm.s32 $0x780;
	[sflag:s29] =	ssyncadd.s32 $0xFFFFE000  }
0xae: {  	[tilespmem:s28], [sflag:$0x1] =	stream.indirect.gather [hbm4b:s4+s9], $0x40, s26, s9, $0xb8;
	[tilespmem:$0x18480] =	vst v63  }
0xaf: {  	_ =	swait.ge [sflag:s22], $0x2000  }
0xb0: {  	[sflag:s22] =	ssyncset.done $0x0  }
0xb1: {  	[sflag:s22] =	ssyncadd.s32 $0xFFFFE000  }
0xb2: {  	[spmem:s2] =	stream.indirect.scatter.add.f32 [tilespmem:s15], [sflag:$0x2], $0x40, s23, s9, $0xb8;
	[tilespmem:$0x18480] =	vst v63  }
0xb3: {  	_ =	swait.ge [sflag:s29], $0x2000  }
0xb4: {  	[sflag:s29] =	ssyncset.done $0x0  }
0xb5: {  	s30 =	simm.s32 $0x800;
	[sflag:s29] =	ssyncadd.s32 $0xFFFFE000  }
0xb6: {  	[tilespmem:s12], [sflag:$0x1] =	stream.indirect.gather [hbm4b:s4+s9], $0x40, s30, s9, $0xb8;
	[tilespmem:$0x18480] =	vst v63  }
0xb7: {  	_ =	swait.ge [sflag:s22], $0x2000  }
0xb8: {  	[sflag:s22] =	ssyncset.done $0x0  }
0xb9: {  	[sflag:s22] =	ssyncadd.s32 $0xFFFFE000  }
0xba: {  	[spmem:s2] =	stream.indirect.scatter.add.f32 [tilespmem:s17], [sflag:$0x2], $0x40, s23, s9, $0xb8;
	[tilespmem:$0x18480] =	vst v63  }
0xbb: {  	_ =	swait.ge [sflag:s29], $0x2000  }
0xbc: {  	[sflag:s29] =	ssyncset.done $0x0  }
0xbd: {  	s26 =	simm.s32 $0x880;
	[sflag:s29] =	ssyncadd.s32 $0xFFFFE000  }
0xbe: {  	[tilespmem:s13], [sflag:$0x1] =	stream.indirect.gather [hbm4b:s4+s9], $0x40, s26, s9, $0xb8;
	[tilespmem:$0x18480] =	vst v63  }
0xbf: {  	_ =	swait.ge [sflag:s22], $0x2000  }
0xc0: {  	[sflag:s22] =	ssyncset.done $0x0  }
0xc1: {  	[sflag:s22] =	ssyncadd.s32 $0xFFFFE000  }
0xc2: {  	[spmem:s2] =	stream.indirect.scatter.add.f32 [tilespmem:s19], [sflag:$0x2], $0x40, s23, s9, $0xb8;
	[tilespmem:$0x18480] =	vst v63  }
0xc3: {  	_ =	swait.ge [sflag:s29], $0x2000  }
0xc4: {  	[sflag:s29] =	ssyncset.done $0x0  }
0xc5: {  	s30 =	simm.s32 $0x900;
	[sflag:s29] =	ssyncadd.s32 $0xFFFFE000  }
0xc6: {  	[tilespmem:s15], [sflag:$0x1] =	stream.indirect.gather [hbm4b:s4+s9], $0x40, s30, s9, $0xb8;
	[tilespmem:$0x18480] =	vst v63  }
0xc7: {  	_ =	swait.ge [sflag:s22], $0x2000  }
0xc8: {  	[sflag:s22] =	ssyncset.done $0x0  }
0xc9: {  	[sflag:s22] =	ssyncadd.s32 $0xFFFFE000  }
0xca: {  	[spmem:s2] =	stream.indirect.scatter.add.f32 [tilespmem:s21], [sflag:$0x2], $0x40, s23, s9, $0xb8;
	[tilespmem:$0x18480] =	vst v63  }
0xcb: {  	_ =	swait.ge [sflag:s29], $0x2000  }
0xcc: {  	[sflag:s29] =	ssyncset.done $0x0  }
0xcd: {  	s26 =	simm.s32 $0x980;
	[sflag:s29] =	ssyncadd.s32 $0xFFFFE000  }
0xce: {  	[tilespmem:s17], [sflag:$0x1] =	stream.indirect.gather [hbm4b:s4+s9], $0x40, s26, s9, $0xb8;
	[tilespmem:$0x18480] =	vst v63  }
0xcf: {  	_ =	swait.ge [sflag:s22], $0x2000  }
0xd0: {  	[sflag:s22] =	ssyncset.done $0x0  }
0xd1: {  	[sflag:s22] =	ssyncadd.s32 $0xFFFFE000  }
0xd2: {  	[spmem:s2] =	stream.indirect.scatter.add.f32 [tilespmem:s25], [sflag:$0x2], $0x40, s23, s9, $0xb8;
	[tilespmem:$0x18480] =	vst v63  }
0xd3: {  	_ =	swait.ge [sflag:s29], $0x2000  }
0xd4: {  	[sflag:s29] =	ssyncset.done $0x0  }
0xd5: {  	s30 =	simm.s32 $0xA00;
	[sflag:s29] =	ssyncadd.s32 $0xFFFFE000  }
0xd6: {  	[tilespmem:s19], [sflag:$0x1] =	stream.indirect.gather [hbm4b:s4+s9], $0x40, s30, s9, $0xb8;
	[tilespmem:$0x18480] =	vst v63  }
0xd7: {  	_ =	swait.ge [sflag:s22], $0x2000  }
0xd8: {  	[sflag:s22] =	ssyncset.done $0x0  }
0xd9: {  	[sflag:s22] =	ssyncadd.s32 $0xFFFFE000  }
0xda: {  	[spmem:s2] =	stream.indirect.scatter.add.f32 [tilespmem:s28], [sflag:$0x2], $0x40, s23, s9, $0xb8;
	[tilespmem:$0x18480] =	vst v63  }
0xdb: {  	_ =	swait.ge [sflag:s29], $0x2000  }
0xdc: {  	[sflag:s29] =	ssyncset.done $0x0  }
0xdd: {  	s24 =	simm.s32 $0x1000;
	s26 =	simm.s32 $0xA80;
	[sflag:s29] =	ssyncadd.s32 $0xFFFFE000  }
.LBB2_6:
0xde: {  	[tilespmem:s21], [sflag:$0x1] =	stream.indirect.gather [hbm4b:s4+s9], $0x40, s26, s9, $0xb8;
	[tilespmem:$0x18480] =	vst v63  }
0xdf: {  	s26 =	smov.u32 s24  }
0xe0: {  	p0 =	sne.s32 s24, $0x16000;
	s24 =	sadd.s32 $0x1000, s24;
	_ =	swait.ge [sflag:s22], $0x2000  }
0xe1: {  	[sflag:s22] =	ssyncset.done $0x0  }
0xe2: {  	[sflag:s22] =	ssyncadd.s32 $0xFFFFE000  }
0xe3: {  	[spmem:s2] =	stream.indirect.scatter.add.f32 [tilespmem:s12], [sflag:$0x2], $0x40, s23, s9, $0xb8;
	[tilespmem:$0x18480] =	vst v63  }
0xe4: {  	_ =	swait.ge [sflag:s29], $0x2000  }
0xe5: {  	s26 =	sshra.s32 s26, $0x2;
	[sflag:s29] =	ssyncset.done $0x0  }
0xe6: {  	s30 =	sadd.s32 $0x700, s26;
	[sflag:s29] =	ssyncadd.s32 $0xFFFFE000  }
0xe7: {  	[tilespmem:s25], [sflag:$0x1] =	stream.indirect.gather [hbm4b:s4+s9], $0x40, s30, s9, $0xb8;
	[tilespmem:$0x18480] =	vst v63  }
0xe8: {  	_ =	swait.ge [sflag:s22], $0x2000  }
0xe9: {  	[sflag:s22] =	ssyncset.done $0x0  }
0xea: {  	[sflag:s22] =	ssyncadd.s32 $0xFFFFE000  }
0xeb: {  	[spmem:s2] =	stream.indirect.scatter.add.f32 [tilespmem:s13], [sflag:$0x2], $0x40, s23, s9, $0xb8;
	[tilespmem:$0x18480] =	vst v63  }
0xec: {  	_ =	swait.ge [sflag:s29], $0x2000  }
0xed: {  	[sflag:s29] =	ssyncset.done $0x0  }
0xee: {  	s30 =	sadd.s32 $0x780, s26;
	[sflag:s29] =	ssyncadd.s32 $0xFFFFE000  }
0xef: {  	[tilespmem:s28], [sflag:$0x1] =	stream.indirect.gather [hbm4b:s4+s9], $0x40, s30, s9, $0xb8;
	[tilespmem:$0x18480] =	vst v63  }
0xf0: {  	_ =	swait.ge [sflag:s22], $0x2000  }
0xf1: {  	[sflag:s22] =	ssyncset.done $0x0  }
0xf2: {  	[sflag:s22] =	ssyncadd.s32 $0xFFFFE000  }
0xf3: {  	[spmem:s2] =	stream.indirect.scatter.add.f32 [tilespmem:s15], [sflag:$0x2], $0x40, s23, s9, $0xb8;
	[tilespmem:$0x18480] =	vst v63  }
0xf4: {  	_ =	swait.ge [sflag:s29], $0x2000  }
0xf5: {  	[sflag:s29] =	ssyncset.done $0x0  }
0xf6: {  	s30 =	sadd.s32 $0x800, s26;
	[sflag:s29] =	ssyncadd.s32 $0xFFFFE000  }
0xf7: {  	[tilespmem:s12], [sflag:$0x1] =	stream.indirect.gather [hbm4b:s4+s9], $0x40, s30, s9, $0xb8;
	[tilespmem:$0x18480] =	vst v63  }
0xf8: {  	_ =	swait.ge [sflag:s22], $0x2000  }
0xf9: {  	[sflag:s22] =	ssyncset.done $0x0  }
0xfa: {  	[sflag:s22] =	ssyncadd.s32 $0xFFFFE000  }
0xfb: {  	[spmem:s2] =	stream.indirect.scatter.add.f32 [tilespmem:s17], [sflag:$0x2], $0x40, s23, s9, $0xb8;
	[tilespmem:$0x18480] =	vst v63  }
0xfc: {  	_ =	swait.ge [sflag:s29], $0x2000  }
0xfd: {  	[sflag:s29] =	ssyncset.done $0x0  }
0xfe: {  	s30 =	sadd.s32 $0x880, s26;
	[sflag:s29] =	ssyncadd.s32 $0xFFFFE000  }
0xff: {  	[tilespmem:s13], [sflag:$0x1] =	stream.indirect.gather [hbm4b:s4+s9], $0x40, s30, s9, $0xb8;
	[tilespmem:$0x18480] =	vst v63  }
0x100: {  	_ =	swait.ge [sflag:s22], $0x2000  }
0x101: {  	[sflag:s22] =	ssyncset.done $0x0  }
0x102: {  	[sflag:s22] =	ssyncadd.s32 $0xFFFFE000  }
0x103: {  	[spmem:s2] =	stream.indirect.scatter.add.f32 [tilespmem:s19], [sflag:$0x2], $0x40, s23, s9, $0xb8;
	[tilespmem:$0x18480] =	vst v63  }
0x104: {  	_ =	swait.ge [sflag:s29], $0x2000  }
0x105: {  	[sflag:s29] =	ssyncset.done $0x0  }
0x106: {  	s30 =	sadd.s32 $0x900, s26;
	[sflag:s29] =	ssyncadd.s32 $0xFFFFE000  }
0x107: {  	[tilespmem:s15], [sflag:$0x1] =	stream.indirect.gather [hbm4b:s4+s9], $0x40, s30, s9, $0xb8;
	[tilespmem:$0x18480] =	vst v63  }
0x108: {  	_ =	swait.ge [sflag:s22], $0x2000  }
0x109: {  	[sflag:s22] =	ssyncset.done $0x0  }
0x10a: {  	[sflag:s22] =	ssyncadd.s32 $0xFFFFE000  }
0x10b: {  	[spmem:s2] =	stream.indirect.scatter.add.f32 [tilespmem:s21], [sflag:$0x2], $0x40, s23, s9, $0xb8;
	[tilespmem:$0x18480] =	vst v63  }
0x10c: {  	_ =	swait.ge [sflag:s29], $0x2000  }
0x10d: {  	[sflag:s29] =	ssyncset.done $0x0  }
0x10e: {  	s30 =	sadd.s32 $0x980, s26;
	[sflag:s29] =	ssyncadd.s32 $0xFFFFE000  }
0x10f: {  	[tilespmem:s17], [sflag:$0x1] =	stream.indirect.gather [hbm4b:s4+s9], $0x40, s30, s9, $0xb8;
	[tilespmem:$0x18480] =	vst v63  }
0x110: {  	_ =	swait.ge [sflag:s22], $0x2000  }
0x111: {  	[sflag:s22] =	ssyncset.done $0x0  }
0x112: {  	[sflag:s22] =	ssyncadd.s32 $0xFFFFE000  }
0x113: {  	[spmem:s2] =	stream.indirect.scatter.add.f32 [tilespmem:s25], [sflag:$0x2], $0x40, s23, s9, $0xb8;
	[tilespmem:$0x18480] =	vst v63  }
0x114: {  	_ =	swait.ge [sflag:s29], $0x2000  }
0x115: {  	[sflag:s29] =	ssyncset.done $0x0  }
0x116: {  	s30 =	sadd.s32 $0xA00, s26;
	[sflag:s29] =	ssyncadd.s32 $0xFFFFE000  }
0x117: {  	[tilespmem:s19], [sflag:$0x1] =	stream.indirect.gather [hbm4b:s4+s9], $0x40, s30, s9, $0xb8;
	[tilespmem:$0x18480] =	vst v63  }
0x118: {  	_ =	swait.ge [sflag:s22], $0x2000  }
0x119: {  	[sflag:s22] =	ssyncset.done $0x0  }
.Ltmp2:
0x11a: {  	[sflag:s22] =	ssyncadd.s32 $0xFFFFE000;
	(pc) =	sbr.rel @p0 .LBB2_6-.Ltmp2, $4  }
0x11b: {  	[spmem:s2] =	stream.indirect.scatter.add.f32 [tilespmem:s28], [sflag:$0x2], $0x40, s23, s9, $0xb8;
	[tilespmem:$0x18480] =	vst v63  }
0x11c: {  	_ =	swait.ge [sflag:s29], $0x2000  }
0x11d: {  	[sflag:s29] =	ssyncset.done $0x0  }
0x11e: {  	s26 =	sadd.s32 $0xA80, s26;
	[sflag:s29] =	ssyncadd.s32 $0xFFFFE000  }
0x11f: {  	[tilespmem:s21], [sflag:$0x1] =	stream.indirect.gather [hbm4b:s4+s9], $0x40, s26, s9, $0xb8;
	[tilespmem:$0x18480] =	vst v63  }
0x120: {  	_ =	swait.ge [sflag:s22], $0x2000  }
0x121: {  	[sflag:s22] =	ssyncset.done $0x0  }
0x122: {  	[sflag:s22] =	ssyncadd.s32 $0xFFFFE000  }
0x123: {  	[spmem:s2] =	stream.indirect.scatter.add.f32 [tilespmem:s12], [sflag:$0x2], $0x40, s23, s9, $0xb8;
	[tilespmem:$0x18480] =	vst v63  }
0x124: {  	_ =	swait.ge [sflag:s29], $0x2000  }
0x125: {  	[sflag:s29] =	ssyncset.done $0x0  }
0x126: {  	[sflag:s29] =	ssyncadd.s32 $0xFFFFE000  }
0x127: {  	[tilespmem:s25], [sflag:$0x1] =	stream.indirect.gather [hbm4b:s4+s9], $0x40, s16, s9, $0xb8;
	[tilespmem:$0x18480] =	vst v63  }
0x128: {  	_ =	swait.ge [sflag:s22], $0x2000  }
0x129: {  	[sflag:s22] =	ssyncset.done $0x0  }
0x12a: {  	[sflag:s22] =	ssyncadd.s32 $0xFFFFE000  }
0x12b: {  	[spmem:s2] =	stream.indirect.scatter.add.f32 [tilespmem:s13], [sflag:$0x2], $0x40, s23, s9, $0xb8;
	[tilespmem:$0x18480] =	vst v63  }
0x12c: {  	_ =	swait.ge [sflag:s29], $0x2000  }
0x12d: {  	[sflag:s29] =	ssyncset.done $0x0  }
0x12e: {  	[sflag:s29] =	ssyncadd.s32 $0xFFFFE000  }
0x12f: {  	[tilespmem:s28], [sflag:$0x1] =	stream.indirect.gather [hbm4b:s4+s9], $0x40, s18, s9, $0xb8;
	[tilespmem:$0x18480] =	vst v63  }
0x130: {  	_ =	swait.ge [sflag:s22], $0x2000  }
0x131: {  	[sflag:s22] =	ssyncset.done $0x0  }
0x132: {  	[sflag:s22] =	ssyncadd.s32 $0xFFFFE000  }
0x133: {  	[spmem:s2] =	stream.indirect.scatter.add.f32 [tilespmem:s15], [sflag:$0x2], $0x40, s23, s9, $0xb8;
	[tilespmem:$0x18480] =	vst v63  }
0x134: {  	_ =	swait.ge [sflag:s29], $0x2000  }
0x135: {  	[sflag:s29] =	ssyncset.done $0x0  }
0x136: {  	[sflag:s29] =	ssyncadd.s32 $0xFFFFE000  }
0x137: {  	_ =	swait.ge [sflag:s22], $0x2000  }
0x138: {  	[sflag:s22] =	ssyncset.done $0x0  }
0x139: {  	[sflag:s22] =	ssyncadd.s32 $0xFFFFE000  }
0x13a: {  	[spmem:s2] =	stream.indirect.scatter.add.f32 [tilespmem:s17], [sflag:$0x2], $0x40, s23, s9, $0xb8;
	[tilespmem:$0x18480] =	vst v63  }
0x13b: {  	_ =	swait.ge [sflag:s29], $0x2000  }
0x13c: {  	[sflag:s29] =	ssyncset.done $0x0  }
0x13d: {  	[sflag:s29] =	ssyncadd.s32 $0xFFFFE000  }
0x13e: {  	_ =	swait.ge [sflag:s22], $0x2000  }
0x13f: {  	[sflag:s22] =	ssyncset.done $0x0  }
0x140: {  	[sflag:s22] =	ssyncadd.s32 $0xFFFFE000  }
0x141: {  	[spmem:s2] =	stream.indirect.scatter.add.f32 [tilespmem:s19], [sflag:$0x2], $0x40, s23, s9, $0xb8;
	[tilespmem:$0x18480] =	vst v63  }
0x142: {  	_ =	swait.ge [sflag:s29], $0x2000  }
0x143: {  	[sflag:s29] =	ssyncset.done $0x0  }
0x144: {  	[sflag:s29] =	ssyncadd.s32 $0xFFFFE000  }
0x145: {  	_ =	swait.ge [sflag:s22], $0x2000  }
0x146: {  	[sflag:s22] =	ssyncset.done $0x0  }
0x147: {  	[sflag:s22] =	ssyncadd.s32 $0xFFFFE000  }
0x148: {  	[spmem:s2] =	stream.indirect.scatter.add.f32 [tilespmem:s21], [sflag:$0x2], $0x40, s23, s9, $0xb8;
	[tilespmem:$0x18480] =	vst v63  }
0x149: {  	_ =	swait.ge [sflag:s29], $0x2000  }
0x14a: {  	[sflag:s29] =	ssyncset.done $0x0  }
0x14b: {  	[sflag:s29] =	ssyncadd.s32 $0xFFFFE000  }
0x14c: {  	_ =	swait.ge [sflag:s22], $0x2000  }
0x14d: {  	[sflag:s22] =	ssyncset.done $0x0  }
0x14e: {  	[sflag:s22] =	ssyncadd.s32 $0xFFFFE000  }
0x14f: {  	[spmem:s2] =	stream.indirect.scatter.add.f32 [tilespmem:s25], [sflag:$0x2], $0x40, s23, s9, $0xb8;
	[tilespmem:$0x18480] =	vst v63  }
0x150: {  	_ =	swait.ge [sflag:s29], $0x2000  }
0x151: {  	[sflag:s29] =	ssyncset.done $0x0  }
0x152: {  	[sflag:s29] =	ssyncadd.s32 $0xFFFFE000  }
0x153: {  	_ =	swait.ge [sflag:s22], $0x2000  }
0x154: {  	[sflag:s22] =	ssyncset.done $0x0  }
0x155: {  	[sflag:s22] =	ssyncadd.s32 $0xFFFFE000  }
0x156: {  	[spmem:s2] =	stream.indirect.scatter.add.f32 [tilespmem:s28], [sflag:$0x2], $0x40, s23, s9, $0xb8;
	[tilespmem:$0x18480] =	vst v63  }
0x157: {  	_ =	swait.ge [sflag:s29], $0x2000  }
0x158: {  	[sflag:s29] =	ssyncset.done $0x0  }
0x159: {  	[sflag:s29] =	ssyncadd.s32 $0xFFFFE000  }
0x15a: {  	_ =	swait.ge [sflag:s29], $0x2000  }
0x15b: {  	[sflag:s29] =	ssyncset.done $0x0  }
0x15c: {  	[sflag:s29] =	ssyncadd.s32 $0xFFFFE000  }
0x15d: {  	s24 =	sshll.u32 s0, $0x6;
	s20 =	sadd.s32 $0x1, s20;
	_ =	swait.ge [sflag:s29], $0x2000  }
0x15e: {  	s30 =	sshrl.u32 s6, $0x3;
	p0 =	sne.s32 s20, s8;
	[sflag:s29] =	ssyncset.done $0x0  }
.Ltmp3:
0x15f: {  	s24 =	sor.u32 $0x1C03, s24;
	[sflag:s29] =	ssyncadd.s32 $0xFFFFE000;
	(pc) =	sbr.rel @p0 .LBB2_1-.Ltmp3, $4  }
0x160: {  	[hbm:s7], [sflag:s24] =	dma.local [spmem:s30], $0x400  }
0x161: {  	_ =	swait.ge [sflag:s11], $0x400  }
0x162: {  	[sflag:s11] =	ssyncset.done $0x0  }
0x163: {  	[sflag:s11] =	ssyncadd.s32 $0xFFFFFC00  }
0x164: {  	_ =	sfence.sel $0x180000  }
0x165: {  	[bflag:$0x0] =	sbarrier.arrive $0xFFFF  }
0x166: {  	_ =	strace $0x90000047  }
0x167: {  	[bflag:$0x2] =	sbarrier.arrive $0xFFFF  }
0x168: {  	p0 =	sne.s32 s0, $0x0;
	s0 =	rddreg [dreg:$0x2]  }
0x169: {  	s0 =	sadd.s32 @!p0 $0x100000, s0  }
0x16a: {  	[sflag:s0] =	ssyncadd.tile.s32 @!p0 $0x1;
	_ =	shalt  }
.Lfunc_end2:
_tile_overlayer_lowered:
.L_overlay_start_2:
0x16b: {  	(tag) =	ssettag $0x2  }
0x16c: {  	s0 =	rddreg [dreg:$0x0];
	s2 =	stileid.u32  }
0x16d: {  	s1 =	rddreg [dreg:$0x1];
	p0 =	sne.s32 s2, $0x0  }
0x16e: {  	s3 =	rddreg [dreg:$0x2];
	[bflag:$0x3] =	sbarrier.arrive $0xFFFF;
	s2 =	simm.s32 @!p0 $0x1C03  }
0x16f: {  	[timem:s3], [sflag:s2] =	dma.local @!p0 [hbm:s0], s1  }
0x170: {  	s0 =	simm.s32 @!p0 $0x3  }
0x171: {  	_ =	swait.ge @!p0 [sflag:s0], s1  }
0x172: {  	s1 =	ssub.s32 @!p0 $0x0, s1;
	[sflag:s0] =	ssyncset.done @!p0 $0x0  }
0x173: {  	[sflag:s0] =	ssyncadd.s32 @!p0 s1  }
0x174: {  	[bflag:$0x3] =	sbarrier.arrive $0xFFFF  }
0x175: {  	_ =	shalt  }

</sc_bundles>
